<compile_context>
chip_gen: v7x
topology: tpu7x:2x2x1
jax: 0.10.2.dev20260603
libtpu: 0.0.44.dev20260713+nightly
codegen_flags: <defaults>
</compile_context>

<pallas_src>
import functools

import jax
import jax.numpy as jnp
from jax import lax
from jax.experimental import pallas as pl
from jax.experimental.pallas import tpu as pltpu
from jax.experimental.pallas import tpu_sc as plsc

E = 8
TOP_K = 4
_NN = (((1,), (0,)), ((), ()))


def _pack_bf16(xb):
    Dp = xb.shape[1] // 2
    lo = lax.bitcast_convert_type(xb[:, :Dp], jnp.uint16).astype(jnp.uint32)
    hi = lax.bitcast_convert_type(xb[:, Dp:], jnp.uint16).astype(jnp.uint32)
    return lax.bitcast_convert_type(lo | (hi << 16), jnp.int32)


def _unpack_bf16(w):
    wu = lax.bitcast_convert_type(w, jnp.uint32)
    lo = lax.bitcast_convert_type((wu & 0xFFFF).astype(jnp.uint16),
                                  jnp.bfloat16)
    hi = lax.bitcast_convert_type((wu >> 16).astype(jnp.uint16),
                                  jnp.bfloat16)
    return jnp.concatenate([lo, hi], axis=1)



def _route_body(x_ref, wgt_ref, bias_ref, tri_ref, xp_ref, w4_ref, e4_ref,
                rk4_ref, counts_ref, carry_ref, *, T):
    tb = pl.program_id(0)
    xb = x_ref[...].astype(jnp.bfloat16)
    xp_ref[...] = _pack_bf16(xb)
    g = lax.dot_general(xb, wgt_ref[...], _NN,
                        preferred_element_type=jnp.float32) + bias_ref[...]
    lane = lax.broadcasted_iota(jnp.int32, (T, E), 1)
    cnt = jnp.zeros((T, E), jnp.int32)
    for jj in range(E):
        gj = g[:, jj:jj + 1]
        above = (gj > g) | ((gj == g) & (jj < lane))
        cnt = cnt + above.astype(jnp.int32)
    sel = cnt < TOP_K
    m = jnp.max(g, axis=1, keepdims=True)
    p = jnp.where(sel, jnp.exp(g - m), 0.0)
    coef = p / jnp.sum(p, axis=1, keepdims=True)

    seli = sel.astype(jnp.int32)
    csum = lax.dot_general(tri_ref[...], sel.astype(jnp.bfloat16),
                           _NN, preferred_element_type=jnp.float32
                           ).astype(jnp.int32)
    @pl.when(tb == 0)
    def _():
        carry_ref[...] = jnp.zeros((1, E), jnp.int32)
    carry = carry_ref[...]
    rk = csum - seli + carry
    @pl.when(tb == 0)
    def _():
        counts_ref[...] = jnp.zeros((1, E), jnp.int32)
    counts_ref[...] += csum[T - 1:T, :]
    carry_ref[...] = carry + csum[T - 1:T, :]

    w4s, e4s, rk4s = [], [], []
    for s in range(TOP_K):
        oh = cnt == s
        e4s.append(jnp.sum(jnp.where(oh, lane, 0), axis=1, keepdims=True))
        w4s.append(jnp.sum(jnp.where(oh, coef, 0.0), axis=1, keepdims=True))
        rk4s.append(jnp.sum(jnp.where(oh, rk, 0), axis=1, keepdims=True))
    w4_ref[...] = jnp.concatenate(w4s, axis=1)
    e4_ref[...] = jnp.concatenate(e4s, axis=1)
    rk4_ref[...] = jnp.concatenate(rk4s, axis=1)


def _routing(xf, Wg, bias):
    N, D = xf.shape
    T = min(1024, N)
    return pl.pallas_call(
        functools.partial(_route_body, T=T),
        grid=(N // T,),
        in_specs=[
            pl.BlockSpec((T, D), lambda tb: (tb, 0)),
            pl.BlockSpec((D, E), lambda tb: (0, 0)),
            pl.BlockSpec((1, E), lambda tb: (0, 0)),
            pl.BlockSpec((T, T), lambda tb: (0, 0)),
        ],
        out_specs=[
            pl.BlockSpec((T, D // 2), lambda tb: (tb, 0)),
            pl.BlockSpec((T, TOP_K), lambda tb: (tb, 0)),
            pl.BlockSpec((T, TOP_K), lambda tb: (tb, 0)),
            pl.BlockSpec((T, TOP_K), lambda tb: (tb, 0)),
            pl.BlockSpec((1, E), lambda tb: (0, 0)),
        ],
        out_shape=[
            jax.ShapeDtypeStruct((N, D // 2), jnp.int32),
            jax.ShapeDtypeStruct((N, TOP_K), jnp.float32),
            jax.ShapeDtypeStruct((N, TOP_K), jnp.int32),
            jax.ShapeDtypeStruct((N, TOP_K), jnp.int32),
            jax.ShapeDtypeStruct((1, E), jnp.int32),
        ],
        scratch_shapes=[pltpu.VMEM((1, E), jnp.int32)],
        compiler_params=pltpu.CompilerParams(
            dimension_semantics=("arbitrary",)),
    )(xf, Wg.T.astype(jnp.bfloat16), bias.reshape(1, E).astype(jnp.float32),
      jnp.tril(jnp.ones((T, T), jnp.bfloat16)))



def _sc_gather(R, C, dtype):
    mesh = plsc.VectorSubcoreMesh(core_axis_name="c", subcore_axis_name="s")
    rows_per_w = R // 32
    CH = 128
    n_ch = rows_per_w // CH

    @functools.partial(
        pl.kernel, mesh=mesh,
        out_type=jax.ShapeDtypeStruct((R, C), dtype),
        scratch_types=[
            pltpu.VMEM((CH,), jnp.int32),
            pltpu.VMEM((CH, C), dtype),
            pltpu.SemaphoreType.DMA,
        ],
    )
    def gather_k(table_hbm, idx_hbm, out_hbm, idx_v, rows_v, sem):
        wid = lax.axis_index("s") * 2 + lax.axis_index("c")
        base = wid * rows_per_w

        def chunk(g, carry):
            off = base + g * CH
            pltpu.sync_copy(idx_hbm.at[pl.ds(off, CH)], idx_v)
            pltpu.async_copy(table_hbm.at[idx_v], rows_v, sem).wait()
            pltpu.sync_copy(rows_v, out_hbm.at[pl.ds(off, CH)])
            return carry

        lax.fori_loop(0, n_ch, chunk, 0)

    return gather_k


def _sc_dispatch(N, C, RP):
    mesh = plsc.VectorSubcoreMesh(core_axis_name="c", subcore_axis_name="s")
    tok_per_w = N // 32
    CH = 128
    n_ch = tok_per_w // CH

    @functools.partial(
        pl.kernel, mesh=mesh,
        out_type=jax.ShapeDtypeStruct((RP, C), jnp.int32),
        scratch_types=[
            pltpu.VMEM((n_ch * TOP_K, CH), jnp.int32),
            pltpu.VMEM((n_ch, CH, C), jnp.int32),
            pltpu.SemaphoreType.DMA,
        ],
    )
    def disp_k(xp_hbm, inv_hbm, out_hbm, idx_v, rows_v, sem):
        wid = lax.axis_index("s") * 2 + lax.axis_index("c")
        base = wid * tok_per_w
        for g in range(n_ch):
            pltpu.sync_copy(xp_hbm.at[pl.ds(base + g * CH, CH)], rows_v.at[g])
        copies = []
        for g in range(n_ch):
            for s in range(TOP_K):
                j = g * TOP_K + s
                pltpu.sync_copy(inv_hbm.at[pl.ds(s * N + base + g * CH, CH)],
                                idx_v.at[j])
                copies.append(
                    pltpu.async_copy(rows_v.at[g], out_hbm.at[idx_v.at[j]],
                                     sem))
        for c in copies:
            c.wait()

    return disp_k



def _group_body(be_ref, xs_ref, w1_ref, w2_ref, w3_ref, y_ref):
    xb = _unpack_bf16(xs_ref[...])
    h = lax.dot_general(xb, w1_ref[0], _NN, preferred_element_type=jnp.float32)
    h = h * jax.nn.sigmoid(h)
    v = lax.dot_general(xb, w2_ref[0], _NN, preferred_element_type=jnp.float32)
    hv = (h * v).astype(jnp.bfloat16)
    y = lax.dot_general(hv, w3_ref[0], _NN,
                        preferred_element_type=jnp.float32).astype(jnp.bfloat16)
    y_ref[...] = _pack_bf16(y)


def _grouped(xs_pack, block_expert, W1T, W2T, W3T, BT, NBLK):
    _, Dp = xs_pack.shape
    _, D, H = W1T.shape
    grid_spec = pltpu.PrefetchScalarGridSpec(
        num_scalar_prefetch=1,
        grid=(NBLK,),
        in_specs=[
            pl.BlockSpec((BT, Dp), lambda i, be: (i, 0)),
            pl.BlockSpec((1, D, H), lambda i, be: (be[i], 0, 0)),
            pl.BlockSpec((1, D, H), lambda i, be: (be[i], 0, 0)),
            pl.BlockSpec((1, H, D), lambda i, be: (be[i], 0, 0)),
        ],
        out_specs=pl.BlockSpec((BT, Dp), lambda i, be: (i, 0)),
    )
    return pl.pallas_call(
        _group_body,
        grid_spec=grid_spec,
        out_shape=jax.ShapeDtypeStruct((NBLK * BT, Dp), jnp.int32),
        compiler_params=pltpu.CompilerParams(
            dimension_semantics=("parallel",)),
    )(block_expert, xs_pack, W1T, W2T, W3T)



def _comb_body(x_ref, wsa_ref, wsb_ref, wsc_ref, yg_ref, w4_ref, out_ref):
    xb = x_ref[...].astype(jnp.bfloat16)
    h = lax.dot_general(xb, wsa_ref[...], _NN,
                        preferred_element_type=jnp.float32)
    h = h * jax.nn.sigmoid(h)
    v = lax.dot_general(xb, wsb_ref[...], _NN,
                        preferred_element_type=jnp.float32)
    hv = (h * v).astype(jnp.bfloat16)
    acc = lax.dot_general(hv, wsc_ref[...], _NN,
                          preferred_element_type=jnp.float32)
    for s in range(TOP_K):
        ys = _unpack_bf16(yg_ref[s])
        c = w4_ref[:, s:s + 1]
        acc = acc + jnp.where(c > 0.0, ys.astype(jnp.float32) * c, 0.0)
    out_ref[...] = acc


def _combine(xf, WsaT, WsbT, WscT, yg, w4):
    N, D = xf.shape
    _, H = WsaT.shape
    T = min(512, N)
    return pl.pallas_call(
        _comb_body,
        grid=(N // T,),
        in_specs=[
            pl.BlockSpec((T, D), lambda tb: (tb, 0)),
            pl.BlockSpec((D, H), lambda tb: (0, 0)),
            pl.BlockSpec((D, H), lambda tb: (0, 0)),
            pl.BlockSpec((H, D), lambda tb: (0, 0)),
            pl.BlockSpec((TOP_K, T, D // 2), lambda tb: (0, tb, 0)),
            pl.BlockSpec((T, TOP_K), lambda tb: (tb, 0)),
        ],
        out_specs=pl.BlockSpec((T, D), lambda tb: (tb, 0)),
        out_shape=jax.ShapeDtypeStruct((N, D), jnp.float32),
    )(xf, WsaT, WsbT, WscT, yg, w4)



def kernel(x, Wg, W1, W2, W3, Ws1, Ws2, Ws3, routing_bias):
    B, S, D = x.shape
    _, H, _ = W1.shape
    N = B * S
    BT = 512
    NBLK = (TOP_K * N) // BT + E
    RP = NBLK * BT
    xf = x.reshape(N, D)

    x_pack, w4, e4, rk4, counts = _routing(xf, Wg, routing_bias)

    counts = counts.reshape(E)
    nblk = (counts + BT - 1) // BT
    cumnb = jnp.cumsum(nblk)
    pad_off = (cumnb - nblk) * BT
    inv4 = pad_off[e4] + rk4
    flat_inv = inv4.T.reshape(-1)
    bid = jnp.arange(NBLK)
    block_expert = jnp.minimum(
        (bid[:, None] >= cumnb[None, :]).sum(1), E - 1).astype(jnp.int32)

    W1T = W1.swapaxes(1, 2).astype(jnp.bfloat16)
    W2T = W2.swapaxes(1, 2).astype(jnp.bfloat16)
    W3T = W3.swapaxes(1, 2).astype(jnp.bfloat16)
    WsaT = Ws1.T.astype(jnp.bfloat16)
    WsbT = Ws2.T.astype(jnp.bfloat16)
    WscT = Ws3.T.astype(jnp.bfloat16)

    Dp = D // 2
    xs_pack = _sc_dispatch(N, Dp, RP)(x_pack, flat_inv)

    y_pack = _grouped(xs_pack, block_expert, W1T, W2T, W3T, BT, NBLK)

    yg_pack = _sc_gather(TOP_K * N, Dp, jnp.int32)(y_pack, flat_inv)

    out = _combine(xf, WsaT, WsbT, WscT,
                   yg_pack.reshape(TOP_K, N, Dp), w4)
    return out.reshape(B, S, D)

# --- scband reference (transcript-rebuilt; emitter-appended) ---
"""Pipeline reference for scband-moe-layer-78297253806415 (READ-ONLY COPY).

The authoritative reference and input builder live on the scoring server;
editing this copy changes nothing except your own understanding.
"""

import jax, jax.numpy as jnp
import numpy as np

E = 8
TOP_K = 4
D = 768
H = D * 2 * 4 // 3  # 2048
B, S = 4, 2048


def _swish(x):
    return x * jax.nn.sigmoid(x)


def _expert(x, W1, W2, W3):
    # SWiGLUExpertMoE: linear1 -> swish, linear2, elementwise mul, linear3
    h = _swish(x @ W1.T)
    v = x @ W2.T
    return (h * v) @ W3.T


def setup_inputs(seed: int = 0) -> dict:
    key = jax.random.key(seed)
    ks = jax.random.split(key, 9)
    x = jax.random.normal(ks[0], (B, S, D), dtype=jnp.float32)
    Wg = jax.random.normal(ks[1], (E, D), dtype=jnp.float32) * 0.02
    W1 = jax.random.normal(ks[2], (E, H, D), dtype=jnp.float32) * 0.02
    W2 = jax.random.normal(ks[3], (E, H, D), dtype=jnp.float32) * 0.02
    W3 = jax.random.normal(ks[4], (E, D, H), dtype=jnp.float32) * 0.02
    Ws1 = jax.random.normal(ks[5], (H, D), dtype=jnp.float32) * 0.02
    Ws2 = jax.random.normal(ks[6], (H, D), dtype=jnp.float32) * 0.02
    Ws3 = jax.random.normal(ks[7], (D, H), dtype=jnp.float32) * 0.02
    routing_bias = jnp.zeros((E,), dtype=jnp.float32)
    return {"x": x, "Wg": Wg, "W1": W1, "W2": W2, "W3": W3,
            "Ws1": Ws1, "Ws2": Ws2, "Ws3": Ws3, "routing_bias": routing_bias}


def reference(x, Wg, W1, W2, W3, Ws1, Ws2, Ws3, routing_bias):
    # gate + aux-free routing bias
    gate_out = x @ Wg.T + routing_bias  # [B, S, E]
    top_k_values, top_k_indices = jax.lax.top_k(gate_out, TOP_K)
    # scatter 1.0 at top-k indices
    mask = jax.nn.one_hot(top_k_indices, E, dtype=gate_out.dtype).sum(axis=-2)  # [B, S, E]
    masked_gate = jnp.where(mask == 0, -jnp.inf, gate_out)
    probs = jax.nn.softmax(masked_gate, axis=-1)
    expert_weights = probs * mask  # zero outside top-k (probs already 0 there)
    # shared expert applied to all tokens
    out = _expert(x, Ws1, Ws2, Ws3)
    # per-expert weighted contribution; dense-equivalent of the token-gather loop
    # (non-selected tokens have weight 0, matching the masked scatter in torch)
    for e in range(E):
        out = out + _expert(x, W1[e], W2[e], W3[e]) * expert_weights[..., e:e + 1]
    return out

if __name__ == "__main__":
    import jax
    _d = setup_inputs()
    print(jax.jit(kernel)(*tuple(_d.values())))

</pallas_src>

<mosaic_0001>
#map = affine_map<(d0, d1) -> (0, 0)>
#map1 = affine_map<(d0, d1) -> (0)>
module attributes {stable_mosaic.version = 14 : i64} {
  func.func @gather_k(%arg0: i32, %arg1: i32, %arg2: memref<36864x384xi32, #tpu.memory_space<hbm>>, %arg3: memref<32768xi32, #tpu.memory_space<hbm>>, %arg4: memref<32768x384xi32, #tpu.memory_space<hbm>>, %arg5: memref<128xi32, #tpu.memory_space<vmem>>, %arg6: memref<128x384xi32, #tpu.memory_space<vmem>>, %arg7: memref<!tpu.dma_semaphore, #tpu.memory_space<semaphore_mem>>) attributes {dimension_semantics = [#tpu.dimension_semantics<core_parallel>, #tpu.dimension_semantics<subcore_parallel>], iteration_bounds = array<i64: 2, 16>, scalar_prefetch = 0 : i64, scratch_operands = 3 : i64, tpu.core_type = #tpu.core_type<sc_vector_subcore>, window_params = [{transform_indices = #map}, {transform_indices = #map1}, {transform_indices = #map}]} {
    %mul3A = arith.constant 2 : i32
    %mul3A_0 = arith.muli %arg1, %mul3A : i32
    %add3A = arith.addi %mul3A_0, %arg0 : i32
    %mul3A_1 = arith.constant 1024 : i32
    %mul3A_2 = arith.muli %add3A, %mul3A_1 : i32
    %scan3A = arith.constant 0 : i32
    %scan3A_3 = arith.constant 0 : i32
    %scan3A_4 = arith.constant 8 : i32
    %scan3A_5 = arith.addi %scan3A_3, %scan3A_4 : i32
    %scan3A_6 = arith.constant 1 : i32
    scf.for %scan3A_8 = %scan3A_3 to %scan3A_5 step %scan3A_6  : i32 {
      %mul3A_9 = arith.constant 128 : i32
      %mul3A_10 = arith.muli %scan3A_8, %mul3A_9 : i32
      %add3A_11 = arith.addi %mul3A_2, %mul3A_10 : i32
      "tpu.region"() ({
        %run_scoped3A = tpu.sem_alloc : memref<!tpu.dma_semaphore, #tpu.memory_space<semaphore_mem>>
        %dma_start3A_16 = tpu.memref_slice %arg3[%add3A_11] : memref<32768xi32, #tpu.memory_space<hbm>> -> memref<128xi32, #tpu.memory_space<hbm>>
        %dma_start3A_17 = tpu.memref_slice %arg3[%add3A_11] : memref<32768xi32, #tpu.memory_space<hbm>> -> memref<128xi32, #tpu.memory_space<hbm>>
        tpu.enqueue_dma source(%dma_start3A_17 : memref<128xi32, #tpu.memory_space<hbm>>) target(%arg5 : memref<128xi32, #tpu.memory_space<vmem>>) target_semaphore(%run_scoped3A : memref<!tpu.dma_semaphore, #tpu.memory_space<semaphore_mem>>)
        %dma_wait3A_18 = tpu.memref_slice %arg3[%add3A_11] : memref<32768xi32, #tpu.memory_space<hbm>> -> memref<128xi32, #tpu.memory_space<hbm>>
        %dma_wait3A_19 = tpu.memref_slice %arg3[%add3A_11] : memref<32768xi32, #tpu.memory_space<hbm>> -> memref<128xi32, #tpu.memory_space<hbm>>
        tpu.wait_dma2 semaphore(%run_scoped3A : memref<!tpu.dma_semaphore, #tpu.memory_space<semaphore_mem>>) src(%dma_wait3A_19 : memref<128xi32, #tpu.memory_space<hbm>>) dst(%arg5 : memref<128xi32, #tpu.memory_space<vmem>>)
        tpu.yield
      }) : () -> ()
      %dma_start3A = arith.constant 0 : i32
      %dma_start3A_12 = arith.constant 0 : i32
      %dma_start3A_13 = tpu.memref_slice %arg2[%dma_start3A, %dma_start3A_12] : memref<36864x384xi32, #tpu.memory_space<hbm>> -> memref<36864x384xi32, #tpu.memory_space<hbm>>
      tpu.enqueue_indirect_dma source(%dma_start3A_13 : memref<36864x384xi32, #tpu.memory_space<hbm>>) target(%arg6 : memref<128x384xi32, #tpu.memory_space<vmem>>) offsets(%arg5 : memref<128xi32, #tpu.memory_space<vmem>>) semaphore(%arg7 : memref<!tpu.dma_semaphore, #tpu.memory_space<semaphore_mem>>)
      %dma_wait3A = arith.constant 0 : i32
      %dma_wait3A_14 = arith.constant 0 : i32
      %dma_wait3A_15 = tpu.memref_slice %arg2[%dma_wait3A, %dma_wait3A_14] : memref<36864x384xi32, #tpu.memory_space<hbm>> -> memref<36864x384xi32, #tpu.memory_space<hbm>>
      tpu.wait_indirect_dma semaphore(%arg7 : memref<!tpu.dma_semaphore, #tpu.memory_space<semaphore_mem>>) src(%dma_wait3A_15 : memref<36864x384xi32, #tpu.memory_space<hbm>>) dst(%arg6 : memref<128x384xi32, #tpu.memory_space<vmem>>)
      "tpu.region"() ({
        %run_scoped3A = tpu.sem_alloc : memref<!tpu.dma_semaphore, #tpu.memory_space<semaphore_mem>>
        %dma_start3A_16 = arith.constant 0 : i32
        %dma_start3A_17 = tpu.memref_slice %arg4[%add3A_11, %dma_start3A_16] : memref<32768x384xi32, #tpu.memory_space<hbm>> -> memref<128x384xi32, #tpu.memory_space<hbm>>
        %dma_start3A_18 = arith.constant 0 : i32
        %dma_start3A_19 = tpu.memref_slice %arg4[%add3A_11, %dma_start3A_18] : memref<32768x384xi32, #tpu.memory_space<hbm>> -> memref<128x384xi32, #tpu.memory_space<hbm>>
        tpu.enqueue_dma source(%arg6 : memref<128x384xi32, #tpu.memory_space<vmem>>) target(%dma_start3A_19 : memref<128x384xi32, #tpu.memory_space<hbm>>) target_semaphore(%run_scoped3A : memref<!tpu.dma_semaphore, #tpu.memory_space<semaphore_mem>>)
        %dma_wait3A_20 = arith.constant 0 : i32
        %dma_wait3A_21 = tpu.memref_slice %arg4[%add3A_11, %dma_wait3A_20] : memref<32768x384xi32, #tpu.memory_space<hbm>> -> memref<128x384xi32, #tpu.memory_space<hbm>>
        %dma_wait3A_22 = arith.constant 0 : i32
        %dma_wait3A_23 = tpu.memref_slice %arg4[%add3A_11, %dma_wait3A_22] : memref<32768x384xi32, #tpu.memory_space<hbm>> -> memref<128x384xi32, #tpu.memory_space<hbm>>
        tpu.wait_dma2 semaphore(%run_scoped3A : memref<!tpu.dma_semaphore, #tpu.memory_space<semaphore_mem>>) src(%arg6 : memref<128x384xi32, #tpu.memory_space<vmem>>) dst(%dma_wait3A_23 : memref<128x384xi32, #tpu.memory_space<hbm>>)
        tpu.yield
      }) : () -> ()
    }
    %scan3A_7 = arith.constant 8 : i32
    return
  }
}

#map = affine_map<(d0, d1) -> (0, 0)>
#map1 = affine_map<(d0, d1) -> (0)>
module attributes {stable_mosaic.version = 14 : i64} {
  func.func @disp_k(%arg0: i32, %arg1: i32, %arg2: memref<8192x384xi32, #tpu.memory_space<hbm>>, %arg3: memref<32768xi32, #tpu.memory_space<hbm>>, %arg4: memref<36864x384xi32, #tpu.memory_space<hbm>>, %arg5: memref<8x128xi32, #tpu.memory_space<vmem>>, %arg6: memref<2x128x384xi32, #tpu.memory_space<vmem>>, %arg7: memref<!tpu.dma_semaphore, #tpu.memory_space<semaphore_mem>>) attributes {dimension_semantics = [#tpu.dimension_semantics<core_parallel>, #tpu.dimension_semantics<subcore_parallel>], iteration_bounds = array<i64: 2, 16>, scalar_prefetch = 0 : i64, scratch_operands = 3 : i64, tpu.core_type = #tpu.core_type<sc_vector_subcore>, window_params = [{transform_indices = #map}, {transform_indices = #map1}, {transform_indices = #map}]} {
    %mul3A = arith.constant 2 : i32
    %mul3A_0 = arith.muli %arg1, %mul3A : i32
    %add3A = arith.addi %mul3A_0, %arg0 : i32
    %mul3A_1 = arith.constant 256 : i32
    %mul3A_2 = arith.muli %add3A, %mul3A_1 : i32
    %add3A_3 = arith.constant 0 : i32
    %add3A_4 = arith.addi %mul3A_2, %add3A_3 : i32
    %run_scoped3A = arith.constant 0 : i32
    "tpu.region"() ({
      %run_scoped3A_238 = tpu.sem_alloc : memref<!tpu.dma_semaphore, #tpu.memory_space<semaphore_mem>>
      %dma_start3A_239 = arith.constant 0 : i32
      %dma_start3A_240 = arith.constant 0 : i32
      %dma_start3A_241 = tpu.memref_slice %arg6[%run_scoped3A, %dma_start3A_239, %dma_start3A_240] : memref<2x128x384xi32, #tpu.memory_space<vmem>> -> memref<1x128x384xi32, #tpu.memory_space<vmem>>
      %dma_start3A_242 = tpu.memref_squeeze %dma_start3A_241 : memref<1x128x384xi32, #tpu.memory_space<vmem>> -> memref<128x384xi32, #tpu.memory_space<vmem>>
      %dma_start3A_243 = arith.constant 0 : i32
      %dma_start3A_244 = tpu.memref_slice %arg2[%add3A_4, %dma_start3A_243] : memref<8192x384xi32, #tpu.memory_space<hbm>> -> memref<128x384xi32, #tpu.memory_space<hbm>>
      %dma_start3A_245 = arith.constant 0 : i32
      %dma_start3A_246 = arith.constant 0 : i32
      %dma_start3A_247 = tpu.memref_slice %arg6[%run_scoped3A, %dma_start3A_245, %dma_start3A_246] : memref<2x128x384xi32, #tpu.memory_space<vmem>> -> memref<1x128x384xi32, #tpu.memory_space<vmem>>
      %dma_start3A_248 = tpu.memref_squeeze %dma_start3A_247 : memref<1x128x384xi32, #tpu.memory_space<vmem>> -> memref<128x384xi32, #tpu.memory_space<vmem>>
      %dma_start3A_249 = arith.constant 0 : i32
      %dma_start3A_250 = tpu.memref_slice %arg2[%add3A_4, %dma_start3A_249] : memref<8192x384xi32, #tpu.memory_space<hbm>> -> memref<128x384xi32, #tpu.memory_space<hbm>>
      tpu.enqueue_dma source(%dma_start3A_250 : memref<128x384xi32, #tpu.memory_space<hbm>>) target(%dma_start3A_248 : memref<128x384xi32, #tpu.memory_space<vmem>>) target_semaphore(%run_scoped3A_238 : memref<!tpu.dma_semaphore, #tpu.memory_space<semaphore_mem>>)
      %dma_wait3A_251 = arith.constant 0 : i32
      %dma_wait3A_252 = arith.constant 0 : i32
      %dma_wait3A_253 = tpu.memref_slice %arg6[%run_scoped3A, %dma_wait3A_251, %dma_wait3A_252] : memref<2x128x384xi32, #tpu.memory_space<vmem>> -> memref<1x128x384xi32, #tpu.memory_space<vmem>>
      %dma_wait3A_254 = tpu.memref_squeeze %dma_wait3A_253 : memref<1x128x384xi32, #tpu.memory_space<vmem>> -> memref<128x384xi32, #tpu.memory_space<vmem>>
      %dma_wait3A_255 = arith.constant 0 : i32
      %dma_wait3A_256 = tpu.memref_slice %arg2[%add3A_4, %dma_wait3A_255] : memref<8192x384xi32, #tpu.memory_space<hbm>> -> memref<128x384xi32, #tpu.memory_space<hbm>>
      %dma_wait3A_257 = arith.constant 0 : i32
      %dma_wait3A_258 = arith.constant 0 : i32
      %dma_wait3A_259 = tpu.memref_slice %arg6[%run_scoped3A, %dma_wait3A_257, %dma_wait3A_258] : memref<2x128x384xi32, #tpu.memory_space<vmem>> -> memref<1x128x384xi32, #tpu.memory_space<vmem>>
      %dma_wait3A_260 = tpu.memref_squeeze %dma_wait3A_259 : memref<1x128x384xi32, #tpu.memory_space<vmem>> -> memref<128x384xi32, #tpu.memory_space<vmem>>
      %dma_wait3A_261 = arith.constant 0 : i32
      %dma_wait3A_262 = tpu.memref_slice %arg2[%add3A_4, %dma_wait3A_261] : memref<8192x384xi32, #tpu.memory_space<hbm>> -> memref<128x384xi32, #tpu.memory_space<hbm>>
      tpu.wait_dma2 semaphore(%run_scoped3A_238 : memref<!tpu.dma_semaphore, #tpu.memory_space<semaphore_mem>>) src(%dma_wait3A_262 : memref<128x384xi32, #tpu.memory_space<hbm>>) dst(%dma_wait3A_260 : memref<128x384xi32, #tpu.memory_space<vmem>>)
      tpu.yield
    }) : () -> ()
    %add3A_5 = arith.constant 128 : i32
    %add3A_6 = arith.addi %mul3A_2, %add3A_5 : i32
    %run_scoped3A_7 = arith.constant 1 : i32
    "tpu.region"() ({
      %run_scoped3A_238 = tpu.sem_alloc : memref<!tpu.dma_semaphore, #tpu.memory_space<semaphore_mem>>
      %dma_start3A_239 = arith.constant 0 : i32
      %dma_start3A_240 = arith.constant 0 : i32
      %dma_start3A_241 = tpu.memref_slice %arg6[%run_scoped3A_7, %dma_start3A_239, %dma_start3A_240] : memref<2x128x384xi32, #tpu.memory_space<vmem>> -> memref<1x128x384xi32, #tpu.memory_space<vmem>>
      %dma_start3A_242 = tpu.memref_squeeze %dma_start3A_241 : memref<1x128x384xi32, #tpu.memory_space<vmem>> -> memref<128x384xi32, #tpu.memory_space<vmem>>
      %dma_start3A_243 = arith.constant 0 : i32
      %dma_start3A_244 = tpu.memref_slice %arg2[%add3A_6, %dma_start3A_243] : memref<8192x384xi32, #tpu.memory_space<hbm>> -> memref<128x384xi32, #tpu.memory_space<hbm>>
      %dma_start3A_245 = arith.constant 0 : i32
      %dma_start3A_246 = arith.constant 0 : i32
      %dma_start3A_247 = tpu.memref_slice %arg6[%run_scoped3A_7, %dma_start3A_245, %dma_start3A_246] : memref<2x128x384xi32, #tpu.memory_space<vmem>> -> memref<1x128x384xi32, #tpu.memory_space<vmem>>
      %dma_start3A_248 = tpu.memref_squeeze %dma_start3A_247 : memref<1x128x384xi32, #tpu.memory_space<vmem>> -> memref<128x384xi32, #tpu.memory_space<vmem>>
      %dma_start3A_249 = arith.constant 0 : i32
      %dma_start3A_250 = tpu.memref_slice %arg2[%add3A_6, %dma_start3A_249] : memref<8192x384xi32, #tpu.memory_space<hbm>> -> memref<128x384xi32, #tpu.memory_space<hbm>>
      tpu.enqueue_dma source(%dma_start3A_250 : memref<128x384xi32, #tpu.memory_space<hbm>>) target(%dma_start3A_248 : memref<128x384xi32, #tpu.memory_space<vmem>>) target_semaphore(%run_scoped3A_238 : memref<!tpu.dma_semaphore, #tpu.memory_space<semaphore_mem>>)
      %dma_wait3A_251 = arith.constant 0 : i32
      %dma_wait3A_252 = arith.constant 0 : i32
      %dma_wait3A_253 = tpu.memref_slice %arg6[%run_scoped3A_7, %dma_wait3A_251, %dma_wait3A_252] : memref<2x128x384xi32, #tpu.memory_space<vmem>> -> memref<1x128x384xi32, #tpu.memory_space<vmem>>
      %dma_wait3A_254 = tpu.memref_squeeze %dma_wait3A_253 : memref<1x128x384xi32, #tpu.memory_space<vmem>> -> memref<128x384xi32, #tpu.memory_space<vmem>>
      %dma_wait3A_255 = arith.constant 0 : i32
      %dma_wait3A_256 = tpu.memref_slice %arg2[%add3A_6, %dma_wait3A_255] : memref<8192x384xi32, #tpu.memory_space<hbm>> -> memref<128x384xi32, #tpu.memory_space<hbm>>
      %dma_wait3A_257 = arith.constant 0 : i32
      %dma_wait3A_258 = arith.constant 0 : i32
      %dma_wait3A_259 = tpu.memref_slice %arg6[%run_scoped3A_7, %dma_wait3A_257, %dma_wait3A_258] : memref<2x128x384xi32, #tpu.memory_space<vmem>> -> memref<1x128x384xi32, #tpu.memory_space<vmem>>
      %dma_wait3A_260 = tpu.memref_squeeze %dma_wait3A_259 : memref<1x128x384xi32, #tpu.memory_space<vmem>> -> memref<128x384xi32, #tpu.memory_space<vmem>>
      %dma_wait3A_261 = arith.constant 0 : i32
      %dma_wait3A_262 = tpu.memref_slice %arg2[%add3A_6, %dma_wait3A_261] : memref<8192x384xi32, #tpu.memory_space<hbm>> -> memref<128x384xi32, #tpu.memory_space<hbm>>
      tpu.wait_dma2 semaphore(%run_scoped3A_238 : memref<!tpu.dma_semaphore, #tpu.memory_space<semaphore_mem>>) src(%dma_wait3A_262 : memref<128x384xi32, #tpu.memory_space<hbm>>) dst(%dma_wait3A_260 : memref<128x384xi32, #tpu.memory_space<vmem>>)
      tpu.yield
    }) : () -> ()
    %add3A_8 = arith.constant 0 : i32
    %add3A_9 = arith.addi %add3A_8, %mul3A_2 : i32
    %add3A_10 = arith.constant 0 : i32
    %add3A_11 = arith.addi %add3A_9, %add3A_10 : i32
    %run_scoped3A_12 = arith.constant 0 : i32
    "tpu.region"() ({
      %run_scoped3A_238 = tpu.sem_alloc : memref<!tpu.dma_semaphore, #tpu.memory_space<semaphore_mem>>
      %dma_start3A_239 = arith.constant 0 : i32
      %dma_start3A_240 = tpu.memref_slice %arg5[%run_scoped3A_12, %dma_start3A_239] : memref<8x128xi32, #tpu.memory_space<vmem>> -> memref<1x128xi32, #tpu.memory_space<vmem>>
      %dma_start3A_241 = tpu.memref_squeeze %dma_start3A_240 : memref<1x128xi32, #tpu.memory_space<vmem>> -> memref<128xi32, #tpu.memory_space<vmem>>
      %dma_start3A_242 = tpu.memref_slice %arg3[%add3A_11] : memref<32768xi32, #tpu.memory_space<hbm>> -> memref<128xi32, #tpu.memory_space<hbm>>
      %dma_start3A_243 = arith.constant 0 : i32
      %dma_start3A_244 = tpu.memref_slice %arg5[%run_scoped3A_12, %dma_start3A_243] : memref<8x128xi32, #tpu.memory_space<vmem>> -> memref<1x128xi32, #tpu.memory_space<vmem>>
      %dma_start3A_245 = tpu.memref_squeeze %dma_start3A_244 : memref<1x128xi32, #tpu.memory_space<vmem>> -> memref<128xi32, #tpu.memory_space<vmem>>
      %dma_start3A_246 = tpu.memref_slice %arg3[%add3A_11] : memref<32768xi32, #tpu.memory_space<hbm>> -> memref<128xi32, #tpu.memory_space<hbm>>
      tpu.enqueue_dma source(%dma_start3A_246 : memref<128xi32, #tpu.memory_space<hbm>>) target(%dma_start3A_245 : memref<128xi32, #tpu.memory_space<vmem>>) target_semaphore(%run_scoped3A_238 : memref<!tpu.dma_semaphore, #tpu.memory_space<semaphore_mem>>)
      %dma_wait3A_247 = arith.constant 0 : i32
      %dma_wait3A_248 = tpu.memref_slice %arg5[%run_scoped3A_12, %dma_wait3A_247] : memref<8x128xi32, #tpu.memory_space<vmem>> -> memref<1x128xi32, #tpu.memory_space<vmem>>
      %dma_wait3A_249 = tpu.memref_squeeze %dma_wait3A_248 : memref<1x128xi32, #tpu.memory_space<vmem>> -> memref<128xi32, #tpu.memory_space<vmem>>
      %dma_wait3A_250 = tpu.memref_slice %arg3[%add3A_11] : memref<32768xi32, #tpu.memory_space<hbm>> -> memref<128xi32, #tpu.memory_space<hbm>>
      %dma_wait3A_251 = arith.constant 0 : i32
      %dma_wait3A_252 = tpu.memref_slice %arg5[%run_scoped3A_12, %dma_wait3A_251] : memref<8x128xi32, #tpu.memory_space<vmem>> -> memref<1x128xi32, #tpu.memory_space<vmem>>
      %dma_wait3A_253 = tpu.memref_squeeze %dma_wait3A_252 : memref<1x128xi32, #tpu.memory_space<vmem>> -> memref<128xi32, #tpu.memory_space<vmem>>
      %dma_wait3A_254 = tpu.memref_slice %arg3[%add3A_11] : memref<32768xi32, #tpu.memory_space<hbm>> -> memref<128xi32, #tpu.memory_space<hbm>>
      tpu.wait_dma2 semaphore(%run_scoped3A_238 : memref<!tpu.dma_semaphore, #tpu.memory_space<semaphore_mem>>) src(%dma_wait3A_254 : memref<128xi32, #tpu.memory_space<hbm>>) dst(%dma_wait3A_253 : memref<128xi32, #tpu.memory_space<vmem>>)
      tpu.yield
    }) : () -> ()
    %dma_start3A = arith.constant 0 : i32
    %dma_start3A_13 = arith.constant 0 : i32
    %dma_start3A_14 = arith.constant 0 : i32
    %dma_start3A_15 = arith.constant 0 : i32
    %dma_start3A_16 = tpu.memref_slice %arg6[%dma_start3A, %dma_start3A_14, %dma_start3A_15] : memref<2x128x384xi32, #tpu.memory_space<vmem>> -> memref<1x128x384xi32, #tpu.memory_space<vmem>>
    %dma_start3A_17 = tpu.memref_squeeze %dma_start3A_16 : memref<1x128x384xi32, #tpu.memory_space<vmem>> -> memref<128x384xi32, #tpu.memory_space<vmem>>
    %dma_start3A_18 = arith.constant 0 : i32
    %dma_start3A_19 = tpu.memref_slice %arg5[%dma_start3A_13, %dma_start3A_18] : memref<8x128xi32, #tpu.memory_space<vmem>> -> memref<1x128xi32, #tpu.memory_space<vmem>>
    %dma_start3A_20 = tpu.memref_squeeze %dma_start3A_19 : memref<1x128xi32, #tpu.memory_space<vmem>> -> memref<128xi32, #tpu.memory_space<vmem>>
    %dma_start3A_21 = arith.constant 0 : i32
    %dma_start3A_22 = arith.constant 0 : i32
    %dma_start3A_23 = tpu.memref_slice %arg4[%dma_start3A_21, %dma_start3A_22] : memref<36864x384xi32, #tpu.memory_space<hbm>> -> memref<36864x384xi32, #tpu.memory_space<hbm>>
    tpu.enqueue_indirect_dma source(%dma_start3A_17 : memref<128x384xi32, #tpu.memory_space<vmem>>) target(%dma_start3A_23 : memref<36864x384xi32, #tpu.memory_space<hbm>>) offsets(%dma_start3A_20 : memref<128xi32, #tpu.memory_space<vmem>>) semaphore(%arg7 : memref<!tpu.dma_semaphore, #tpu.memory_space<semaphore_mem>>)
    %add3A_24 = arith.constant 8192 : i32
    %add3A_25 = arith.addi %add3A_24, %mul3A_2 : i32
    %add3A_26 = arith.constant 0 : i32
    %add3A_27 = arith.addi %add3A_25, %add3A_26 : i32
    %run_scoped3A_28 = arith.constant 1 : i32
    "tpu.region"() ({
      %run_scoped3A_238 = tpu.sem_alloc : memref<!tpu.dma_semaphore, #tpu.memory_space<semaphore_mem>>
      %dma_start3A_239 = arith.constant 0 : i32
      %dma_start3A_240 = tpu.memref_slice %arg5[%run_scoped3A_28, %dma_start3A_239] : memref<8x128xi32, #tpu.memory_space<vmem>> -> memref<1x128xi32, #tpu.memory_space<vmem>>
      %dma_start3A_241 = tpu.memref_squeeze %dma_start3A_240 : memref<1x128xi32, #tpu.memory_space<vmem>> -> memref<128xi32, #tpu.memory_space<vmem>>
      %dma_start3A_242 = tpu.memref_slice %arg3[%add3A_27] : memref<32768xi32, #tpu.memory_space<hbm>> -> memref<128xi32, #tpu.memory_space<hbm>>
      %dma_start3A_243 = arith.constant 0 : i32
      %dma_start3A_244 = tpu.memref_slice %arg5[%run_scoped3A_28, %dma_start3A_243] : memref<8x128xi32, #tpu.memory_space<vmem>> -> memref<1x128xi32, #tpu.memory_space<vmem>>
      %dma_start3A_245 = tpu.memref_squeeze %dma_start3A_244 : memref<1x128xi32, #tpu.memory_space<vmem>> -> memref<128xi32, #tpu.memory_space<vmem>>
      %dma_start3A_246 = tpu.memref_slice %arg3[%add3A_27] : memref<32768xi32, #tpu.memory_space<hbm>> -> memref<128xi32, #tpu.memory_space<hbm>>
      tpu.enqueue_dma source(%dma_start3A_246 : memref<128xi32, #tpu.memory_space<hbm>>) target(%dma_start3A_245 : memref<128xi32, #tpu.memory_space<vmem>>) target_semaphore(%run_scoped3A_238 : memref<!tpu.dma_semaphore, #tpu.memory_space<semaphore_mem>>)
      %dma_wait3A_247 = arith.constant 0 : i32
      %dma_wait3A_248 = tpu.memref_slice %arg5[%run_scoped3A_28, %dma_wait3A_247] : memref<8x128xi32, #tpu.memory_space<vmem>> -> memref<1x128xi32, #tpu.memory_space<vmem>>
      %dma_wait3A_249 = tpu.memref_squeeze %dma_wait3A_248 : memref<1x128xi32, #tpu.memory_space<vmem>> -> memref<128xi32, #tpu.memory_space<vmem>>
      %dma_wait3A_250 = tpu.memref_slice %arg3[%add3A_27] : memref<32768xi32, #tpu.memory_space<hbm>> -> memref<128xi32, #tpu.memory_space<hbm>>
      %dma_wait3A_251 = arith.constant 0 : i32
      %dma_wait3A_252 = tpu.memref_slice %arg5[%run_scoped3A_28, %dma_wait3A_251] : memref<8x128xi32, #tpu.memory_space<vmem>> -> memref<1x128xi32, #tpu.memory_space<vmem>>
      %dma_wait3A_253 = tpu.memref_squeeze %dma_wait3A_252 : memref<1x128xi32, #tpu.memory_space<vmem>> -> memref<128xi32, #tpu.memory_space<vmem>>
      %dma_wait3A_254 = tpu.memref_slice %arg3[%add3A_27] : memref<32768xi32, #tpu.memory_space<hbm>> -> memref<128xi32, #tpu.memory_space<hbm>>
      tpu.wait_dma2 semaphore(%run_scoped3A_238 : memref<!tpu.dma_semaphore, #tpu.memory_space<semaphore_mem>>) src(%dma_wait3A_254 : memref<128xi32, #tpu.memory_space<hbm>>) dst(%dma_wait3A_253 : memref<128xi32, #tpu.memory_space<vmem>>)
      tpu.yield
    }) : () -> ()
    %dma_start3A_29 = arith.constant 0 : i32
    %dma_start3A_30 = arith.constant 1 : i32
    %dma_start3A_31 = arith.constant 0 : i32
    %dma_start3A_32 = arith.constant 0 : i32
    %dma_start3A_33 = tpu.memref_slice %arg6[%dma_start3A_29, %dma_start3A_31, %dma_start3A_32] : memref<2x128x384xi32, #tpu.memory_space<vmem>> -> memref<1x128x384xi32, #tpu.memory_space<vmem>>
    %dma_start3A_34 = tpu.memref_squeeze %dma_start3A_33 : memref<1x128x384xi32, #tpu.memory_space<vmem>> -> memref<128x384xi32, #tpu.memory_space<vmem>>
    %dma_start3A_35 = arith.constant 0 : i32
    %dma_start3A_36 = tpu.memref_slice %arg5[%dma_start3A_30, %dma_start3A_35] : memref<8x128xi32, #tpu.memory_space<vmem>> -> memref<1x128xi32, #tpu.memory_space<vmem>>
    %dma_start3A_37 = tpu.memref_squeeze %dma_start3A_36 : memref<1x128xi32, #tpu.memory_space<vmem>> -> memref<128xi32, #tpu.memory_space<vmem>>
    %dma_start3A_38 = arith.constant 0 : i32
    %dma_start3A_39 = arith.constant 0 : i32
    %dma_start3A_40 = tpu.memref_slice %arg4[%dma_start3A_38, %dma_start3A_39] : memref<36864x384xi32, #tpu.memory_space<hbm>> -> memref<36864x384xi32, #tpu.memory_space<hbm>>
    tpu.enqueue_indirect_dma source(%dma_start3A_34 : memref<128x384xi32, #tpu.memory_space<vmem>>) target(%dma_start3A_40 : memref<36864x384xi32, #tpu.memory_space<hbm>>) offsets(%dma_start3A_37 : memref<128xi32, #tpu.memory_space<vmem>>) semaphore(%arg7 : memref<!tpu.dma_semaphore, #tpu.memory_space<semaphore_mem>>)
    %add3A_41 = arith.constant 16384 : i32
    %add3A_42 = arith.addi %add3A_41, %mul3A_2 : i32
    %add3A_43 = arith.constant 0 : i32
    %add3A_44 = arith.addi %add3A_42, %add3A_43 : i32
    %run_scoped3A_45 = arith.constant 2 : i32
    "tpu.region"() ({
      %run_scoped3A_238 = tpu.sem_alloc : memref<!tpu.dma_semaphore, #tpu.memory_space<semaphore_mem>>
      %dma_start3A_239 = arith.constant 0 : i32
      %dma_start3A_240 = tpu.memref_slice %arg5[%run_scoped3A_45, %dma_start3A_239] : memref<8x128xi32, #tpu.memory_space<vmem>> -> memref<1x128xi32, #tpu.memory_space<vmem>>
      %dma_start3A_241 = tpu.memref_squeeze %dma_start3A_240 : memref<1x128xi32, #tpu.memory_space<vmem>> -> memref<128xi32, #tpu.memory_space<vmem>>
      %dma_start3A_242 = tpu.memref_slice %arg3[%add3A_44] : memref<32768xi32, #tpu.memory_space<hbm>> -> memref<128xi32, #tpu.memory_space<hbm>>
      %dma_start3A_243 = arith.constant 0 : i32
      %dma_start3A_244 = tpu.memref_slice %arg5[%run_scoped3A_45, %dma_start3A_243] : memref<8x128xi32, #tpu.memory_space<vmem>> -> memref<1x128xi32, #tpu.memory_space<vmem>>
      %dma_start3A_245 = tpu.memref_squeeze %dma_start3A_244 : memref<1x128xi32, #tpu.memory_space<vmem>> -> memref<128xi32, #tpu.memory_space<vmem>>
      %dma_start3A_246 = tpu.memref_slice %arg3[%add3A_44] : memref<32768xi32, #tpu.memory_space<hbm>> -> memref<128xi32, #tpu.memory_space<hbm>>
      tpu.enqueue_dma source(%dma_start3A_246 : memref<128xi32, #tpu.memory_space<hbm>>) target(%dma_start3A_245 : memref<128xi32, #tpu.memory_space<vmem>>) target_semaphore(%run_scoped3A_238 : memref<!tpu.dma_semaphore, #tpu.memory_space<semaphore_mem>>)
      %dma_wait3A_247 = arith.constant 0 : i32
      %dma_wait3A_248 = tpu.memref_slice %arg5[%run_scoped3A_45, %dma_wait3A_247] : memref<8x128xi32, #tpu.memory_space<vmem>> -> memref<1x128xi32, #tpu.memory_space<vmem>>
      %dma_wait3A_249 = tpu.memref_squeeze %dma_wait3A_248 : memref<1x128xi32, #tpu.memory_space<vmem>> -> memref<128xi32, #tpu.memory_space<vmem>>
      %dma_wait3A_250 = tpu.memref_slice %arg3[%add3A_44] : memref<32768xi32, #tpu.memory_space<hbm>> -> memref<128xi32, #tpu.memory_space<hbm>>
      %dma_wait3A_251 = arith.constant 0 : i32
      %dma_wait3A_252 = tpu.memref_slice %arg5[%run_scoped3A_45, %dma_wait3A_251] : memref<8x128xi32, #tpu.memory_space<vmem>> -> memref<1x128xi32, #tpu.memory_space<vmem>>
      %dma_wait3A_253 = tpu.memref_squeeze %dma_wait3A_252 : memref<1x128xi32, #tpu.memory_space<vmem>> -> memref<128xi32, #tpu.memory_space<vmem>>
      %dma_wait3A_254 = tpu.memref_slice %arg3[%add3A_44] : memref<32768xi32, #tpu.memory_space<hbm>> -> memref<128xi32, #tpu.memory_space<hbm>>
      tpu.wait_dma2 semaphore(%run_scoped3A_238 : memref<!tpu.dma_semaphore, #tpu.memory_space<semaphore_mem>>) src(%dma_wait3A_254 : memref<128xi32, #tpu.memory_space<hbm>>) dst(%dma_wait3A_253 : memref<128xi32, #tpu.memory_space<vmem>>)
      tpu.yield
    }) : () -> ()
    %dma_start3A_46 = arith.constant 0 : i32
    %dma_start3A_47 = arith.constant 2 : i32
    %dma_start3A_48 = arith.constant 0 : i32
    %dma_start3A_49 = arith.constant 0 : i32
    %dma_start3A_50 = tpu.memref_slice %arg6[%dma_start3A_46, %dma_start3A_48, %dma_start3A_49] : memref<2x128x384xi32, #tpu.memory_space<vmem>> -> memref<1x128x384xi32, #tpu.memory_space<vmem>>
    %dma_start3A_51 = tpu.memref_squeeze %dma_start3A_50 : memref<1x128x384xi32, #tpu.memory_space<vmem>> -> memref<128x384xi32, #tpu.memory_space<vmem>>
    %dma_start3A_52 = arith.constant 0 : i32
    %dma_start3A_53 = tpu.memref_slice %arg5[%dma_start3A_47, %dma_start3A_52] : memref<8x128xi32, #tpu.memory_space<vmem>> -> memref<1x128xi32, #tpu.memory_space<vmem>>
    %dma_start3A_54 = tpu.memref_squeeze %dma_start3A_53 : memref<1x128xi32, #tpu.memory_space<vmem>> -> memref<128xi32, #tpu.memory_space<vmem>>
    %dma_start3A_55 = arith.constant 0 : i32
    %dma_start3A_56 = arith.constant 0 : i32
    %dma_start3A_57 = tpu.memref_slice %arg4[%dma_start3A_55, %dma_start3A_56] : memref<36864x384xi32, #tpu.memory_space<hbm>> -> memref<36864x384xi32, #tpu.memory_space<hbm>>
    tpu.enqueue_indirect_dma source(%dma_start3A_51 : memref<128x384xi32, #tpu.memory_space<vmem>>) target(%dma_start3A_57 : memref<36864x384xi32, #tpu.memory_space<hbm>>) offsets(%dma_start3A_54 : memref<128xi32, #tpu.memory_space<vmem>>) semaphore(%arg7 : memref<!tpu.dma_semaphore, #tpu.memory_space<semaphore_mem>>)
    %add3A_58 = arith.constant 24576 : i32
    %add3A_59 = arith.addi %add3A_58, %mul3A_2 : i32
    %add3A_60 = arith.constant 0 : i32
    %add3A_61 = arith.addi %add3A_59, %add3A_60 : i32
    %run_scoped3A_62 = arith.constant 3 : i32
    "tpu.region"() ({
      %run_scoped3A_238 = tpu.sem_alloc : memref<!tpu.dma_semaphore, #tpu.memory_space<semaphore_mem>>
      %dma_start3A_239 = arith.constant 0 : i32
      %dma_start3A_240 = tpu.memref_slice %arg5[%run_scoped3A_62, %dma_start3A_239] : memref<8x128xi32, #tpu.memory_space<vmem>> -> memref<1x128xi32, #tpu.memory_space<vmem>>
      %dma_start3A_241 = tpu.memref_squeeze %dma_start3A_240 : memref<1x128xi32, #tpu.memory_space<vmem>> -> memref<128xi32, #tpu.memory_space<vmem>>
      %dma_start3A_242 = tpu.memref_slice %arg3[%add3A_61] : memref<32768xi32, #tpu.memory_space<hbm>> -> memref<128xi32, #tpu.memory_space<hbm>>
      %dma_start3A_243 = arith.constant 0 : i32
      %dma_start3A_244 = tpu.memref_slice %arg5[%run_scoped3A_62, %dma_start3A_243] : memref<8x128xi32, #tpu.memory_space<vmem>> -> memref<1x128xi32, #tpu.memory_space<vmem>>
      %dma_start3A_245 = tpu.memref_squeeze %dma_start3A_244 : memref<1x128xi32, #tpu.memory_space<vmem>> -> memref<128xi32, #tpu.memory_space<vmem>>
      %dma_start3A_246 = tpu.memref_slice %arg3[%add3A_61] : memref<32768xi32, #tpu.memory_space<hbm>> -> memref<128xi32, #tpu.memory_space<hbm>>
      tpu.enqueue_dma source(%dma_start3A_246 : memref<128xi32, #tpu.memory_space<hbm>>) target(%dma_start3A_245 : memref<128xi32, #tpu.memory_space<vmem>>) target_semaphore(%run_scoped3A_238 : memref<!tpu.dma_semaphore, #tpu.memory_space<semaphore_mem>>)
      %dma_wait3A_247 = arith.constant 0 : i32
      %dma_wait3A_248 = tpu.memref_slice %arg5[%run_scoped3A_62, %dma_wait3A_247] : memref<8x128xi32, #tpu.memory_space<vmem>> -> memref<1x128xi32, #tpu.memory_space<vmem>>
      %dma_wait3A_249 = tpu.memref_squeeze %dma_wait3A_248 : memref<1x128xi32, #tpu.memory_space<vmem>> -> memref<128xi32, #tpu.memory_space<vmem>>
      %dma_wait3A_250 = tpu.memref_slice %arg3[%add3A_61] : memref<32768xi32, #tpu.memory_space<hbm>> -> memref<128xi32, #tpu.memory_space<hbm>>
      %dma_wait3A_251 = arith.constant 0 : i32
      %dma_wait3A_252 = tpu.memref_slice %arg5[%run_scoped3A_62, %dma_wait3A_251] : memref<8x128xi32, #tpu.memory_space<vmem>> -> memref<1x128xi32, #tpu.memory_space<vmem>>
      %dma_wait3A_253 = tpu.memref_squeeze %dma_wait3A_252 : memref<1x128xi32, #tpu.memory_space<vmem>> -> memref<128xi32, #tpu.memory_space<vmem>>
      %dma_wait3A_254 = tpu.memref_slice %arg3[%add3A_61] : memref<32768xi32, #tpu.memory_space<hbm>> -> memref<128xi32, #tpu.memory_space<hbm>>
      tpu.wait_dma2 semaphore(%run_scoped3A_238 : memref<!tpu.dma_semaphore, #tpu.memory_space<semaphore_mem>>) src(%dma_wait3A_254 : memref<128xi32, #tpu.memory_space<hbm>>) dst(%dma_wait3A_253 : memref<128xi32, #tpu.memory_space<vmem>>)
      tpu.yield
    }) : () -> ()
    %dma_start3A_63 = arith.constant 0 : i32
    %dma_start3A_64 = arith.constant 3 : i32
    %dma_start3A_65 = arith.constant 0 : i32
    %dma_start3A_66 = arith.constant 0 : i32
    %dma_start3A_67 = tpu.memref_slice %arg6[%dma_start3A_63, %dma_start3A_65, %dma_start3A_66] : memref<2x128x384xi32, #tpu.memory_space<vmem>> -> memref<1x128x384xi32, #tpu.memory_space<vmem>>
    %dma_start3A_68 = tpu.memref_squeeze %dma_start3A_67 : memref<1x128x384xi32, #tpu.memory_space<vmem>> -> memref<128x384xi32, #tpu.memory_space<vmem>>
    %dma_start3A_69 = arith.constant 0 : i32
    %dma_start3A_70 = tpu.memref_slice %arg5[%dma_start3A_64, %dma_start3A_69] : memref<8x128xi32, #tpu.memory_space<vmem>> -> memref<1x128xi32, #tpu.memory_space<vmem>>
    %dma_start3A_71 = tpu.memref_squeeze %dma_start3A_70 : memref<1x128xi32, #tpu.memory_space<vmem>> -> memref<128xi32, #tpu.memory_space<vmem>>
    %dma_start3A_72 = arith.constant 0 : i32
    %dma_start3A_73 = arith.constant 0 : i32
    %dma_start3A_74 = tpu.memref_slice %arg4[%dma_start3A_72, %dma_start3A_73] : memref<36864x384xi32, #tpu.memory_space<hbm>> -> memref<36864x384xi32, #tpu.memory_space<hbm>>
    tpu.enqueue_indirect_dma source(%dma_start3A_68 : memref<128x384xi32, #tpu.memory_space<vmem>>) target(%dma_start3A_74 : memref<36864x384xi32, #tpu.memory_space<hbm>>) offsets(%dma_start3A_71 : memref<128xi32, #tpu.memory_space<vmem>>) semaphore(%arg7 : memref<!tpu.dma_semaphore, #tpu.memory_space<semaphore_mem>>)
    %add3A_75 = arith.constant 0 : i32
    %add3A_76 = arith.addi %add3A_75, %mul3A_2 : i32
    %add3A_77 = arith.constant 128 : i32
    %add3A_78 = arith.addi %add3A_76, %add3A_77 : i32
    %run_scoped3A_79 = arith.constant 4 : i32
    "tpu.region"() ({
      %run_scoped3A_238 = tpu.sem_alloc : memref<!tpu.dma_semaphore, #tpu.memory_space<semaphore_mem>>
      %dma_start3A_239 = arith.constant 0 : i32
      %dma_start3A_240 = tpu.memref_slice %arg5[%run_scoped3A_79, %dma_start3A_239] : memref<8x128xi32, #tpu.memory_space<vmem>> -> memref<1x128xi32, #tpu.memory_space<vmem>>
      %dma_start3A_241 = tpu.memref_squeeze %dma_start3A_240 : memref<1x128xi32, #tpu.memory_space<vmem>> -> memref<128xi32, #tpu.memory_space<vmem>>
      %dma_start3A_242 = tpu.memref_slice %arg3[%add3A_78] : memref<32768xi32, #tpu.memory_space<hbm>> -> memref<128xi32, #tpu.memory_space<hbm>>
      %dma_start3A_243 = arith.constant 0 : i32
      %dma_start3A_244 = tpu.memref_slice %arg5[%run_scoped3A_79, %dma_start3A_243] : memref<8x128xi32, #tpu.memory_space<vmem>> -> memref<1x128xi32, #tpu.memory_space<vmem>>
      %dma_start3A_245 = tpu.memref_squeeze %dma_start3A_244 : memref<1x128xi32, #tpu.memory_space<vmem>> -> memref<128xi32, #tpu.memory_space<vmem>>
      %dma_start3A_246 = tpu.memref_slice %arg3[%add3A_78] : memref<32768xi32, #tpu.memory_space<hbm>> -> memref<128xi32, #tpu.memory_space<hbm>>
      tpu.enqueue_dma source(%dma_start3A_246 : memref<128xi32, #tpu.memory_space<hbm>>) target(%dma_start3A_245 : memref<128xi32, #tpu.memory_space<vmem>>) target_semaphore(%run_scoped3A_238 : memref<!tpu.dma_semaphore, #tpu.memory_space<semaphore_mem>>)
      %dma_wait3A_247 = arith.constant 0 : i32
      %dma_wait3A_248 = tpu.memref_slice %arg5[%run_scoped3A_79, %dma_wait3A_247] : memref<8x128xi32, #tpu.memory_space<vmem>> -> memref<1x128xi32, #tpu.memory_space<vmem>>
      %dma_wait3A_249 = tpu.memref_squeeze %dma_wait3A_248 : memref<1x128xi32, #tpu.memory_space<vmem>> -> memref<128xi32, #tpu.memory_space<vmem>>
      %dma_wait3A_250 = tpu.memref_slice %arg3[%add3A_78] : memref<32768xi32, #tpu.memory_space<hbm>> -> memref<128xi32, #tpu.memory_space<hbm>>
      %dma_wait3A_251 = arith.constant 0 : i32
      %dma_wait3A_252 = tpu.memref_slice %arg5[%run_scoped3A_79, %dma_wait3A_251] : memref<8x128xi32, #tpu.memory_space<vmem>> -> memref<1x128xi32, #tpu.memory_space<vmem>>
      %dma_wait3A_253 = tpu.memref_squeeze %dma_wait3A_252 : memref<1x128xi32, #tpu.memory_space<vmem>> -> memref<128xi32, #tpu.memory_space<vmem>>
      %dma_wait3A_254 = tpu.memref_slice %arg3[%add3A_78] : memref<32768xi32, #tpu.memory_space<hbm>> -> memref<128xi32, #tpu.memory_space<hbm>>
      tpu.wait_dma2 semaphore(%run_scoped3A_238 : memref<!tpu.dma_semaphore, #tpu.memory_space<semaphore_mem>>) src(%dma_wait3A_254 : memref<128xi32, #tpu.memory_space<hbm>>) dst(%dma_wait3A_253 : memref<128xi32, #tpu.memory_space<vmem>>)
      tpu.yield
    }) : () -> ()
    %dma_start3A_80 = arith.constant 1 : i32
    %dma_start3A_81 = arith.constant 4 : i32
    %dma_start3A_82 = arith.constant 0 : i32
    %dma_start3A_83 = arith.constant 0 : i32
    %dma_start3A_84 = tpu.memref_slice %arg6[%dma_start3A_80, %dma_start3A_82, %dma_start3A_83] : memref<2x128x384xi32, #tpu.memory_space<vmem>> -> memref<1x128x384xi32, #tpu.memory_space<vmem>>
    %dma_start3A_85 = tpu.memref_squeeze %dma_start3A_84 : memref<1x128x384xi32, #tpu.memory_space<vmem>> -> memref<128x384xi32, #tpu.memory_space<vmem>>
    %dma_start3A_86 = arith.constant 0 : i32
    %dma_start3A_87 = tpu.memref_slice %arg5[%dma_start3A_81, %dma_start3A_86] : memref<8x128xi32, #tpu.memory_space<vmem>> -> memref<1x128xi32, #tpu.memory_space<vmem>>
    %dma_start3A_88 = tpu.memref_squeeze %dma_start3A_87 : memref<1x128xi32, #tpu.memory_space<vmem>> -> memref<128xi32, #tpu.memory_space<vmem>>
    %dma_start3A_89 = arith.constant 0 : i32
    %dma_start3A_90 = arith.constant 0 : i32
    %dma_start3A_91 = tpu.memref_slice %arg4[%dma_start3A_89, %dma_start3A_90] : memref<36864x384xi32, #tpu.memory_space<hbm>> -> memref<36864x384xi32, #tpu.memory_space<hbm>>
    tpu.enqueue_indirect_dma source(%dma_start3A_85 : memref<128x384xi32, #tpu.memory_space<vmem>>) target(%dma_start3A_91 : memref<36864x384xi32, #tpu.memory_space<hbm>>) offsets(%dma_start3A_88 : memref<128xi32, #tpu.memory_space<vmem>>) semaphore(%arg7 : memref<!tpu.dma_semaphore, #tpu.memory_space<semaphore_mem>>)
    %add3A_92 = arith.constant 8192 : i32
    %add3A_93 = arith.addi %add3A_92, %mul3A_2 : i32
    %add3A_94 = arith.constant 128 : i32
    %add3A_95 = arith.addi %add3A_93, %add3A_94 : i32
    %run_scoped3A_96 = arith.constant 5 : i32
    "tpu.region"() ({
      %run_scoped3A_238 = tpu.sem_alloc : memref<!tpu.dma_semaphore, #tpu.memory_space<semaphore_mem>>
      %dma_start3A_239 = arith.constant 0 : i32
      %dma_start3A_240 = tpu.memref_slice %arg5[%run_scoped3A_96, %dma_start3A_239] : memref<8x128xi32, #tpu.memory_space<vmem>> -> memref<1x128xi32, #tpu.memory_space<vmem>>
      %dma_start3A_241 = tpu.memref_squeeze %dma_start3A_240 : memref<1x128xi32, #tpu.memory_space<vmem>> -> memref<128xi32, #tpu.memory_space<vmem>>
      %dma_start3A_242 = tpu.memref_slice %arg3[%add3A_95] : memref<32768xi32, #tpu.memory_space<hbm>> -> memref<128xi32, #tpu.memory_space<hbm>>
      %dma_start3A_243 = arith.constant 0 : i32
      %dma_start3A_244 = tpu.memref_slice %arg5[%run_scoped3A_96, %dma_start3A_243] : memref<8x128xi32, #tpu.memory_space<vmem>> -> memref<1x128xi32, #tpu.memory_space<vmem>>
      %dma_start3A_245 = tpu.memref_squeeze %dma_start3A_244 : memref<1x128xi32, #tpu.memory_space<vmem>> -> memref<128xi32, #tpu.memory_space<vmem>>
      %dma_start3A_246 = tpu.memref_slice %arg3[%add3A_95] : memref<32768xi32, #tpu.memory_space<hbm>> -> memref<128xi32, #tpu.memory_space<hbm>>
      tpu.enqueue_dma source(%dma_start3A_246 : memref<128xi32, #tpu.memory_space<hbm>>) target(%dma_start3A_245 : memref<128xi32, #tpu.memory_space<vmem>>) target_semaphore(%run_scoped3A_238 : memref<!tpu.dma_semaphore, #tpu.memory_space<semaphore_mem>>)
      %dma_wait3A_247 = arith.constant 0 : i32
      %dma_wait3A_248 = tpu.memref_slice %arg5[%run_scoped3A_96, %dma_wait3A_247] : memref<8x128xi32, #tpu.memory_space<vmem>> -> memref<1x128xi32, #tpu.memory_space<vmem>>
      %dma_wait3A_249 = tpu.memref_squeeze %dma_wait3A_248 : memref<1x128xi32, #tpu.memory_space<vmem>> -> memref<128xi32, #tpu.memory_space<vmem>>
      %dma_wait3A_250 = tpu.memref_slice %arg3[%add3A_95] : memref<32768xi32, #tpu.memory_space<hbm>> -> memref<128xi32, #tpu.memory_space<hbm>>
      %dma_wait3A_251 = arith.constant 0 : i32
      %dma_wait3A_252 = tpu.memref_slice %arg5[%run_scoped3A_96, %dma_wait3A_251] : memref<8x128xi32, #tpu.memory_space<vmem>> -> memref<1x128xi32, #tpu.memory_space<vmem>>
      %dma_wait3A_253 = tpu.memref_squeeze %dma_wait3A_252 : memref<1x128xi32, #tpu.memory_space<vmem>> -> memref<128xi32, #tpu.memory_space<vmem>>
      %dma_wait3A_254 = tpu.memref_slice %arg3[%add3A_95] : memref<32768xi32, #tpu.memory_space<hbm>> -> memref<128xi32, #tpu.memory_space<hbm>>
      tpu.wait_dma2 semaphore(%run_scoped3A_238 : memref<!tpu.dma_semaphore, #tpu.memory_space<semaphore_mem>>) src(%dma_wait3A_254 : memref<128xi32, #tpu.memory_space<hbm>>) dst(%dma_wait3A_253 : memref<128xi32, #tpu.memory_space<vmem>>)
      tpu.yield
    }) : () -> ()
    %dma_start3A_97 = arith.constant 1 : i32
    %dma_start3A_98 = arith.constant 5 : i32
    %dma_start3A_99 = arith.constant 0 : i32
    %dma_start3A_100 = arith.constant 0 : i32
    %dma_start3A_101 = tpu.memref_slice %arg6[%dma_start3A_97, %dma_start3A_99, %dma_start3A_100] : memref<2x128x384xi32, #tpu.memory_space<vmem>> -> memref<1x128x384xi32, #tpu.memory_space<vmem>>
    %dma_start3A_102 = tpu.memref_squeeze %dma_start3A_101 : memref<1x128x384xi32, #tpu.memory_space<vmem>> -> memref<128x384xi32, #tpu.memory_space<vmem>>
    %dma_start3A_103 = arith.constant 0 : i32
    %dma_start3A_104 = tpu.memref_slice %arg5[%dma_start3A_98, %dma_start3A_103] : memref<8x128xi32, #tpu.memory_space<vmem>> -> memref<1x128xi32, #tpu.memory_space<vmem>>
    %dma_start3A_105 = tpu.memref_squeeze %dma_start3A_104 : memref<1x128xi32, #tpu.memory_space<vmem>> -> memref<128xi32, #tpu.memory_space<vmem>>
    %dma_start3A_106 = arith.constant 0 : i32
    %dma_start3A_107 = arith.constant 0 : i32
    %dma_start3A_108 = tpu.memref_slice %arg4[%dma_start3A_106, %dma_start3A_107] : memref<36864x384xi32, #tpu.memory_space<hbm>> -> memref<36864x384xi32, #tpu.memory_space<hbm>>
    tpu.enqueue_indirect_dma source(%dma_start3A_102 : memref<128x384xi32, #tpu.memory_space<vmem>>) target(%dma_start3A_108 : memref<36864x384xi32, #tpu.memory_space<hbm>>) offsets(%dma_start3A_105 : memref<128xi32, #tpu.memory_space<vmem>>) semaphore(%arg7 : memref<!tpu.dma_semaphore, #tpu.memory_space<semaphore_mem>>)
    %add3A_109 = arith.constant 16384 : i32
    %add3A_110 = arith.addi %add3A_109, %mul3A_2 : i32
    %add3A_111 = arith.constant 128 : i32
    %add3A_112 = arith.addi %add3A_110, %add3A_111 : i32
    %run_scoped3A_113 = arith.constant 6 : i32
    "tpu.region"() ({
      %run_scoped3A_238 = tpu.sem_alloc : memref<!tpu.dma_semaphore, #tpu.memory_space<semaphore_mem>>
      %dma_start3A_239 = arith.constant 0 : i32
      %dma_start3A_240 = tpu.memref_slice %arg5[%run_scoped3A_113, %dma_start3A_239] : memref<8x128xi32, #tpu.memory_space<vmem>> -> memref<1x128xi32, #tpu.memory_space<vmem>>
      %dma_start3A_241 = tpu.memref_squeeze %dma_start3A_240 : memref<1x128xi32, #tpu.memory_space<vmem>> -> memref<128xi32, #tpu.memory_space<vmem>>
      %dma_start3A_242 = tpu.memref_slice %arg3[%add3A_112] : memref<32768xi32, #tpu.memory_space<hbm>> -> memref<128xi32, #tpu.memory_space<hbm>>
      %dma_start3A_243 = arith.constant 0 : i32
      %dma_start3A_244 = tpu.memref_slice %arg5[%run_scoped3A_113, %dma_start3A_243] : memref<8x128xi32, #tpu.memory_space<vmem>> -> memref<1x128xi32, #tpu.memory_space<vmem>>
      %dma_start3A_245 = tpu.memref_squeeze %dma_start3A_244 : memref<1x128xi32, #tpu.memory_space<vmem>> -> memref<128xi32, #tpu.memory_space<vmem>>
      %dma_start3A_246 = tpu.memref_slice %arg3[%add3A_112] : memref<32768xi32, #tpu.memory_space<hbm>> -> memref<128xi32, #tpu.memory_space<hbm>>
      tpu.enqueue_dma source(%dma_start3A_246 : memref<128xi32, #tpu.memory_space<hbm>>) target(%dma_start3A_245 : memref<128xi32, #tpu.memory_space<vmem>>) target_semaphore(%run_scoped3A_238 : memref<!tpu.dma_semaphore, #tpu.memory_space<semaphore_mem>>)
      %dma_wait3A_247 = arith.constant 0 : i32
      %dma_wait3A_248 = tpu.memref_slice %arg5[%run_scoped3A_113, %dma_wait3A_247] : memref<8x128xi32, #tpu.memory_space<vmem>> -> memref<1x128xi32, #tpu.memory_space<vmem>>
      %dma_wait3A_249 = tpu.memref_squeeze %dma_wait3A_248 : memref<1x128xi32, #tpu.memory_space<vmem>> -> memref<128xi32, #tpu.memory_space<vmem>>
      %dma_wait3A_250 = tpu.memref_slice %arg3[%add3A_112] : memref<32768xi32, #tpu.memory_space<hbm>> -> memref<128xi32, #tpu.memory_space<hbm>>
      %dma_wait3A_251 = arith.constant 0 : i32
      %dma_wait3A_252 = tpu.memref_slice %arg5[%run_scoped3A_113, %dma_wait3A_251] : memref<8x128xi32, #tpu.memory_space<vmem>> -> memref<1x128xi32, #tpu.memory_space<vmem>>
      %dma_wait3A_253 = tpu.memref_squeeze %dma_wait3A_252 : memref<1x128xi32, #tpu.memory_space<vmem>> -> memref<128xi32, #tpu.memory_space<vmem>>
      %dma_wait3A_254 = tpu.memref_slice %arg3[%add3A_112] : memref<32768xi32, #tpu.memory_space<hbm>> -> memref<128xi32, #tpu.memory_space<hbm>>
      tpu.wait_dma2 semaphore(%run_scoped3A_238 : memref<!tpu.dma_semaphore, #tpu.memory_space<semaphore_mem>>) src(%dma_wait3A_254 : memref<128xi32, #tpu.memory_space<hbm>>) dst(%dma_wait3A_253 : memref<128xi32, #tpu.memory_space<vmem>>)
      tpu.yield
    }) : () -> ()
    %dma_start3A_114 = arith.constant 1 : i32
    %dma_start3A_115 = arith.constant 6 : i32
    %dma_start3A_116 = arith.constant 0 : i32
    %dma_start3A_117 = arith.constant 0 : i32
    %dma_start3A_118 = tpu.memref_slice %arg6[%dma_start3A_114, %dma_start3A_116, %dma_start3A_117] : memref<2x128x384xi32, #tpu.memory_space<vmem>> -> memref<1x128x384xi32, #tpu.memory_space<vmem>>
    %dma_start3A_119 = tpu.memref_squeeze %dma_start3A_118 : memref<1x128x384xi32, #tpu.memory_space<vmem>> -> memref<128x384xi32, #tpu.memory_space<vmem>>
    %dma_start3A_120 = arith.constant 0 : i32
    %dma_start3A_121 = tpu.memref_slice %arg5[%dma_start3A_115, %dma_start3A_120] : memref<8x128xi32, #tpu.memory_space<vmem>> -> memref<1x128xi32, #tpu.memory_space<vmem>>
    %dma_start3A_122 = tpu.memref_squeeze %dma_start3A_121 : memref<1x128xi32, #tpu.memory_space<vmem>> -> memref<128xi32, #tpu.memory_space<vmem>>
    %dma_start3A_123 = arith.constant 0 : i32
    %dma_start3A_124 = arith.constant 0 : i32
    %dma_start3A_125 = tpu.memref_slice %arg4[%dma_start3A_123, %dma_start3A_124] : memref<36864x384xi32, #tpu.memory_space<hbm>> -> memref<36864x384xi32, #tpu.memory_space<hbm>>
    tpu.enqueue_indirect_dma source(%dma_start3A_119 : memref<128x384xi32, #tpu.memory_space<vmem>>) target(%dma_start3A_125 : memref<36864x384xi32, #tpu.memory_space<hbm>>) offsets(%dma_start3A_122 : memref<128xi32, #tpu.memory_space<vmem>>) semaphore(%arg7 : memref<!tpu.dma_semaphore, #tpu.memory_space<semaphore_mem>>)
    %add3A_126 = arith.constant 24576 : i32
    %add3A_127 = arith.addi %add3A_126, %mul3A_2 : i32
    %add3A_128 = arith.constant 128 : i32
    %add3A_129 = arith.addi %add3A_127, %add3A_128 : i32
    %run_scoped3A_130 = arith.constant 7 : i32
    "tpu.region"() ({
      %run_scoped3A_238 = tpu.sem_alloc : memref<!tpu.dma_semaphore, #tpu.memory_space<semaphore_mem>>
      %dma_start3A_239 = arith.constant 0 : i32
      %dma_start3A_240 = tpu.memref_slice %arg5[%run_scoped3A_130, %dma_start3A_239] : memref<8x128xi32, #tpu.memory_space<vmem>> -> memref<1x128xi32, #tpu.memory_space<vmem>>
      %dma_start3A_241 = tpu.memref_squeeze %dma_start3A_240 : memref<1x128xi32, #tpu.memory_space<vmem>> -> memref<128xi32, #tpu.memory_space<vmem>>
      %dma_start3A_242 = tpu.memref_slice %arg3[%add3A_129] : memref<32768xi32, #tpu.memory_space<hbm>> -> memref<128xi32, #tpu.memory_space<hbm>>
      %dma_start3A_243 = arith.constant 0 : i32
      %dma_start3A_244 = tpu.memref_slice %arg5[%run_scoped3A_130, %dma_start3A_243] : memref<8x128xi32, #tpu.memory_space<vmem>> -> memref<1x128xi32, #tpu.memory_space<vmem>>
      %dma_start3A_245 = tpu.memref_squeeze %dma_start3A_244 : memref<1x128xi32, #tpu.memory_space<vmem>> -> memref<128xi32, #tpu.memory_space<vmem>>
      %dma_start3A_246 = tpu.memref_slice %arg3[%add3A_129] : memref<32768xi32, #tpu.memory_space<hbm>> -> memref<128xi32, #tpu.memory_space<hbm>>
      tpu.enqueue_dma source(%dma_start3A_246 : memref<128xi32, #tpu.memory_space<hbm>>) target(%dma_start3A_245 : memref<128xi32, #tpu.memory_space<vmem>>) target_semaphore(%run_scoped3A_238 : memref<!tpu.dma_semaphore, #tpu.memory_space<semaphore_mem>>)
      %dma_wait3A_247 = arith.constant 0 : i32
      %dma_wait3A_248 = tpu.memref_slice %arg5[%run_scoped3A_130, %dma_wait3A_247] : memref<8x128xi32, #tpu.memory_space<vmem>> -> memref<1x128xi32, #tpu.memory_space<vmem>>
      %dma_wait3A_249 = tpu.memref_squeeze %dma_wait3A_248 : memref<1x128xi32, #tpu.memory_space<vmem>> -> memref<128xi32, #tpu.memory_space<vmem>>
      %dma_wait3A_250 = tpu.memref_slice %arg3[%add3A_129] : memref<32768xi32, #tpu.memory_space<hbm>> -> memref<128xi32, #tpu.memory_space<hbm>>
      %dma_wait3A_251 = arith.constant 0 : i32
      %dma_wait3A_252 = tpu.memref_slice %arg5[%run_scoped3A_130, %dma_wait3A_251] : memref<8x128xi32, #tpu.memory_space<vmem>> -> memref<1x128xi32, #tpu.memory_space<vmem>>
      %dma_wait3A_253 = tpu.memref_squeeze %dma_wait3A_252 : memref<1x128xi32, #tpu.memory_space<vmem>> -> memref<128xi32, #tpu.memory_space<vmem>>
      %dma_wait3A_254 = tpu.memref_slice %arg3[%add3A_129] : memref<32768xi32, #tpu.memory_space<hbm>> -> memref<128xi32, #tpu.memory_space<hbm>>
      tpu.wait_dma2 semaphore(%run_scoped3A_238 : memref<!tpu.dma_semaphore, #tpu.memory_space<semaphore_mem>>) src(%dma_wait3A_254 : memref<128xi32, #tpu.memory_space<hbm>>) dst(%dma_wait3A_253 : memref<128xi32, #tpu.memory_space<vmem>>)
      tpu.yield
    }) : () -> ()
    %dma_start3A_131 = arith.constant 1 : i32
    %dma_start3A_132 = arith.constant 7 : i32
    %dma_start3A_133 = arith.constant 0 : i32
    %dma_start3A_134 = arith.constant 0 : i32
    %dma_start3A_135 = tpu.memref_slice %arg6[%dma_start3A_131, %dma_start3A_133, %dma_start3A_134] : memref<2x128x384xi32, #tpu.memory_space<vmem>> -> memref<1x128x384xi32, #tpu.memory_space<vmem>>
    %dma_start3A_136 = tpu.memref_squeeze %dma_start3A_135 : memref<1x128x384xi32, #tpu.memory_space<vmem>> -> memref<128x384xi32, #tpu.memory_space<vmem>>
    %dma_start3A_137 = arith.constant 0 : i32
    %dma_start3A_138 = tpu.memref_slice %arg5[%dma_start3A_132, %dma_start3A_137] : memref<8x128xi32, #tpu.memory_space<vmem>> -> memref<1x128xi32, #tpu.memory_space<vmem>>
    %dma_start3A_139 = tpu.memref_squeeze %dma_start3A_138 : memref<1x128xi32, #tpu.memory_space<vmem>> -> memref<128xi32, #tpu.memory_space<vmem>>
    %dma_start3A_140 = arith.constant 0 : i32
    %dma_start3A_141 = arith.constant 0 : i32
    %dma_start3A_142 = tpu.memref_slice %arg4[%dma_start3A_140, %dma_start3A_141] : memref<36864x384xi32, #tpu.memory_space<hbm>> -> memref<36864x384xi32, #tpu.memory_space<hbm>>
    tpu.enqueue_indirect_dma source(%dma_start3A_136 : memref<128x384xi32, #tpu.memory_space<vmem>>) target(%dma_start3A_142 : memref<36864x384xi32, #tpu.memory_space<hbm>>) offsets(%dma_start3A_139 : memref<128xi32, #tpu.memory_space<vmem>>) semaphore(%arg7 : memref<!tpu.dma_semaphore, #tpu.memory_space<semaphore_mem>>)
    %dma_wait3A = arith.constant 0 : i32
    %dma_wait3A_143 = arith.constant 0 : i32
    %dma_wait3A_144 = arith.constant 0 : i32
    %dma_wait3A_145 = arith.constant 0 : i32
    %dma_wait3A_146 = tpu.memref_slice %arg6[%dma_wait3A, %dma_wait3A_144, %dma_wait3A_145] : memref<2x128x384xi32, #tpu.memory_space<vmem>> -> memref<1x128x384xi32, #tpu.memory_space<vmem>>
    %dma_wait3A_147 = tpu.memref_squeeze %dma_wait3A_146 : memref<1x128x384xi32, #tpu.memory_space<vmem>> -> memref<128x384xi32, #tpu.memory_space<vmem>>
    %dma_wait3A_148 = arith.constant 0 : i32
    %dma_wait3A_149 = tpu.memref_slice %arg5[%dma_wait3A_143, %dma_wait3A_148] : memref<8x128xi32, #tpu.memory_space<vmem>> -> memref<1x128xi32, #tpu.memory_space<vmem>>
    %dma_wait3A_150 = tpu.memref_squeeze %dma_wait3A_149 : memref<1x128xi32, #tpu.memory_space<vmem>> -> memref<128xi32, #tpu.memory_space<vmem>>
    %dma_wait3A_151 = arith.constant 0 : i32
    %dma_wait3A_152 = arith.constant 0 : i32
    %dma_wait3A_153 = tpu.memref_slice %arg4[%dma_wait3A_151, %dma_wait3A_152] : memref<36864x384xi32, #tpu.memory_space<hbm>> -> memref<36864x384xi32, #tpu.memory_space<hbm>>
    tpu.wait_indirect_dma semaphore(%arg7 : memref<!tpu.dma_semaphore, #tpu.memory_space<semaphore_mem>>) src(%dma_wait3A_147 : memref<128x384xi32, #tpu.memory_space<vmem>>) dst(%dma_wait3A_153 : memref<36864x384xi32, #tpu.memory_space<hbm>>)
    %dma_wait3A_154 = arith.constant 0 : i32
    %dma_wait3A_155 = arith.constant 1 : i32
    %dma_wait3A_156 = arith.constant 0 : i32
    %dma_wait3A_157 = arith.constant 0 : i32
    %dma_wait3A_158 = tpu.memref_slice %arg6[%dma_wait3A_154, %dma_wait3A_156, %dma_wait3A_157] : memref<2x128x384xi32, #tpu.memory_space<vmem>> -> memref<1x128x384xi32, #tpu.memory_space<vmem>>
    %dma_wait3A_159 = tpu.memref_squeeze %dma_wait3A_158 : memref<1x128x384xi32, #tpu.memory_space<vmem>> -> memref<128x384xi32, #tpu.memory_space<vmem>>
    %dma_wait3A_160 = arith.constant 0 : i32
    %dma_wait3A_161 = tpu.memref_slice %arg5[%dma_wait3A_155, %dma_wait3A_160] : memref<8x128xi32, #tpu.memory_space<vmem>> -> memref<1x128xi32, #tpu.memory_space<vmem>>
    %dma_wait3A_162 = tpu.memref_squeeze %dma_wait3A_161 : memref<1x128xi32, #tpu.memory_space<vmem>> -> memref<128xi32, #tpu.memory_space<vmem>>
    %dma_wait3A_163 = arith.constant 0 : i32
    %dma_wait3A_164 = arith.constant 0 : i32
    %dma_wait3A_165 = tpu.memref_slice %arg4[%dma_wait3A_163, %dma_wait3A_164] : memref<36864x384xi32, #tpu.memory_space<hbm>> -> memref<36864x384xi32, #tpu.memory_space<hbm>>
    tpu.wait_indirect_dma semaphore(%arg7 : memref<!tpu.dma_semaphore, #tpu.memory_space<semaphore_mem>>) src(%dma_wait3A_159 : memref<128x384xi32, #tpu.memory_space<vmem>>) dst(%dma_wait3A_165 : memref<36864x384xi32, #tpu.memory_space<hbm>>)
    %dma_wait3A_166 = arith.constant 0 : i32
    %dma_wait3A_167 = arith.constant 2 : i32
    %dma_wait3A_168 = arith.constant 0 : i32
    %dma_wait3A_169 = arith.constant 0 : i32
    %dma_wait3A_170 = tpu.memref_slice %arg6[%dma_wait3A_166, %dma_wait3A_168, %dma_wait3A_169] : memref<2x128x384xi32, #tpu.memory_space<vmem>> -> memref<1x128x384xi32, #tpu.memory_space<vmem>>
    %dma_wait3A_171 = tpu.memref_squeeze %dma_wait3A_170 : memref<1x128x384xi32, #tpu.memory_space<vmem>> -> memref<128x384xi32, #tpu.memory_space<vmem>>
    %dma_wait3A_172 = arith.constant 0 : i32
    %dma_wait3A_173 = tpu.memref_slice %arg5[%dma_wait3A_167, %dma_wait3A_172] : memref<8x128xi32, #tpu.memory_space<vmem>> -> memref<1x128xi32, #tpu.memory_space<vmem>>
    %dma_wait3A_174 = tpu.memref_squeeze %dma_wait3A_173 : memref<1x128xi32, #tpu.memory_space<vmem>> -> memref<128xi32, #tpu.memory_space<vmem>>
    %dma_wait3A_175 = arith.constant 0 : i32
    %dma_wait3A_176 = arith.constant 0 : i32
    %dma_wait3A_177 = tpu.memref_slice %arg4[%dma_wait3A_175, %dma_wait3A_176] : memref<36864x384xi32, #tpu.memory_space<hbm>> -> memref<36864x384xi32, #tpu.memory_space<hbm>>
    tpu.wait_indirect_dma semaphore(%arg7 : memref<!tpu.dma_semaphore, #tpu.memory_space<semaphore_mem>>) src(%dma_wait3A_171 : memref<128x384xi32, #tpu.memory_space<vmem>>) dst(%dma_wait3A_177 : memref<36864x384xi32, #tpu.memory_space<hbm>>)
    %dma_wait3A_178 = arith.constant 0 : i32
    %dma_wait3A_179 = arith.constant 3 : i32
    %dma_wait3A_180 = arith.constant 0 : i32
    %dma_wait3A_181 = arith.constant 0 : i32
    %dma_wait3A_182 = tpu.memref_slice %arg6[%dma_wait3A_178, %dma_wait3A_180, %dma_wait3A_181] : memref<2x128x384xi32, #tpu.memory_space<vmem>> -> memref<1x128x384xi32, #tpu.memory_space<vmem>>
    %dma_wait3A_183 = tpu.memref_squeeze %dma_wait3A_182 : memref<1x128x384xi32, #tpu.memory_space<vmem>> -> memref<128x384xi32, #tpu.memory_space<vmem>>
    %dma_wait3A_184 = arith.constant 0 : i32
    %dma_wait3A_185 = tpu.memref_slice %arg5[%dma_wait3A_179, %dma_wait3A_184] : memref<8x128xi32, #tpu.memory_space<vmem>> -> memref<1x128xi32, #tpu.memory_space<vmem>>
    %dma_wait3A_186 = tpu.memref_squeeze %dma_wait3A_185 : memref<1x128xi32, #tpu.memory_space<vmem>> -> memref<128xi32, #tpu.memory_space<vmem>>
    %dma_wait3A_187 = arith.constant 0 : i32
    %dma_wait3A_188 = arith.constant 0 : i32
    %dma_wait3A_189 = tpu.memref_slice %arg4[%dma_wait3A_187, %dma_wait3A_188] : memref<36864x384xi32, #tpu.memory_space<hbm>> -> memref<36864x384xi32, #tpu.memory_space<hbm>>
    tpu.wait_indirect_dma semaphore(%arg7 : memref<!tpu.dma_semaphore, #tpu.memory_space<semaphore_mem>>) src(%dma_wait3A_183 : memref<128x384xi32, #tpu.memory_space<vmem>>) dst(%dma_wait3A_189 : memref<36864x384xi32, #tpu.memory_space<hbm>>)
    %dma_wait3A_190 = arith.constant 1 : i32
    %dma_wait3A_191 = arith.constant 4 : i32
    %dma_wait3A_192 = arith.constant 0 : i32
    %dma_wait3A_193 = arith.constant 0 : i32
    %dma_wait3A_194 = tpu.memref_slice %arg6[%dma_wait3A_190, %dma_wait3A_192, %dma_wait3A_193] : memref<2x128x384xi32, #tpu.memory_space<vmem>> -> memref<1x128x384xi32, #tpu.memory_space<vmem>>
    %dma_wait3A_195 = tpu.memref_squeeze %dma_wait3A_194 : memref<1x128x384xi32, #tpu.memory_space<vmem>> -> memref<128x384xi32, #tpu.memory_space<vmem>>
    %dma_wait3A_196 = arith.constant 0 : i32
    %dma_wait3A_197 = tpu.memref_slice %arg5[%dma_wait3A_191, %dma_wait3A_196] : memref<8x128xi32, #tpu.memory_space<vmem>> -> memref<1x128xi32, #tpu.memory_space<vmem>>
    %dma_wait3A_198 = tpu.memref_squeeze %dma_wait3A_197 : memref<1x128xi32, #tpu.memory_space<vmem>> -> memref<128xi32, #tpu.memory_space<vmem>>
    %dma_wait3A_199 = arith.constant 0 : i32
    %dma_wait3A_200 = arith.constant 0 : i32
    %dma_wait3A_201 = tpu.memref_slice %arg4[%dma_wait3A_199, %dma_wait3A_200] : memref<36864x384xi32, #tpu.memory_space<hbm>> -> memref<36864x384xi32, #tpu.memory_space<hbm>>
    tpu.wait_indirect_dma semaphore(%arg7 : memref<!tpu.dma_semaphore, #tpu.memory_space<semaphore_mem>>) src(%dma_wait3A_195 : memref<128x384xi32, #tpu.memory_space<vmem>>) dst(%dma_wait3A_201 : memref<36864x384xi32, #tpu.memory_space<hbm>>)
    %dma_wait3A_202 = arith.constant 1 : i32
    %dma_wait3A_203 = arith.constant 5 : i32
    %dma_wait3A_204 = arith.constant 0 : i32
    %dma_wait3A_205 = arith.constant 0 : i32
    %dma_wait3A_206 = tpu.memref_slice %arg6[%dma_wait3A_202, %dma_wait3A_204, %dma_wait3A_205] : memref<2x128x384xi32, #tpu.memory_space<vmem>> -> memref<1x128x384xi32, #tpu.memory_space<vmem>>
    %dma_wait3A_207 = tpu.memref_squeeze %dma_wait3A_206 : memref<1x128x384xi32, #tpu.memory_space<vmem>> -> memref<128x384xi32, #tpu.memory_space<vmem>>
    %dma_wait3A_208 = arith.constant 0 : i32
    %dma_wait3A_209 = tpu.memref_slice %arg5[%dma_wait3A_203, %dma_wait3A_208] : memref<8x128xi32, #tpu.memory_space<vmem>> -> memref<1x128xi32, #tpu.memory_space<vmem>>
    %dma_wait3A_210 = tpu.memref_squeeze %dma_wait3A_209 : memref<1x128xi32, #tpu.memory_space<vmem>> -> memref<128xi32, #tpu.memory_space<vmem>>
    %dma_wait3A_211 = arith.constant 0 : i32
    %dma_wait3A_212 = arith.constant 0 : i32
    %dma_wait3A_213 = tpu.memref_slice %arg4[%dma_wait3A_211, %dma_wait3A_212] : memref<36864x384xi32, #tpu.memory_space<hbm>> -> memref<36864x384xi32, #tpu.memory_space<hbm>>
    tpu.wait_indirect_dma semaphore(%arg7 : memref<!tpu.dma_semaphore, #tpu.memory_space<semaphore_mem>>) src(%dma_wait3A_207 : memref<128x384xi32, #tpu.memory_space<vmem>>) dst(%dma_wait3A_213 : memref<36864x384xi32, #tpu.memory_space<hbm>>)
    %dma_wait3A_214 = arith.constant 1 : i32
    %dma_wait3A_215 = arith.constant 6 : i32
    %dma_wait3A_216 = arith.constant 0 : i32
    %dma_wait3A_217 = arith.constant 0 : i32
    %dma_wait3A_218 = tpu.memref_slice %arg6[%dma_wait3A_214, %dma_wait3A_216, %dma_wait3A_217] : memref<2x128x384xi32, #tpu.memory_space<vmem>> -> memref<1x128x384xi32, #tpu.memory_space<vmem>>
    %dma_wait3A_219 = tpu.memref_squeeze %dma_wait3A_218 : memref<1x128x384xi32, #tpu.memory_space<vmem>> -> memref<128x384xi32, #tpu.memory_space<vmem>>
    %dma_wait3A_220 = arith.constant 0 : i32
    %dma_wait3A_221 = tpu.memref_slice %arg5[%dma_wait3A_215, %dma_wait3A_220] : memref<8x128xi32, #tpu.memory_space<vmem>> -> memref<1x128xi32, #tpu.memory_space<vmem>>
    %dma_wait3A_222 = tpu.memref_squeeze %dma_wait3A_221 : memref<1x128xi32, #tpu.memory_space<vmem>> -> memref<128xi32, #tpu.memory_space<vmem>>
    %dma_wait3A_223 = arith.constant 0 : i32
    %dma_wait3A_224 = arith.constant 0 : i32
    %dma_wait3A_225 = tpu.memref_slice %arg4[%dma_wait3A_223, %dma_wait3A_224] : memref<36864x384xi32, #tpu.memory_space<hbm>> -> memref<36864x384xi32, #tpu.memory_space<hbm>>
    tpu.wait_indirect_dma semaphore(%arg7 : memref<!tpu.dma_semaphore, #tpu.memory_space<semaphore_mem>>) src(%dma_wait3A_219 : memref<128x384xi32, #tpu.memory_space<vmem>>) dst(%dma_wait3A_225 : memref<36864x384xi32, #tpu.memory_space<hbm>>)
    %dma_wait3A_226 = arith.constant 1 : i32
    %dma_wait3A_227 = arith.constant 7 : i32
    %dma_wait3A_228 = arith.constant 0 : i32
    %dma_wait3A_229 = arith.constant 0 : i32
    %dma_wait3A_230 = tpu.memref_slice %arg6[%dma_wait3A_226, %dma_wait3A_228, %dma_wait3A_229] : memref<2x128x384xi32, #tpu.memory_space<vmem>> -> memref<1x128x384xi32, #tpu.memory_space<vmem>>
    %dma_wait3A_231 = tpu.memref_squeeze %dma_wait3A_230 : memref<1x128x384xi32, #tpu.memory_space<vmem>> -> memref<128x384xi32, #tpu.memory_space<vmem>>
    %dma_wait3A_232 = arith.constant 0 : i32
    %dma_wait3A_233 = tpu.memref_slice %arg5[%dma_wait3A_227, %dma_wait3A_232] : memref<8x128xi32, #tpu.memory_space<vmem>> -> memref<1x128xi32, #tpu.memory_space<vmem>>
    %dma_wait3A_234 = tpu.memref_squeeze %dma_wait3A_233 : memref<1x128xi32, #tpu.memory_space<vmem>> -> memref<128xi32, #tpu.memory_space<vmem>>
    %dma_wait3A_235 = arith.constant 0 : i32
    %dma_wait3A_236 = arith.constant 0 : i32
    %dma_wait3A_237 = tpu.memref_slice %arg4[%dma_wait3A_235, %dma_wait3A_236] : memref<36864x384xi32, #tpu.memory_space<hbm>> -> memref<36864x384xi32, #tpu.memory_space<hbm>>
    tpu.wait_indirect_dma semaphore(%arg7 : memref<!tpu.dma_semaphore, #tpu.memory_space<semaphore_mem>>) src(%dma_wait3A_231 : memref<128x384xi32, #tpu.memory_space<vmem>>) dst(%dma_wait3A_237 : memref<36864x384xi32, #tpu.memory_space<hbm>>)
    return
  }
}

module attributes {stable_mosaic.version = 14 : i64} {
  func.func @_route_body(%arg0: i32, %arg1: memref<1024x768xf32, #tpu.memory_space<vmem>>, %arg2: memref<768x8xbf16, #tpu.memory_space<vmem>>, %arg3: memref<1x8xf32, #tpu.memory_space<vmem>>, %arg4: memref<1024x1024xbf16, #tpu.memory_space<vmem>>, %arg5: memref<1024x384xi32, #tpu.memory_space<vmem>>, %arg6: memref<1024x4xf32, #tpu.memory_space<vmem>>, %arg7: memref<1024x4xi32, #tpu.memory_space<vmem>>, %arg8: memref<1024x4xi32, #tpu.memory_space<vmem>>, %arg9: memref<1x8xi32, #tpu.memory_space<vmem>>, %arg10: memref<1x8xi32, #tpu.memory_space<vmem>>) attributes {dimension_semantics = [#tpu.dimension_semantics<arbitrary>], iteration_bounds = array<i64: 8>, scalar_prefetch = 0 : i64, scratch_operands = 1 : i64, tpu.core_type = #tpu.core_type<tc>, window_params = [{transform_indices = @transform_0, window_bounds = array<i64: 1024, 768>}, {pipeline_mode = #tpu.pipeline_mode<synchronous>, transform_indices = @transform_1, window_bounds = array<i64: 768, 8>}, {pipeline_mode = #tpu.pipeline_mode<synchronous>, transform_indices = @transform_2, window_bounds = array<i64: 1, 8>}, {pipeline_mode = #tpu.pipeline_mode<synchronous>, transform_indices = @transform_3, window_bounds = array<i64: 1024, 1024>}, {transform_indices = @transform_4, window_bounds = array<i64: 1024, 384>}, {transform_indices = @transform_5, window_bounds = array<i64: 1024, 4>}, {transform_indices = @transform_6, window_bounds = array<i64: 1024, 4>}, {transform_indices = @transform_7, window_bounds = array<i64: 1024, 4>}, {pipeline_mode = #tpu.pipeline_mode<synchronous>, transform_indices = @transform_8, window_bounds = array<i64: 1, 8>}]} {
    %get3A = arith.constant 0 : index
    %get3A_0 = arith.constant 0 : index
    %get3A_1 = vector.load %arg1[%get3A, %get3A_0] : memref<1024x768xf32, #tpu.memory_space<vmem>>, vector<1024x768xf32>
    %convert_element_type3A = arith.truncf %get3A_1 : vector<1024x768xf32> to vector<1024x768xbf16>
    %slice3A = vector.extract_strided_slice %convert_element_type3A {offsets = [0, 0], sizes = [1024, 384], strides = [1, 1]} : vector<1024x768xbf16> to vector<1024x384xbf16>
    %bitcast_convert_type3A = tpu.bitcast %slice3A : vector<1024x384xbf16> -> vector<1024x384xi16>
    %convert_element_type3A_2 = arith.extui %bitcast_convert_type3A : vector<1024x384xi16> to vector<1024x384xi32>
    %slice3A_3 = vector.extract_strided_slice %convert_element_type3A {offsets = [0, 384], sizes = [1024, 384], strides = [1, 1]} : vector<1024x768xbf16> to vector<1024x384xbf16>
    %bitcast_convert_type3A_4 = tpu.bitcast %slice3A_3 : vector<1024x384xbf16> -> vector<1024x384xi16>
    %convert_element_type3A_5 = arith.extui %bitcast_convert_type3A_4 : vector<1024x384xi16> to vector<1024x384xi32>
    %shift_left3A = arith.constant 16 : i32
    %shift_left3A_6 = vector.broadcast %shift_left3A : i32 to vector<1024x384xi32>
    %shift_left3A_7 = arith.shli %convert_element_type3A_5, %shift_left3A_6 : vector<1024x384xi32>
    %or3A = arith.ori %convert_element_type3A_2, %shift_left3A_7 : vector<1024x384xi32>
    %bitcast_convert_type3A_8 = tpu.bitcast %or3A : vector<1024x384xi32> -> vector<1024x384xi32>
    %swap3A = arith.constant 0 : index
    %swap3A_9 = arith.constant 0 : index
    %swap3A_10 = vector.load %arg5[%swap3A, %swap3A_9] : memref<1024x384xi32, #tpu.memory_space<vmem>>, vector<1024x384xi32>
    tpu.vector_store %arg5[%swap3A, %swap3A_9], %bitcast_convert_type3A_8 {strides = array<i32>} : memref<1024x384xi32, #tpu.memory_space<vmem>>, vector<1024x384xi32>,
    %get3A_11 = arith.constant 0 : index
    %get3A_12 = arith.constant 0 : index
    %get3A_13 = vector.load %arg2[%get3A_11, %get3A_12] : memref<768x8xbf16, #tpu.memory_space<vmem>>, vector<768x8xbf16>
    %dot_general3A = arith.constant dense<0.000000e+00> : vector<1024x8xf32>
    %dot_general3A_14 = tpu.matmul %convert_element_type3A, %get3A_13, %dot_general3A {dimension_numbers = #tpu.dot_dimension_numbers<[1], [0], [0], [1], [0, 0, 1, 1], [], []>, transpose_lhs_hint = false} : vector<1024x768xbf16>, vector<768x8xbf16>, vector<1024x8xf32> -> vector<1024x8xf32>
    %get3A_15 = arith.constant 0 : index
    %get3A_16 = arith.constant 0 : index
    %get3A_17 = vector.load %arg3[%get3A_15, %get3A_16] : memref<1x8xf32, #tpu.memory_space<vmem>>, vector<1x8xf32>
    %add3A = vector.broadcast %get3A_17 : vector<1x8xf32> to vector<1024x8xf32>
    %add3A_18 = arith.addf %dot_general3A_14, %add3A : vector<1024x8xf32>
    %iota3A = tpu.iota {dimensions = array<i32: 1>} : vector<1024x8xi32>
    %broadcast_in_dim3A = arith.constant 0 : i32
    %broadcast_in_dim3A_19 = vector.broadcast %broadcast_in_dim3A : i32 to vector<1024x8xi32>
    %slice3A_20 = vector.extract_strided_slice %add3A_18 {offsets = [0, 0], sizes = [1024, 1], strides = [1, 1]} : vector<1024x8xf32> to vector<1024x1xf32>
    %gt3A = vector.broadcast %slice3A_20 : vector<1024x1xf32> to vector<1024x8xf32>
    %gt3A_21 = arith.cmpf ogt, %gt3A, %add3A_18 : vector<1024x8xf32>
    %eq3A = vector.broadcast %slice3A_20 : vector<1024x1xf32> to vector<1024x8xf32>
    %eq3A_22 = arith.cmpf oeq, %eq3A, %add3A_18 : vector<1024x8xf32>
    %gt3A_23 = arith.constant 0 : i32
    %gt3A_24 = vector.broadcast %gt3A_23 : i32 to vector<1024x8xi32>
    %gt3A_25 = arith.cmpi sgt, %iota3A, %gt3A_24 : vector<1024x8xi32>
    %and3A = arith.andi %eq3A_22, %gt3A_25 : vector<1024x8xi1>
    %or3A_26 = arith.ori %gt3A_21, %and3A : vector<1024x8xi1>
    %convert_element_type3A_27 = arith.extui %or3A_26 : vector<1024x8xi1> to vector<1024x8xi32>
    %add3A_28 = arith.addi %broadcast_in_dim3A_19, %convert_element_type3A_27 : vector<1024x8xi32>
    %slice3A_29 = vector.extract_strided_slice %add3A_18 {offsets = [0, 1], sizes = [1024, 1], strides = [1, 1]} : vector<1024x8xf32> to vector<1024x1xf32>
    %gt3A_30 = vector.broadcast %slice3A_29 : vector<1024x1xf32> to vector<1024x8xf32>
    %gt3A_31 = arith.cmpf ogt, %gt3A_30, %add3A_18 : vector<1024x8xf32>
    %eq3A_32 = vector.broadcast %slice3A_29 : vector<1024x1xf32> to vector<1024x8xf32>
    %eq3A_33 = arith.cmpf oeq, %eq3A_32, %add3A_18 : vector<1024x8xf32>
    %gt3A_34 = arith.constant 1 : i32
    %gt3A_35 = vector.broadcast %gt3A_34 : i32 to vector<1024x8xi32>
    %gt3A_36 = arith.cmpi sgt, %iota3A, %gt3A_35 : vector<1024x8xi32>
    %and3A_37 = arith.andi %eq3A_33, %gt3A_36 : vector<1024x8xi1>
    %or3A_38 = arith.ori %gt3A_31, %and3A_37 : vector<1024x8xi1>
    %convert_element_type3A_39 = arith.extui %or3A_38 : vector<1024x8xi1> to vector<1024x8xi32>
    %add3A_40 = arith.addi %add3A_28, %convert_element_type3A_39 : vector<1024x8xi32>
    %slice3A_41 = vector.extract_strided_slice %add3A_18 {offsets = [0, 2], sizes = [1024, 1], strides = [1, 1]} : vector<1024x8xf32> to vector<1024x1xf32>
    %gt3A_42 = vector.broadcast %slice3A_41 : vector<1024x1xf32> to vector<1024x8xf32>
    %gt3A_43 = arith.cmpf ogt, %gt3A_42, %add3A_18 : vector<1024x8xf32>
    %eq3A_44 = vector.broadcast %slice3A_41 : vector<1024x1xf32> to vector<1024x8xf32>
    %eq3A_45 = arith.cmpf oeq, %eq3A_44, %add3A_18 : vector<1024x8xf32>
    %gt3A_46 = arith.constant 2 : i32
    %gt3A_47 = vector.broadcast %gt3A_46 : i32 to vector<1024x8xi32>
    %gt3A_48 = arith.cmpi sgt, %iota3A, %gt3A_47 : vector<1024x8xi32>
    %and3A_49 = arith.andi %eq3A_45, %gt3A_48 : vector<1024x8xi1>
    %or3A_50 = arith.ori %gt3A_43, %and3A_49 : vector<1024x8xi1>
    %convert_element_type3A_51 = arith.extui %or3A_50 : vector<1024x8xi1> to vector<1024x8xi32>
    %add3A_52 = arith.addi %add3A_40, %convert_element_type3A_51 : vector<1024x8xi32>
    %slice3A_53 = vector.extract_strided_slice %add3A_18 {offsets = [0, 3], sizes = [1024, 1], strides = [1, 1]} : vector<1024x8xf32> to vector<1024x1xf32>
    %gt3A_54 = vector.broadcast %slice3A_53 : vector<1024x1xf32> to vector<1024x8xf32>
    %gt3A_55 = arith.cmpf ogt, %gt3A_54, %add3A_18 : vector<1024x8xf32>
    %eq3A_56 = vector.broadcast %slice3A_53 : vector<1024x1xf32> to vector<1024x8xf32>
    %eq3A_57 = arith.cmpf oeq, %eq3A_56, %add3A_18 : vector<1024x8xf32>
    %gt3A_58 = arith.constant 3 : i32
    %gt3A_59 = vector.broadcast %gt3A_58 : i32 to vector<1024x8xi32>
    %gt3A_60 = arith.cmpi sgt, %iota3A, %gt3A_59 : vector<1024x8xi32>
    %and3A_61 = arith.andi %eq3A_57, %gt3A_60 : vector<1024x8xi1>
    %or3A_62 = arith.ori %gt3A_55, %and3A_61 : vector<1024x8xi1>
    %convert_element_type3A_63 = arith.extui %or3A_62 : vector<1024x8xi1> to vector<1024x8xi32>
    %add3A_64 = arith.addi %add3A_52, %convert_element_type3A_63 : vector<1024x8xi32>
    %slice3A_65 = vector.extract_strided_slice %add3A_18 {offsets = [0, 4], sizes = [1024, 1], strides = [1, 1]} : vector<1024x8xf32> to vector<1024x1xf32>
    %gt3A_66 = vector.broadcast %slice3A_65 : vector<1024x1xf32> to vector<1024x8xf32>
    %gt3A_67 = arith.cmpf ogt, %gt3A_66, %add3A_18 : vector<1024x8xf32>
    %eq3A_68 = vector.broadcast %slice3A_65 : vector<1024x1xf32> to vector<1024x8xf32>
    %eq3A_69 = arith.cmpf oeq, %eq3A_68, %add3A_18 : vector<1024x8xf32>
    %gt3A_70 = arith.constant 4 : i32
    %gt3A_71 = vector.broadcast %gt3A_70 : i32 to vector<1024x8xi32>
    %gt3A_72 = arith.cmpi sgt, %iota3A, %gt3A_71 : vector<1024x8xi32>
    %and3A_73 = arith.andi %eq3A_69, %gt3A_72 : vector<1024x8xi1>
    %or3A_74 = arith.ori %gt3A_67, %and3A_73 : vector<1024x8xi1>
    %convert_element_type3A_75 = arith.extui %or3A_74 : vector<1024x8xi1> to vector<1024x8xi32>
    %add3A_76 = arith.addi %add3A_64, %convert_element_type3A_75 : vector<1024x8xi32>
    %slice3A_77 = vector.extract_strided_slice %add3A_18 {offsets = [0, 5], sizes = [1024, 1], strides = [1, 1]} : vector<1024x8xf32> to vector<1024x1xf32>
    %gt3A_78 = vector.broadcast %slice3A_77 : vector<1024x1xf32> to vector<1024x8xf32>
    %gt3A_79 = arith.cmpf ogt, %gt3A_78, %add3A_18 : vector<1024x8xf32>
    %eq3A_80 = vector.broadcast %slice3A_77 : vector<1024x1xf32> to vector<1024x8xf32>
    %eq3A_81 = arith.cmpf oeq, %eq3A_80, %add3A_18 : vector<1024x8xf32>
    %gt3A_82 = arith.constant 5 : i32
    %gt3A_83 = vector.broadcast %gt3A_82 : i32 to vector<1024x8xi32>
    %gt3A_84 = arith.cmpi sgt, %iota3A, %gt3A_83 : vector<1024x8xi32>
    %and3A_85 = arith.andi %eq3A_81, %gt3A_84 : vector<1024x8xi1>
    %or3A_86 = arith.ori %gt3A_79, %and3A_85 : vector<1024x8xi1>
    %convert_element_type3A_87 = arith.extui %or3A_86 : vector<1024x8xi1> to vector<1024x8xi32>
    %add3A_88 = arith.addi %add3A_76, %convert_element_type3A_87 : vector<1024x8xi32>
    %slice3A_89 = vector.extract_strided_slice %add3A_18 {offsets = [0, 6], sizes = [1024, 1], strides = [1, 1]} : vector<1024x8xf32> to vector<1024x1xf32>
    %gt3A_90 = vector.broadcast %slice3A_89 : vector<1024x1xf32> to vector<1024x8xf32>
    %gt3A_91 = arith.cmpf ogt, %gt3A_90, %add3A_18 : vector<1024x8xf32>
    %eq3A_92 = vector.broadcast %slice3A_89 : vector<1024x1xf32> to vector<1024x8xf32>
    %eq3A_93 = arith.cmpf oeq, %eq3A_92, %add3A_18 : vector<1024x8xf32>
    %gt3A_94 = arith.constant 6 : i32
    %gt3A_95 = vector.broadcast %gt3A_94 : i32 to vector<1024x8xi32>
    %gt3A_96 = arith.cmpi sgt, %iota3A, %gt3A_95 : vector<1024x8xi32>
    %and3A_97 = arith.andi %eq3A_93, %gt3A_96 : vector<1024x8xi1>
    %or3A_98 = arith.ori %gt3A_91, %and3A_97 : vector<1024x8xi1>
    %convert_element_type3A_99 = arith.extui %or3A_98 : vector<1024x8xi1> to vector<1024x8xi32>
    %add3A_100 = arith.addi %add3A_88, %convert_element_type3A_99 : vector<1024x8xi32>
    %slice3A_101 = vector.extract_strided_slice %add3A_18 {offsets = [0, 7], sizes = [1024, 1], strides = [1, 1]} : vector<1024x8xf32> to vector<1024x1xf32>
    %gt3A_102 = vector.broadcast %slice3A_101 : vector<1024x1xf32> to vector<1024x8xf32>
    %gt3A_103 = arith.cmpf ogt, %gt3A_102, %add3A_18 : vector<1024x8xf32>
    %eq3A_104 = vector.broadcast %slice3A_101 : vector<1024x1xf32> to vector<1024x8xf32>
    %eq3A_105 = arith.cmpf oeq, %eq3A_104, %add3A_18 : vector<1024x8xf32>
    %gt3A_106 = arith.constant 7 : i32
    %gt3A_107 = vector.broadcast %gt3A_106 : i32 to vector<1024x8xi32>
    %gt3A_108 = arith.cmpi sgt, %iota3A, %gt3A_107 : vector<1024x8xi32>
    %and3A_109 = arith.andi %eq3A_105, %gt3A_108 : vector<1024x8xi1>
    %or3A_110 = arith.ori %gt3A_103, %and3A_109 : vector<1024x8xi1>
    %convert_element_type3A_111 = arith.extui %or3A_110 : vector<1024x8xi1> to vector<1024x8xi32>
    %add3A_112 = arith.addi %add3A_100, %convert_element_type3A_111 : vector<1024x8xi32>
    %lt3A = arith.constant 4 : i32
    %lt3A_113 = vector.broadcast %lt3A : i32 to vector<1024x8xi32>
    %lt3A_114 = arith.cmpi slt, %add3A_112, %lt3A_113 : vector<1024x8xi32>
    %reduce_max3A = arith.constant dense<0xFF800000> : vector<1024xf32>
    %reduce_max3A_115 = vector.multi_reduction <maximumf>, %add3A_18, %reduce_max3A [1] : vector<1024x8xf32> to vector<1024xf32>
    %broadcast_in_dim3A_116 = vector.shape_cast %reduce_max3A_115 : vector<1024xf32> to vector<1024x1xf32>
    %sub3A = vector.broadcast %broadcast_in_dim3A_116 : vector<1024x1xf32> to vector<1024x8xf32>
    %sub3A_117 = arith.subf %add3A_18, %sub3A : vector<1024x8xf32>
    %exp3A = math.exp %sub3A_117 : vector<1024x8xf32>
    %jit3A = arith.constant 0.000000e+00 : f32
    %broadcast_in_dim3A_118 = vector.broadcast %jit3A : f32 to vector<1024x8xf32>
    %select_n3A = arith.select %lt3A_114, %exp3A, %broadcast_in_dim3A_118 : vector<1024x8xi1>, vector<1024x8xf32>
    %reduce_sum3A = arith.constant dense<0.000000e+00> : vector<1024xf32>
    %reduce_sum3A_119 = vector.multi_reduction <add>, %select_n3A, %reduce_sum3A [1] : vector<1024x8xf32> to vector<1024xf32>
    %broadcast_in_dim3A_120 = vector.shape_cast %reduce_sum3A_119 : vector<1024xf32> to vector<1024x1xf32>
    %div3A = vector.broadcast %broadcast_in_dim3A_120 : vector<1024x1xf32> to vector<1024x8xf32>
    %div3A_121 = arith.divf %select_n3A, %div3A : vector<1024x8xf32>
    %convert_element_type3A_122 = arith.extui %lt3A_114 : vector<1024x8xi1> to vector<1024x8xi32>
    %get3A_123 = arith.constant 0 : index
    %get3A_124 = arith.constant 0 : index
    %get3A_125 = vector.load %arg4[%get3A_123, %get3A_124] : memref<1024x1024xbf16, #tpu.memory_space<vmem>>, vector<1024x1024xbf16>
    %convert_element_type3A_126 = arith.extui %lt3A_114 : vector<1024x8xi1> to vector<1024x8xi32>
    %convert_element_type3A_127 = arith.sitofp %convert_element_type3A_126 : vector<1024x8xi32> to vector<1024x8xf32>
    %convert_element_type3A_128 = arith.truncf %convert_element_type3A_127 : vector<1024x8xf32> to vector<1024x8xbf16>
    %dot_general3A_129 = arith.constant dense<0.000000e+00> : vector<1024x8xf32>
    %dot_general3A_130 = tpu.matmul %get3A_125, %convert_element_type3A_128, %dot_general3A_129 {dimension_numbers = #tpu.dot_dimension_numbers<[1], [0], [0], [1], [0, 0, 1, 1], [], []>, transpose_lhs_hint = false} : vector<1024x1024xbf16>, vector<1024x8xbf16>, vector<1024x8xf32> -> vector<1024x8xf32>
    %convert_element_type3A_131 = arith.fptosi %dot_general3A_130 : vector<1024x8xf32> to vector<1024x8xi32>
    %eq3A_132 = arith.constant 0 : i32
    %eq3A_133 = arith.cmpi eq, %arg0, %eq3A_132 : i32
    %convert_element_type3A_134 = arith.extui %eq3A_133 : i1 to i32
    %cond3A = arith.constant 0 : i32
    %cond3A_135 = arith.cmpi ne, %convert_element_type3A_134, %cond3A : i32
    scf.if %cond3A_135 {
      %broadcast_in_dim3A_255 = arith.constant 0 : i32
      %broadcast_in_dim3A_256 = vector.broadcast %broadcast_in_dim3A_255 : i32 to vector<1x8xi32>
      %swap3A_257 = arith.constant 0 : index
      %swap3A_258 = arith.constant 0 : index
      %swap3A_259 = vector.load %arg10[%swap3A_257, %swap3A_258] : memref<1x8xi32, #tpu.memory_space<vmem>>, vector<1x8xi32>
      tpu.vector_store %arg10[%swap3A_257, %swap3A_258], %broadcast_in_dim3A_256 {strides = array<i32>} : memref<1x8xi32, #tpu.memory_space<vmem>>, vector<1x8xi32>,
    } else {
    }
    %get3A_136 = arith.constant 0 : index
    %get3A_137 = arith.constant 0 : index
    %get3A_138 = vector.load %arg10[%get3A_136, %get3A_137] : memref<1x8xi32, #tpu.memory_space<vmem>>, vector<1x8xi32>
    %sub3A_139 = arith.subi %convert_element_type3A_131, %convert_element_type3A_122 : vector<1024x8xi32>
    %add3A_140 = vector.broadcast %get3A_138 : vector<1x8xi32> to vector<1024x8xi32>
    %add3A_141 = arith.addi %sub3A_139, %add3A_140 : vector<1024x8xi32>
    %eq3A_142 = arith.constant 0 : i32
    %eq3A_143 = arith.cmpi eq, %arg0, %eq3A_142 : i32
    %convert_element_type3A_144 = arith.extui %eq3A_143 : i1 to i32
    %cond3A_145 = arith.constant 0 : i32
    %cond3A_146 = arith.cmpi ne, %convert_element_type3A_144, %cond3A_145 : i32
    scf.if %cond3A_146 {
      %broadcast_in_dim3A_255 = arith.constant 0 : i32
      %broadcast_in_dim3A_256 = vector.broadcast %broadcast_in_dim3A_255 : i32 to vector<1x8xi32>
      %swap3A_257 = arith.constant 0 : index
      %swap3A_258 = arith.constant 0 : index
      %swap3A_259 = vector.load %arg9[%swap3A_257, %swap3A_258] : memref<1x8xi32, #tpu.memory_space<vmem>>, vector<1x8xi32>
      tpu.vector_store %arg9[%swap3A_257, %swap3A_258], %broadcast_in_dim3A_256 {strides = array<i32>} : memref<1x8xi32, #tpu.memory_space<vmem>>, vector<1x8xi32>,
    } else {
    }
    %get3A_147 = arith.constant 0 : index
    %get3A_148 = arith.constant 0 : index
    %get3A_149 = vector.load %arg9[%get3A_147, %get3A_148] : memref<1x8xi32, #tpu.memory_space<vmem>>, vector<1x8xi32>
    %slice3A_150 = vector.extract_strided_slice %convert_element_type3A_131 {offsets = [1023, 0], sizes = [1, 8], strides = [1, 1]} : vector<1024x8xi32> to vector<1x8xi32>
    %add3A_151 = arith.addi %get3A_149, %slice3A_150 : vector<1x8xi32>
    %swap3A_152 = arith.constant 0 : index
    %swap3A_153 = arith.constant 0 : index
    %swap3A_154 = vector.load %arg9[%swap3A_152, %swap3A_153] : memref<1x8xi32, #tpu.memory_space<vmem>>, vector<1x8xi32>
    tpu.vector_store %arg9[%swap3A_152, %swap3A_153], %add3A_151 {strides = array<i32>} : memref<1x8xi32, #tpu.memory_space<vmem>>, vector<1x8xi32>,
    %slice3A_155 = vector.extract_strided_slice %convert_element_type3A_131 {offsets = [1023, 0], sizes = [1, 8], strides = [1, 1]} : vector<1024x8xi32> to vector<1x8xi32>
    %add3A_156 = arith.addi %get3A_138, %slice3A_155 : vector<1x8xi32>
    %swap3A_157 = arith.constant 0 : index
    %swap3A_158 = arith.constant 0 : index
    %swap3A_159 = vector.load %arg10[%swap3A_157, %swap3A_158] : memref<1x8xi32, #tpu.memory_space<vmem>>, vector<1x8xi32>
    tpu.vector_store %arg10[%swap3A_157, %swap3A_158], %add3A_156 {strides = array<i32>} : memref<1x8xi32, #tpu.memory_space<vmem>>, vector<1x8xi32>,
    %eq3A_160 = arith.constant 0 : i32
    %eq3A_161 = vector.broadcast %eq3A_160 : i32 to vector<1024x8xi32>
    %eq3A_162 = arith.cmpi eq, %add3A_112, %eq3A_161 : vector<1024x8xi32>
    %jit3A_163 = arith.constant 0 : i32
    %broadcast_in_dim3A_164 = vector.broadcast %jit3A_163 : i32 to vector<1024x8xi32>
    %select_n3A_165 = arith.select %eq3A_162, %iota3A, %broadcast_in_dim3A_164 : vector<1024x8xi1>, vector<1024x8xi32>
    %reduce_sum3A_166 = arith.constant dense<0> : vector<1024xi32>
    %reduce_sum3A_167 = vector.multi_reduction <add>, %select_n3A_165, %reduce_sum3A_166 [1] : vector<1024x8xi32> to vector<1024xi32>
    %broadcast_in_dim3A_168 = vector.shape_cast %reduce_sum3A_167 : vector<1024xi32> to vector<1024x1xi32>
    %jit3A_169 = arith.constant 0.000000e+00 : f32
    %broadcast_in_dim3A_170 = vector.broadcast %jit3A_169 : f32 to vector<1024x8xf32>
    %select_n3A_171 = arith.select %eq3A_162, %div3A_121, %broadcast_in_dim3A_170 : vector<1024x8xi1>, vector<1024x8xf32>
    %reduce_sum3A_172 = arith.constant dense<0.000000e+00> : vector<1024xf32>
    %reduce_sum3A_173 = vector.multi_reduction <add>, %select_n3A_171, %reduce_sum3A_172 [1] : vector<1024x8xf32> to vector<1024xf32>
    %broadcast_in_dim3A_174 = vector.shape_cast %reduce_sum3A_173 : vector<1024xf32> to vector<1024x1xf32>
    %jit3A_175 = arith.constant 0 : i32
    %broadcast_in_dim3A_176 = vector.broadcast %jit3A_175 : i32 to vector<1024x8xi32>
    %select_n3A_177 = arith.select %eq3A_162, %add3A_141, %broadcast_in_dim3A_176 : vector<1024x8xi1>, vector<1024x8xi32>
    %reduce_sum3A_178 = arith.constant dense<0> : vector<1024xi32>
    %reduce_sum3A_179 = vector.multi_reduction <add>, %select_n3A_177, %reduce_sum3A_178 [1] : vector<1024x8xi32> to vector<1024xi32>
    %broadcast_in_dim3A_180 = vector.shape_cast %reduce_sum3A_179 : vector<1024xi32> to vector<1024x1xi32>
    %eq3A_181 = arith.constant 1 : i32
    %eq3A_182 = vector.broadcast %eq3A_181 : i32 to vector<1024x8xi32>
    %eq3A_183 = arith.cmpi eq, %add3A_112, %eq3A_182 : vector<1024x8xi32>
    %jit3A_184 = arith.constant 0 : i32
    %broadcast_in_dim3A_185 = vector.broadcast %jit3A_184 : i32 to vector<1024x8xi32>
    %select_n3A_186 = arith.select %eq3A_183, %iota3A, %broadcast_in_dim3A_185 : vector<1024x8xi1>, vector<1024x8xi32>
    %reduce_sum3A_187 = arith.constant dense<0> : vector<1024xi32>
    %reduce_sum3A_188 = vector.multi_reduction <add>, %select_n3A_186, %reduce_sum3A_187 [1] : vector<1024x8xi32> to vector<1024xi32>
    %broadcast_in_dim3A_189 = vector.shape_cast %reduce_sum3A_188 : vector<1024xi32> to vector<1024x1xi32>
    %jit3A_190 = arith.constant 0.000000e+00 : f32
    %broadcast_in_dim3A_191 = vector.broadcast %jit3A_190 : f32 to vector<1024x8xf32>
    %select_n3A_192 = arith.select %eq3A_183, %div3A_121, %broadcast_in_dim3A_191 : vector<1024x8xi1>, vector<1024x8xf32>
    %reduce_sum3A_193 = arith.constant dense<0.000000e+00> : vector<1024xf32>
    %reduce_sum3A_194 = vector.multi_reduction <add>, %select_n3A_192, %reduce_sum3A_193 [1] : vector<1024x8xf32> to vector<1024xf32>
    %broadcast_in_dim3A_195 = vector.shape_cast %reduce_sum3A_194 : vector<1024xf32> to vector<1024x1xf32>
    %jit3A_196 = arith.constant 0 : i32
    %broadcast_in_dim3A_197 = vector.broadcast %jit3A_196 : i32 to vector<1024x8xi32>
    %select_n3A_198 = arith.select %eq3A_183, %add3A_141, %broadcast_in_dim3A_197 : vector<1024x8xi1>, vector<1024x8xi32>
    %reduce_sum3A_199 = arith.constant dense<0> : vector<1024xi32>
    %reduce_sum3A_200 = vector.multi_reduction <add>, %select_n3A_198, %reduce_sum3A_199 [1] : vector<1024x8xi32> to vector<1024xi32>
    %broadcast_in_dim3A_201 = vector.shape_cast %reduce_sum3A_200 : vector<1024xi32> to vector<1024x1xi32>
    %eq3A_202 = arith.constant 2 : i32
    %eq3A_203 = vector.broadcast %eq3A_202 : i32 to vector<1024x8xi32>
    %eq3A_204 = arith.cmpi eq, %add3A_112, %eq3A_203 : vector<1024x8xi32>
    %jit3A_205 = arith.constant 0 : i32
    %broadcast_in_dim3A_206 = vector.broadcast %jit3A_205 : i32 to vector<1024x8xi32>
    %select_n3A_207 = arith.select %eq3A_204, %iota3A, %broadcast_in_dim3A_206 : vector<1024x8xi1>, vector<1024x8xi32>
    %reduce_sum3A_208 = arith.constant dense<0> : vector<1024xi32>
    %reduce_sum3A_209 = vector.multi_reduction <add>, %select_n3A_207, %reduce_sum3A_208 [1] : vector<1024x8xi32> to vector<1024xi32>
    %broadcast_in_dim3A_210 = vector.shape_cast %reduce_sum3A_209 : vector<1024xi32> to vector<1024x1xi32>
    %jit3A_211 = arith.constant 0.000000e+00 : f32
    %broadcast_in_dim3A_212 = vector.broadcast %jit3A_211 : f32 to vector<1024x8xf32>
    %select_n3A_213 = arith.select %eq3A_204, %div3A_121, %broadcast_in_dim3A_212 : vector<1024x8xi1>, vector<1024x8xf32>
    %reduce_sum3A_214 = arith.constant dense<0.000000e+00> : vector<1024xf32>
    %reduce_sum3A_215 = vector.multi_reduction <add>, %select_n3A_213, %reduce_sum3A_214 [1] : vector<1024x8xf32> to vector<1024xf32>
    %broadcast_in_dim3A_216 = vector.shape_cast %reduce_sum3A_215 : vector<1024xf32> to vector<1024x1xf32>
    %jit3A_217 = arith.constant 0 : i32
    %broadcast_in_dim3A_218 = vector.broadcast %jit3A_217 : i32 to vector<1024x8xi32>
    %select_n3A_219 = arith.select %eq3A_204, %add3A_141, %broadcast_in_dim3A_218 : vector<1024x8xi1>, vector<1024x8xi32>
    %reduce_sum3A_220 = arith.constant dense<0> : vector<1024xi32>
    %reduce_sum3A_221 = vector.multi_reduction <add>, %select_n3A_219, %reduce_sum3A_220 [1] : vector<1024x8xi32> to vector<1024xi32>
    %broadcast_in_dim3A_222 = vector.shape_cast %reduce_sum3A_221 : vector<1024xi32> to vector<1024x1xi32>
    %eq3A_223 = arith.constant 3 : i32
    %eq3A_224 = vector.broadcast %eq3A_223 : i32 to vector<1024x8xi32>
    %eq3A_225 = arith.cmpi eq, %add3A_112, %eq3A_224 : vector<1024x8xi32>
    %jit3A_226 = arith.constant 0 : i32
    %broadcast_in_dim3A_227 = vector.broadcast %jit3A_226 : i32 to vector<1024x8xi32>
    %select_n3A_228 = arith.select %eq3A_225, %iota3A, %broadcast_in_dim3A_227 : vector<1024x8xi1>, vector<1024x8xi32>
    %reduce_sum3A_229 = arith.constant dense<0> : vector<1024xi32>
    %reduce_sum3A_230 = vector.multi_reduction <add>, %select_n3A_228, %reduce_sum3A_229 [1] : vector<1024x8xi32> to vector<1024xi32>
    %broadcast_in_dim3A_231 = vector.shape_cast %reduce_sum3A_230 : vector<1024xi32> to vector<1024x1xi32>
    %jit3A_232 = arith.constant 0.000000e+00 : f32
    %broadcast_in_dim3A_233 = vector.broadcast %jit3A_232 : f32 to vector<1024x8xf32>
    %select_n3A_234 = arith.select %eq3A_225, %div3A_121, %broadcast_in_dim3A_233 : vector<1024x8xi1>, vector<1024x8xf32>
    %reduce_sum3A_235 = arith.constant dense<0.000000e+00> : vector<1024xf32>
    %reduce_sum3A_236 = vector.multi_reduction <add>, %select_n3A_234, %reduce_sum3A_235 [1] : vector<1024x8xf32> to vector<1024xf32>
    %broadcast_in_dim3A_237 = vector.shape_cast %reduce_sum3A_236 : vector<1024xf32> to vector<1024x1xf32>
    %jit3A_238 = arith.constant 0 : i32
    %broadcast_in_dim3A_239 = vector.broadcast %jit3A_238 : i32 to vector<1024x8xi32>
    %select_n3A_240 = arith.select %eq3A_225, %add3A_141, %broadcast_in_dim3A_239 : vector<1024x8xi1>, vector<1024x8xi32>
    %reduce_sum3A_241 = arith.constant dense<0> : vector<1024xi32>
    %reduce_sum3A_242 = vector.multi_reduction <add>, %select_n3A_240, %reduce_sum3A_241 [1] : vector<1024x8xi32> to vector<1024xi32>
    %broadcast_in_dim3A_243 = vector.shape_cast %reduce_sum3A_242 : vector<1024xi32> to vector<1024x1xi32>
    %concatenate3A = tpu.concatenate %broadcast_in_dim3A_174, %broadcast_in_dim3A_195, %broadcast_in_dim3A_216, %broadcast_in_dim3A_237 in 1 : vector<1024x1xf32>, vector<1024x1xf32>, vector<1024x1xf32>, vector<1024x1xf32> -> vector<1024x4xf32>
    %swap3A_244 = arith.constant 0 : index
    %swap3A_245 = arith.constant 0 : index
    %swap3A_246 = vector.load %arg6[%swap3A_244, %swap3A_245] : memref<1024x4xf32, #tpu.memory_space<vmem>>, vector<1024x4xf32>
    tpu.vector_store %arg6[%swap3A_244, %swap3A_245], %concatenate3A {strides = array<i32>} : memref<1024x4xf32, #tpu.memory_space<vmem>>, vector<1024x4xf32>,
    %concatenate3A_247 = tpu.concatenate %broadcast_in_dim3A_168, %broadcast_in_dim3A_189, %broadcast_in_dim3A_210, %broadcast_in_dim3A_231 in 1 : vector<1024x1xi32>, vector<1024x1xi32>, vector<1024x1xi32>, vector<1024x1xi32> -> vector<1024x4xi32>
    %swap3A_248 = arith.constant 0 : index
    %swap3A_249 = arith.constant 0 : index
    %swap3A_250 = vector.load %arg7[%swap3A_248, %swap3A_249] : memref<1024x4xi32, #tpu.memory_space<vmem>>, vector<1024x4xi32>
    tpu.vector_store %arg7[%swap3A_248, %swap3A_249], %concatenate3A_247 {strides = array<i32>} : memref<1024x4xi32, #tpu.memory_space<vmem>>, vector<1024x4xi32>,
    %concatenate3A_251 = tpu.concatenate %broadcast_in_dim3A_180, %broadcast_in_dim3A_201, %broadcast_in_dim3A_222, %broadcast_in_dim3A_243 in 1 : vector<1024x1xi32>, vector<1024x1xi32>, vector<1024x1xi32>, vector<1024x1xi32> -> vector<1024x4xi32>
    %swap3A_252 = arith.constant 0 : index
    %swap3A_253 = arith.constant 0 : index
    %swap3A_254 = vector.load %arg8[%swap3A_252, %swap3A_253] : memref<1024x4xi32, #tpu.memory_space<vmem>>, vector<1024x4xi32>
    tpu.vector_store %arg8[%swap3A_252, %swap3A_253], %concatenate3A_251 {strides = array<i32>} : memref<1024x4xi32, #tpu.memory_space<vmem>>, vector<1024x4xi32>,
    return
  }
  func.func @transform_0(%arg0: i32) -> (i32, i32) {
    %c0_i32 = arith.constant 0 : i32
    %c0_i32_0 = arith.constant 0 : i32
    return %arg0, %c0_i32 : i32, i32
  }
  func.func @transform_1(%arg0: i32) -> (i32, i32) {
    %c0_i32 = arith.constant 0 : i32
    %c0_i32_0 = arith.constant 0 : i32
    %c0_i32_1 = arith.constant 0 : i32
    return %c0_i32, %c0_i32_0 : i32, i32
  }
  func.func @transform_2(%arg0: i32) -> (i32, i32) {
    %c0_i32 = arith.constant 0 : i32
    %c0_i32_0 = arith.constant 0 : i32
    %c0_i32_1 = arith.constant 0 : i32
    return %c0_i32, %c0_i32_0 : i32, i32
  }
  func.func @transform_3(%arg0: i32) -> (i32, i32) {
    %c0_i32 = arith.constant 0 : i32
    %c0_i32_0 = arith.constant 0 : i32
    %c0_i32_1 = arith.constant 0 : i32
    return %c0_i32, %c0_i32_0 : i32, i32
  }
  func.func @transform_4(%arg0: i32) -> (i32, i32) {
    %c0_i32 = arith.constant 0 : i32
    %c0_i32_0 = arith.constant 0 : i32
    return %arg0, %c0_i32 : i32, i32
  }
  func.func @transform_5(%arg0: i32) -> (i32, i32) {
    %c0_i32 = arith.constant 0 : i32
    %c0_i32_0 = arith.constant 0 : i32
    return %arg0, %c0_i32 : i32, i32
  }
  func.func @transform_6(%arg0: i32) -> (i32, i32) {
    %c0_i32 = arith.constant 0 : i32
    %c0_i32_0 = arith.constant 0 : i32
    return %arg0, %c0_i32 : i32, i32
  }
  func.func @transform_7(%arg0: i32) -> (i32, i32) {
    %c0_i32 = arith.constant 0 : i32
    %c0_i32_0 = arith.constant 0 : i32
    return %arg0, %c0_i32 : i32, i32
  }
  func.func @transform_8(%arg0: i32) -> (i32, i32) {
    %c0_i32 = arith.constant 0 : i32
    %c0_i32_0 = arith.constant 0 : i32
    %c0_i32_1 = arith.constant 0 : i32
    return %c0_i32, %c0_i32_0 : i32, i32
  }
}

module attributes {stable_mosaic.version = 14 : i64} {
  func.func @_group_body(%arg0: i32, %arg1: memref<72xi32, #tpu.memory_space<smem>>, %arg2: memref<512x384xi32, #tpu.memory_space<vmem>>, %arg3: memref<1x768x2048xbf16, #tpu.memory_space<vmem>>, %arg4: memref<1x768x2048xbf16, #tpu.memory_space<vmem>>, %arg5: memref<1x2048x768xbf16, #tpu.memory_space<vmem>>, %arg6: memref<512x384xi32, #tpu.memory_space<vmem>>) attributes {dimension_semantics = [#tpu.dimension_semantics<parallel>], iteration_bounds = array<i64: 72>, scalar_prefetch = 1 : i64, scratch_operands = 0 : i64, tpu.core_type = #tpu.core_type<tc>, window_params = [{transform_indices = @transform_0, window_bounds = array<i64: 512, 384>}, {transform_indices = @transform_1, window_bounds = array<i64: 1, 768, 2048>}, {transform_indices = @transform_2, window_bounds = array<i64: 1, 768, 2048>}, {transform_indices = @transform_3, window_bounds = array<i64: 1, 2048, 768>}, {transform_indices = @transform_4, window_bounds = array<i64: 512, 384>}]} {
    %get3A = arith.constant 0 : index
    %get3A_0 = arith.constant 0 : index
    %get3A_1 = vector.load %arg2[%get3A, %get3A_0] : memref<512x384xi32, #tpu.memory_space<vmem>>, vector<512x384xi32>
    %bitcast_convert_type3A = tpu.bitcast %get3A_1 : vector<512x384xi32> -> vector<512x384xi32>
    %and3A = arith.constant 65535 : i32
    %and3A_2 = vector.broadcast %and3A : i32 to vector<512x384xi32>
    %and3A_3 = arith.andi %bitcast_convert_type3A, %and3A_2 : vector<512x384xi32>
    %convert_element_type3A = arith.trunci %and3A_3 : vector<512x384xi32> to vector<512x384xi16>
    %bitcast_convert_type3A_4 = tpu.bitcast %convert_element_type3A : vector<512x384xi16> -> vector<512x384xbf16>
    %shift_right_logical3A = arith.constant 16 : i32
    %shift_right_logical3A_5 = vector.broadcast %shift_right_logical3A : i32 to vector<512x384xi32>
    %shift_right_logical3A_6 = arith.shrui %bitcast_convert_type3A, %shift_right_logical3A_5 : vector<512x384xi32>
    %convert_element_type3A_7 = arith.trunci %shift_right_logical3A_6 : vector<512x384xi32> to vector<512x384xi16>
    %bitcast_convert_type3A_8 = tpu.bitcast %convert_element_type3A_7 : vector<512x384xi16> -> vector<512x384xbf16>
    %concatenate3A = tpu.concatenate %bitcast_convert_type3A_4, %bitcast_convert_type3A_8 in 1 : vector<512x384xbf16>, vector<512x384xbf16> -> vector<512x768xbf16>
    %get3A_9 = arith.constant 0 : index
    %get3A_10 = arith.constant 0 : index
    %get3A_11 = arith.constant 0 : index
    %get3A_12 = vector.load %arg3[%get3A_9, %get3A_10, %get3A_11] : memref<1x768x2048xbf16, #tpu.memory_space<vmem>>, vector<1x768x2048xbf16>
    %get3A_13 = vector.shape_cast %get3A_12 : vector<1x768x2048xbf16> to vector<768x2048xbf16>
    %dot_general3A = arith.constant dense<0.000000e+00> : vector<512x2048xf32>
    %dot_general3A_14 = tpu.matmul %concatenate3A, %get3A_13, %dot_general3A {dimension_numbers = #tpu.dot_dimension_numbers<[1], [0], [0], [1], [0, 0, 1, 1], [], []>, transpose_lhs_hint = false} : vector<512x768xbf16>, vector<768x2048xbf16>, vector<512x2048xf32> -> vector<512x2048xf32>
    %logistic3A = arith.negf %dot_general3A_14 : vector<512x2048xf32>
    %logistic3A_15 = math.exp %logistic3A : vector<512x2048xf32>
    %logistic3A_16 = arith.constant 1.000000e+00 : f32
    %logistic3A_17 = vector.broadcast %logistic3A_16 : f32 to vector<512x2048xf32>
    %logistic3A_18 = arith.addf %logistic3A_17, %logistic3A_15 : vector<512x2048xf32>
    %logistic3A_19 = arith.divf %logistic3A_17, %logistic3A_18 : vector<512x2048xf32>
    %mul3A = arith.mulf %dot_general3A_14, %logistic3A_19 : vector<512x2048xf32>
    %get3A_20 = arith.constant 0 : index
    %get3A_21 = arith.constant 0 : index
    %get3A_22 = arith.constant 0 : index
    %get3A_23 = vector.load %arg4[%get3A_20, %get3A_21, %get3A_22] : memref<1x768x2048xbf16, #tpu.memory_space<vmem>>, vector<1x768x2048xbf16>
    %get3A_24 = vector.shape_cast %get3A_23 : vector<1x768x2048xbf16> to vector<768x2048xbf16>
    %dot_general3A_25 = arith.constant dense<0.000000e+00> : vector<512x2048xf32>
    %dot_general3A_26 = tpu.matmul %concatenate3A, %get3A_24, %dot_general3A_25 {dimension_numbers = #tpu.dot_dimension_numbers<[1], [0], [0], [1], [0, 0, 1, 1], [], []>, transpose_lhs_hint = false} : vector<512x768xbf16>, vector<768x2048xbf16>, vector<512x2048xf32> -> vector<512x2048xf32>
    %mul3A_27 = arith.mulf %mul3A, %dot_general3A_26 : vector<512x2048xf32>
    %convert_element_type3A_28 = arith.truncf %mul3A_27 : vector<512x2048xf32> to vector<512x2048xbf16>
    %get3A_29 = arith.constant 0 : index
    %get3A_30 = arith.constant 0 : index
    %get3A_31 = arith.constant 0 : index
    %get3A_32 = vector.load %arg5[%get3A_29, %get3A_30, %get3A_31] : memref<1x2048x768xbf16, #tpu.memory_space<vmem>>, vector<1x2048x768xbf16>
    %get3A_33 = vector.shape_cast %get3A_32 : vector<1x2048x768xbf16> to vector<2048x768xbf16>
    %dot_general3A_34 = arith.constant dense<0.000000e+00> : vector<512x768xf32>
    %dot_general3A_35 = tpu.matmul %convert_element_type3A_28, %get3A_33, %dot_general3A_34 {dimension_numbers = #tpu.dot_dimension_numbers<[1], [0], [0], [1], [0, 0, 1, 1], [], []>, transpose_lhs_hint = false} : vector<512x2048xbf16>, vector<2048x768xbf16>, vector<512x768xf32> -> vector<512x768xf32>
    %convert_element_type3A_36 = arith.truncf %dot_general3A_35 : vector<512x768xf32> to vector<512x768xbf16>
    %slice3A = vector.extract_strided_slice %convert_element_type3A_36 {offsets = [0, 0], sizes = [512, 384], strides = [1, 1]} : vector<512x768xbf16> to vector<512x384xbf16>
    %bitcast_convert_type3A_37 = tpu.bitcast %slice3A : vector<512x384xbf16> -> vector<512x384xi16>
    %convert_element_type3A_38 = arith.extui %bitcast_convert_type3A_37 : vector<512x384xi16> to vector<512x384xi32>
    %slice3A_39 = vector.extract_strided_slice %convert_element_type3A_36 {offsets = [0, 384], sizes = [512, 384], strides = [1, 1]} : vector<512x768xbf16> to vector<512x384xbf16>
    %bitcast_convert_type3A_40 = tpu.bitcast %slice3A_39 : vector<512x384xbf16> -> vector<512x384xi16>
    %convert_element_type3A_41 = arith.extui %bitcast_convert_type3A_40 : vector<512x384xi16> to vector<512x384xi32>
    %shift_left3A = arith.constant 16 : i32
    %shift_left3A_42 = vector.broadcast %shift_left3A : i32 to vector<512x384xi32>
    %shift_left3A_43 = arith.shli %convert_element_type3A_41, %shift_left3A_42 : vector<512x384xi32>
    %or3A = arith.ori %convert_element_type3A_38, %shift_left3A_43 : vector<512x384xi32>
    %bitcast_convert_type3A_44 = tpu.bitcast %or3A : vector<512x384xi32> -> vector<512x384xi32>
    %swap3A = arith.constant 0 : index
    %swap3A_45 = arith.constant 0 : index
    %swap3A_46 = vector.load %arg6[%swap3A, %swap3A_45] : memref<512x384xi32, #tpu.memory_space<vmem>>, vector<512x384xi32>
    tpu.vector_store %arg6[%swap3A, %swap3A_45], %bitcast_convert_type3A_44 {strides = array<i32>} : memref<512x384xi32, #tpu.memory_space<vmem>>, vector<512x384xi32>,
    return
  }
  func.func @transform_0(%arg0: i32, %arg1: memref<72xi32, #tpu.memory_space<smem>>) -> (i32, i32) {
    %c0_i32 = arith.constant 0 : i32
    %c0_i32_0 = arith.constant 0 : i32
    return %arg0, %c0_i32 : i32, i32
  }
  func.func @transform_1(%arg0: i32, %arg1: memref<72xi32, #tpu.memory_space<smem>>) -> (i32, i32, i32) {
    %get3A = arith.index_cast %arg0 : i32 to index
    %get3A_0 = memref.load %arg1[%get3A] : memref<72xi32, #tpu.memory_space<smem>>
    %c0_i32 = arith.constant 0 : i32
    %c0_i32_1 = arith.constant 0 : i32
    %c0_i32_2 = arith.constant 0 : i32
    return %get3A_0, %c0_i32, %c0_i32_1 : i32, i32, i32
  }
  func.func @transform_2(%arg0: i32, %arg1: memref<72xi32, #tpu.memory_space<smem>>) -> (i32, i32, i32) {
    %get3A = arith.index_cast %arg0 : i32 to index
    %get3A_0 = memref.load %arg1[%get3A] : memref<72xi32, #tpu.memory_space<smem>>
    %c0_i32 = arith.constant 0 : i32
    %c0_i32_1 = arith.constant 0 : i32
    %c0_i32_2 = arith.constant 0 : i32
    return %get3A_0, %c0_i32, %c0_i32_1 : i32, i32, i32
  }
  func.func @transform_3(%arg0: i32, %arg1: memref<72xi32, #tpu.memory_space<smem>>) -> (i32, i32, i32) {
    %get3A = arith.index_cast %arg0 : i32 to index
    %get3A_0 = memref.load %arg1[%get3A] : memref<72xi32, #tpu.memory_space<smem>>
    %c0_i32 = arith.constant 0 : i32
    %c0_i32_1 = arith.constant 0 : i32
    %c0_i32_2 = arith.constant 0 : i32
    return %get3A_0, %c0_i32, %c0_i32_1 : i32, i32, i32
  }
  func.func @transform_4(%arg0: i32, %arg1: memref<72xi32, #tpu.memory_space<smem>>) -> (i32, i32) {
    %c0_i32 = arith.constant 0 : i32
    %c0_i32_0 = arith.constant 0 : i32
    return %arg0, %c0_i32 : i32, i32
  }
}

module attributes {stable_mosaic.version = 14 : i64} {
  func.func @_comb_body(%arg0: i32, %arg1: memref<512x768xf32, #tpu.memory_space<vmem>>, %arg2: memref<768x2048xbf16, #tpu.memory_space<vmem>>, %arg3: memref<768x2048xbf16, #tpu.memory_space<vmem>>, %arg4: memref<2048x768xbf16, #tpu.memory_space<vmem>>, %arg5: memref<4x512x384xi32, #tpu.memory_space<vmem>>, %arg6: memref<512x4xf32, #tpu.memory_space<vmem>>, %arg7: memref<512x768xf32, #tpu.memory_space<vmem>>) attributes {dimension_semantics = [#tpu.dimension_semantics<arbitrary>], iteration_bounds = array<i64: 16>, scalar_prefetch = 0 : i64, scratch_operands = 0 : i64, tpu.core_type = #tpu.core_type<tc>, window_params = [{transform_indices = @transform_0, window_bounds = array<i64: 512, 768>}, {pipeline_mode = #tpu.pipeline_mode<synchronous>, transform_indices = @transform_1, window_bounds = array<i64: 768, 2048>}, {pipeline_mode = #tpu.pipeline_mode<synchronous>, transform_indices = @transform_2, window_bounds = array<i64: 768, 2048>}, {pipeline_mode = #tpu.pipeline_mode<synchronous>, transform_indices = @transform_3, window_bounds = array<i64: 2048, 768>}, {transform_indices = @transform_4, window_bounds = array<i64: 4, 512, 384>}, {transform_indices = @transform_5, window_bounds = array<i64: 512, 4>}, {transform_indices = @transform_6, window_bounds = array<i64: 512, 768>}]} {
    %get3A = arith.constant 0 : index
    %get3A_0 = arith.constant 0 : index
    %get3A_1 = vector.load %arg1[%get3A, %get3A_0] : memref<512x768xf32, #tpu.memory_space<vmem>>, vector<512x768xf32>
    %convert_element_type3A = arith.truncf %get3A_1 : vector<512x768xf32> to vector<512x768xbf16>
    %get3A_2 = arith.constant 0 : index
    %get3A_3 = arith.constant 0 : index
    %get3A_4 = vector.load %arg2[%get3A_2, %get3A_3] : memref<768x2048xbf16, #tpu.memory_space<vmem>>, vector<768x2048xbf16>
    %dot_general3A = arith.constant dense<0.000000e+00> : vector<512x2048xf32>
    %dot_general3A_5 = tpu.matmul %convert_element_type3A, %get3A_4, %dot_general3A {dimension_numbers = #tpu.dot_dimension_numbers<[1], [0], [0], [1], [0, 0, 1, 1], [], []>, transpose_lhs_hint = false} : vector<512x768xbf16>, vector<768x2048xbf16>, vector<512x2048xf32> -> vector<512x2048xf32>
    %logistic3A = arith.negf %dot_general3A_5 : vector<512x2048xf32>
    %logistic3A_6 = math.exp %logistic3A : vector<512x2048xf32>
    %logistic3A_7 = arith.constant 1.000000e+00 : f32
    %logistic3A_8 = vector.broadcast %logistic3A_7 : f32 to vector<512x2048xf32>
    %logistic3A_9 = arith.addf %logistic3A_8, %logistic3A_6 : vector<512x2048xf32>
    %logistic3A_10 = arith.divf %logistic3A_8, %logistic3A_9 : vector<512x2048xf32>
    %mul3A = arith.mulf %dot_general3A_5, %logistic3A_10 : vector<512x2048xf32>
    %get3A_11 = arith.constant 0 : index
    %get3A_12 = arith.constant 0 : index
    %get3A_13 = vector.load %arg3[%get3A_11, %get3A_12] : memref<768x2048xbf16, #tpu.memory_space<vmem>>, vector<768x2048xbf16>
    %dot_general3A_14 = arith.constant dense<0.000000e+00> : vector<512x2048xf32>
    %dot_general3A_15 = tpu.matmul %convert_element_type3A, %get3A_13, %dot_general3A_14 {dimension_numbers = #tpu.dot_dimension_numbers<[1], [0], [0], [1], [0, 0, 1, 1], [], []>, transpose_lhs_hint = false} : vector<512x768xbf16>, vector<768x2048xbf16>, vector<512x2048xf32> -> vector<512x2048xf32>
    %mul3A_16 = arith.mulf %mul3A, %dot_general3A_15 : vector<512x2048xf32>
    %convert_element_type3A_17 = arith.truncf %mul3A_16 : vector<512x2048xf32> to vector<512x2048xbf16>
    %get3A_18 = arith.constant 0 : index
    %get3A_19 = arith.constant 0 : index
    %get3A_20 = vector.load %arg4[%get3A_18, %get3A_19] : memref<2048x768xbf16, #tpu.memory_space<vmem>>, vector<2048x768xbf16>
    %dot_general3A_21 = arith.constant dense<0.000000e+00> : vector<512x768xf32>
    %dot_general3A_22 = tpu.matmul %convert_element_type3A_17, %get3A_20, %dot_general3A_21 {dimension_numbers = #tpu.dot_dimension_numbers<[1], [0], [0], [1], [0, 0, 1, 1], [], []>, transpose_lhs_hint = false} : vector<512x2048xbf16>, vector<2048x768xbf16>, vector<512x768xf32> -> vector<512x768xf32>
    %get3A_23 = arith.constant 0 : index
    %get3A_24 = arith.constant 0 : index
    %get3A_25 = arith.constant 0 : index
    %get3A_26 = vector.load %arg5[%get3A_23, %get3A_24, %get3A_25] : memref<4x512x384xi32, #tpu.memory_space<vmem>>, vector<1x512x384xi32>
    %get3A_27 = vector.shape_cast %get3A_26 : vector<1x512x384xi32> to vector<512x384xi32>
    %bitcast_convert_type3A = tpu.bitcast %get3A_27 : vector<512x384xi32> -> vector<512x384xi32>
    %and3A = arith.constant 65535 : i32
    %and3A_28 = vector.broadcast %and3A : i32 to vector<512x384xi32>
    %and3A_29 = arith.andi %bitcast_convert_type3A, %and3A_28 : vector<512x384xi32>
    %convert_element_type3A_30 = arith.trunci %and3A_29 : vector<512x384xi32> to vector<512x384xi16>
    %bitcast_convert_type3A_31 = tpu.bitcast %convert_element_type3A_30 : vector<512x384xi16> -> vector<512x384xbf16>
    %shift_right_logical3A = arith.constant 16 : i32
    %shift_right_logical3A_32 = vector.broadcast %shift_right_logical3A : i32 to vector<512x384xi32>
    %shift_right_logical3A_33 = arith.shrui %bitcast_convert_type3A, %shift_right_logical3A_32 : vector<512x384xi32>
    %convert_element_type3A_34 = arith.trunci %shift_right_logical3A_33 : vector<512x384xi32> to vector<512x384xi16>
    %bitcast_convert_type3A_35 = tpu.bitcast %convert_element_type3A_34 : vector<512x384xi16> -> vector<512x384xbf16>
    %concatenate3A = tpu.concatenate %bitcast_convert_type3A_31, %bitcast_convert_type3A_35 in 1 : vector<512x384xbf16>, vector<512x384xbf16> -> vector<512x768xbf16>
    %get3A_36 = arith.constant 0 : index
    %get3A_37 = arith.constant 0 : index
    %get3A_38 = vector.load %arg6[%get3A_36, %get3A_37] : memref<512x4xf32, #tpu.memory_space<vmem>>, vector<512x1xf32>
    %gt3A = arith.constant 0.000000e+00 : f32
    %gt3A_39 = vector.broadcast %gt3A : f32 to vector<512x1xf32>
    %gt3A_40 = arith.cmpf ogt, %get3A_38, %gt3A_39 : vector<512x1xf32>
    %convert_element_type3A_41 = arith.extf %concatenate3A : vector<512x768xbf16> to vector<512x768xf32>
    %mul3A_42 = vector.broadcast %get3A_38 : vector<512x1xf32> to vector<512x768xf32>
    %mul3A_43 = arith.mulf %convert_element_type3A_41, %mul3A_42 : vector<512x768xf32>
    %jit3A = arith.constant 0.000000e+00 : f32
    %broadcast_in_dim3A = vector.shape_cast %gt3A_40 : vector<512x1xi1> to vector<512x1xi1>
    %broadcast_in_dim3A_44 = vector.broadcast %broadcast_in_dim3A : vector<512x1xi1> to vector<512x768xi1>
    %broadcast_in_dim3A_45 = vector.broadcast %jit3A : f32 to vector<512x768xf32>
    %select_n3A = arith.select %broadcast_in_dim3A_44, %mul3A_43, %broadcast_in_dim3A_45 : vector<512x768xi1>, vector<512x768xf32>
    %add3A = arith.addf %dot_general3A_22, %select_n3A : vector<512x768xf32>
    %get3A_46 = arith.constant 1 : index
    %get3A_47 = arith.constant 0 : index
    %get3A_48 = arith.constant 0 : index
    %get3A_49 = vector.load %arg5[%get3A_46, %get3A_47, %get3A_48] : memref<4x512x384xi32, #tpu.memory_space<vmem>>, vector<1x512x384xi32>
    %get3A_50 = vector.shape_cast %get3A_49 : vector<1x512x384xi32> to vector<512x384xi32>
    %bitcast_convert_type3A_51 = tpu.bitcast %get3A_50 : vector<512x384xi32> -> vector<512x384xi32>
    %and3A_52 = arith.constant 65535 : i32
    %and3A_53 = vector.broadcast %and3A_52 : i32 to vector<512x384xi32>
    %and3A_54 = arith.andi %bitcast_convert_type3A_51, %and3A_53 : vector<512x384xi32>
    %convert_element_type3A_55 = arith.trunci %and3A_54 : vector<512x384xi32> to vector<512x384xi16>
    %bitcast_convert_type3A_56 = tpu.bitcast %convert_element_type3A_55 : vector<512x384xi16> -> vector<512x384xbf16>
    %shift_right_logical3A_57 = arith.constant 16 : i32
    %shift_right_logical3A_58 = vector.broadcast %shift_right_logical3A_57 : i32 to vector<512x384xi32>
    %shift_right_logical3A_59 = arith.shrui %bitcast_convert_type3A_51, %shift_right_logical3A_58 : vector<512x384xi32>
    %convert_element_type3A_60 = arith.trunci %shift_right_logical3A_59 : vector<512x384xi32> to vector<512x384xi16>
    %bitcast_convert_type3A_61 = tpu.bitcast %convert_element_type3A_60 : vector<512x384xi16> -> vector<512x384xbf16>
    %concatenate3A_62 = tpu.concatenate %bitcast_convert_type3A_56, %bitcast_convert_type3A_61 in 1 : vector<512x384xbf16>, vector<512x384xbf16> -> vector<512x768xbf16>
    %get3A_63 = arith.constant 0 : index
    %get3A_64 = arith.constant 1 : index
    %get3A_65 = vector.load %arg6[%get3A_63, %get3A_64] : memref<512x4xf32, #tpu.memory_space<vmem>>, vector<512x1xf32>
    %gt3A_66 = arith.constant 0.000000e+00 : f32
    %gt3A_67 = vector.broadcast %gt3A_66 : f32 to vector<512x1xf32>
    %gt3A_68 = arith.cmpf ogt, %get3A_65, %gt3A_67 : vector<512x1xf32>
    %convert_element_type3A_69 = arith.extf %concatenate3A_62 : vector<512x768xbf16> to vector<512x768xf32>
    %mul3A_70 = vector.broadcast %get3A_65 : vector<512x1xf32> to vector<512x768xf32>
    %mul3A_71 = arith.mulf %convert_element_type3A_69, %mul3A_70 : vector<512x768xf32>
    %jit3A_72 = arith.constant 0.000000e+00 : f32
    %broadcast_in_dim3A_73 = vector.shape_cast %gt3A_68 : vector<512x1xi1> to vector<512x1xi1>
    %broadcast_in_dim3A_74 = vector.broadcast %broadcast_in_dim3A_73 : vector<512x1xi1> to vector<512x768xi1>
    %broadcast_in_dim3A_75 = vector.broadcast %jit3A_72 : f32 to vector<512x768xf32>
    %select_n3A_76 = arith.select %broadcast_in_dim3A_74, %mul3A_71, %broadcast_in_dim3A_75 : vector<512x768xi1>, vector<512x768xf32>
    %add3A_77 = arith.addf %add3A, %select_n3A_76 : vector<512x768xf32>
    %get3A_78 = arith.constant 2 : index
    %get3A_79 = arith.constant 0 : index
    %get3A_80 = arith.constant 0 : index
    %get3A_81 = vector.load %arg5[%get3A_78, %get3A_79, %get3A_80] : memref<4x512x384xi32, #tpu.memory_space<vmem>>, vector<1x512x384xi32>
    %get3A_82 = vector.shape_cast %get3A_81 : vector<1x512x384xi32> to vector<512x384xi32>
    %bitcast_convert_type3A_83 = tpu.bitcast %get3A_82 : vector<512x384xi32> -> vector<512x384xi32>
    %and3A_84 = arith.constant 65535 : i32
    %and3A_85 = vector.broadcast %and3A_84 : i32 to vector<512x384xi32>
    %and3A_86 = arith.andi %bitcast_convert_type3A_83, %and3A_85 : vector<512x384xi32>
    %convert_element_type3A_87 = arith.trunci %and3A_86 : vector<512x384xi32> to vector<512x384xi16>
    %bitcast_convert_type3A_88 = tpu.bitcast %convert_element_type3A_87 : vector<512x384xi16> -> vector<512x384xbf16>
    %shift_right_logical3A_89 = arith.constant 16 : i32
    %shift_right_logical3A_90 = vector.broadcast %shift_right_logical3A_89 : i32 to vector<512x384xi32>
    %shift_right_logical3A_91 = arith.shrui %bitcast_convert_type3A_83, %shift_right_logical3A_90 : vector<512x384xi32>
    %convert_element_type3A_92 = arith.trunci %shift_right_logical3A_91 : vector<512x384xi32> to vector<512x384xi16>
    %bitcast_convert_type3A_93 = tpu.bitcast %convert_element_type3A_92 : vector<512x384xi16> -> vector<512x384xbf16>
    %concatenate3A_94 = tpu.concatenate %bitcast_convert_type3A_88, %bitcast_convert_type3A_93 in 1 : vector<512x384xbf16>, vector<512x384xbf16> -> vector<512x768xbf16>
    %get3A_95 = arith.constant 0 : index
    %get3A_96 = arith.constant 2 : index
    %get3A_97 = vector.load %arg6[%get3A_95, %get3A_96] : memref<512x4xf32, #tpu.memory_space<vmem>>, vector<512x1xf32>
    %gt3A_98 = arith.constant 0.000000e+00 : f32
    %gt3A_99 = vector.broadcast %gt3A_98 : f32 to vector<512x1xf32>
    %gt3A_100 = arith.cmpf ogt, %get3A_97, %gt3A_99 : vector<512x1xf32>
    %convert_element_type3A_101 = arith.extf %concatenate3A_94 : vector<512x768xbf16> to vector<512x768xf32>
    %mul3A_102 = vector.broadcast %get3A_97 : vector<512x1xf32> to vector<512x768xf32>
    %mul3A_103 = arith.mulf %convert_element_type3A_101, %mul3A_102 : vector<512x768xf32>
    %jit3A_104 = arith.constant 0.000000e+00 : f32
    %broadcast_in_dim3A_105 = vector.shape_cast %gt3A_100 : vector<512x1xi1> to vector<512x1xi1>
    %broadcast_in_dim3A_106 = vector.broadcast %broadcast_in_dim3A_105 : vector<512x1xi1> to vector<512x768xi1>
    %broadcast_in_dim3A_107 = vector.broadcast %jit3A_104 : f32 to vector<512x768xf32>
    %select_n3A_108 = arith.select %broadcast_in_dim3A_106, %mul3A_103, %broadcast_in_dim3A_107 : vector<512x768xi1>, vector<512x768xf32>
    %add3A_109 = arith.addf %add3A_77, %select_n3A_108 : vector<512x768xf32>
    %get3A_110 = arith.constant 3 : index
    %get3A_111 = arith.constant 0 : index
    %get3A_112 = arith.constant 0 : index
    %get3A_113 = vector.load %arg5[%get3A_110, %get3A_111, %get3A_112] : memref<4x512x384xi32, #tpu.memory_space<vmem>>, vector<1x512x384xi32>
    %get3A_114 = vector.shape_cast %get3A_113 : vector<1x512x384xi32> to vector<512x384xi32>
    %bitcast_convert_type3A_115 = tpu.bitcast %get3A_114 : vector<512x384xi32> -> vector<512x384xi32>
    %and3A_116 = arith.constant 65535 : i32
    %and3A_117 = vector.broadcast %and3A_116 : i32 to vector<512x384xi32>
    %and3A_118 = arith.andi %bitcast_convert_type3A_115, %and3A_117 : vector<512x384xi32>
    %convert_element_type3A_119 = arith.trunci %and3A_118 : vector<512x384xi32> to vector<512x384xi16>
    %bitcast_convert_type3A_120 = tpu.bitcast %convert_element_type3A_119 : vector<512x384xi16> -> vector<512x384xbf16>
    %shift_right_logical3A_121 = arith.constant 16 : i32
    %shift_right_logical3A_122 = vector.broadcast %shift_right_logical3A_121 : i32 to vector<512x384xi32>
    %shift_right_logical3A_123 = arith.shrui %bitcast_convert_type3A_115, %shift_right_logical3A_122 : vector<512x384xi32>
    %convert_element_type3A_124 = arith.trunci %shift_right_logical3A_123 : vector<512x384xi32> to vector<512x384xi16>
    %bitcast_convert_type3A_125 = tpu.bitcast %convert_element_type3A_124 : vector<512x384xi16> -> vector<512x384xbf16>
    %concatenate3A_126 = tpu.concatenate %bitcast_convert_type3A_120, %bitcast_convert_type3A_125 in 1 : vector<512x384xbf16>, vector<512x384xbf16> -> vector<512x768xbf16>
    %get3A_127 = arith.constant 0 : index
    %get3A_128 = arith.constant 3 : index
    %get3A_129 = vector.load %arg6[%get3A_127, %get3A_128] : memref<512x4xf32, #tpu.memory_space<vmem>>, vector<512x1xf32>
    %gt3A_130 = arith.constant 0.000000e+00 : f32
    %gt3A_131 = vector.broadcast %gt3A_130 : f32 to vector<512x1xf32>
    %gt3A_132 = arith.cmpf ogt, %get3A_129, %gt3A_131 : vector<512x1xf32>
    %convert_element_type3A_133 = arith.extf %concatenate3A_126 : vector<512x768xbf16> to vector<512x768xf32>
    %mul3A_134 = vector.broadcast %get3A_129 : vector<512x1xf32> to vector<512x768xf32>
    %mul3A_135 = arith.mulf %convert_element_type3A_133, %mul3A_134 : vector<512x768xf32>
    %jit3A_136 = arith.constant 0.000000e+00 : f32
    %broadcast_in_dim3A_137 = vector.shape_cast %gt3A_132 : vector<512x1xi1> to vector<512x1xi1>
    %broadcast_in_dim3A_138 = vector.broadcast %broadcast_in_dim3A_137 : vector<512x1xi1> to vector<512x768xi1>
    %broadcast_in_dim3A_139 = vector.broadcast %jit3A_136 : f32 to vector<512x768xf32>
    %select_n3A_140 = arith.select %broadcast_in_dim3A_138, %mul3A_135, %broadcast_in_dim3A_139 : vector<512x768xi1>, vector<512x768xf32>
    %add3A_141 = arith.addf %add3A_109, %select_n3A_140 : vector<512x768xf32>
    %swap3A = arith.constant 0 : index
    %swap3A_142 = arith.constant 0 : index
    %swap3A_143 = vector.load %arg7[%swap3A, %swap3A_142] : memref<512x768xf32, #tpu.memory_space<vmem>>, vector<512x768xf32>
    tpu.vector_store %arg7[%swap3A, %swap3A_142], %add3A_141 {strides = array<i32>} : memref<512x768xf32, #tpu.memory_space<vmem>>, vector<512x768xf32>,
    return
  }
  func.func @transform_0(%arg0: i32) -> (i32, i32) {
    %c0_i32 = arith.constant 0 : i32
    %c0_i32_0 = arith.constant 0 : i32
    return %arg0, %c0_i32 : i32, i32
  }
  func.func @transform_1(%arg0: i32) -> (i32, i32) {
    %c0_i32 = arith.constant 0 : i32
    %c0_i32_0 = arith.constant 0 : i32
    %c0_i32_1 = arith.constant 0 : i32
    return %c0_i32, %c0_i32_0 : i32, i32
  }
  func.func @transform_2(%arg0: i32) -> (i32, i32) {
    %c0_i32 = arith.constant 0 : i32
    %c0_i32_0 = arith.constant 0 : i32
    %c0_i32_1 = arith.constant 0 : i32
    return %c0_i32, %c0_i32_0 : i32, i32
  }
  func.func @transform_3(%arg0: i32) -> (i32, i32) {
    %c0_i32 = arith.constant 0 : i32
    %c0_i32_0 = arith.constant 0 : i32
    %c0_i32_1 = arith.constant 0 : i32
    return %c0_i32, %c0_i32_0 : i32, i32
  }
  func.func @transform_4(%arg0: i32) -> (i32, i32, i32) {
    %c0_i32 = arith.constant 0 : i32
    %c0_i32_0 = arith.constant 0 : i32
    %c0_i32_1 = arith.constant 0 : i32
    return %c0_i32, %arg0, %c0_i32_0 : i32, i32, i32
  }
  func.func @transform_5(%arg0: i32) -> (i32, i32) {
    %c0_i32 = arith.constant 0 : i32
    %c0_i32_0 = arith.constant 0 : i32
    return %arg0, %c0_i32 : i32, i32
  }
  func.func @transform_6(%arg0: i32) -> (i32, i32) {
    %c0_i32 = arith.constant 0 : i32
    %c0_i32_0 = arith.constant 0 : i32
    return %arg0, %c0_i32 : i32, i32
  }
}

</mosaic_0001>

<sc_bundles>
// kernel: kernel.10.cloned.1.call-start
scs
__scs_entry_jumppad:
0x0: {  	(pc) =	sbr.rel $0x88, $3  }
0x1: {  	(tag) =	ssettag $0x0;
	lr =	simm.s32 $0x1  }
0x2: {  	[smem:$0x3F98] =	sst lr;
	_ =	strace $0xD0000000  }
0x3: {  	_ = 	snop  }
0x4: {  	_ = 	snop  }
0x5: {  	_ = 	snop  }
0x6: {  	_ = 	snop  }
0x7: {  	_ = 	snop  }
__scs_overlays_trampoline_lowered:
0x8: {  	[smem:$0x3FA7] =	sst s0  }
0x9: {  	[smem:$0x3FA8] =	sst s1  }
0xa: {  	[smem:$0x3FA9] =	sst s2  }
0xb: {  	[smem:$0x3FAA] =	sst s3  }
0xc: {  	[smem:$0x3FAB] =	sst s4  }
0xd: {  	[smem:$0x3FAC] =	sst s5  }
0xe: {  	[smem:$0x3FAD] =	sst s6  }
0xf: {  	[smem:$0x3FAE] =	sst s7  }
0x10: {  	[smem:$0x3FAF] =	sst s8  }
0x11: {  	[smem:$0x3FB0] =	sst s9;
	s0 =	simm.s32 @!p0 $0x0  }
0x12: {  	s1 =	sld [smem:$0x3F96];
	s0 =	simm.s32 @p0 $0x1  }
0x13: {  	[smem:$0x3FB1] =	sst s0;
	s0 =	simm.s32 @!p1 $0x0  }
0x14: {  	s2 =	sld [smem:$0x3F95];
	s0 =	simm.s32 @p1 $0x1  }
0x15: {  	[smem:$0x3FB2] =	sst s0;
	s0 =	simm.s32 @!p2 $0x0  }
0x16: {  	s3 =	sld [smem:$0x3FDB];
	s0 =	simm.s32 @p2 $0x1  }
0x17: {  	s4 =	simm.s32 $0x1BF5;
	[smem:$0x3FB4] =	sst s0  }
0x18: {  	s0 =	sld [smem:$0x3F97];
	_ =	swait.ge [sflag:s4], $0x0  }
0x19: {  	s7 =	sld [smem:$0x3F98]  }
0x1a: {  	s8 =	sadd.s32 $0xFFFFE003, lr  }
0x1b: {  	s9 =	sadd.s32 $0xFFFFFEF7, lr;
	s5 =	simm.s32 $0xFFFFFFFF;
	p2 =	slt.u32 s8, $0xFFFFF086  }
0x1c: {  	p1 =	slt.u32 s9, $0xF7A;
	s5 =	simm.s32 @!p2 $0x0  }
0x1d: {  	s5 =	simm.s32 @p1 $0x1;
	p0 =	seq.s32 s7, s2  }
0x1e: {  	s7 =	smul.u32 @!p0 $0xF7A, s2;
	p2 =	seq.s32 @!p0 s5, $0x0  }
0x1f: {  	s9 =	smul.u32 $0xF7A, s1;
	s8 =	simm.s32 @!p0 $0x1BF5;
	p2 =	por !p2, p0  }
0x20: {  	[sflag:s8] =	ssyncset.s32 @!p0 $0xFFFFF086;
	s6 =	sadd.s32 @!p0 s3, s7;
	s7 =	simm.s32 @!p0 $0x108  }
0x21: {  	s3 =	sadd.s32 s3, s9;
	s6 =	sadd.s32 @!p0 $0x88, s6;
	s7 =	simm.s32 @p2 $0x1082  }
0x22: {  	[simem:s7], [sflag:s8] =	dma.local @!p0 [hbm:s6], $0xF7A  }
0x23: {  	s9 =	sor.u32 $0xD0000000, s2;
	s6 =	simm.s32 $0x108;
	_ =	swait.ge @!p0 [sflag:s8], $0x0  }
0x24: {  	s3 =	sadd.s32 $0x88, s3;
	s6 =	simm.s32 @!p1 $0x1082;
	[sflag:s4] =	ssyncset.s32 $0xFFFFF086  }
0x25: {  	[simem:s6], [sflag:s4] =	dma.local [hbm:s3], $0xF7A  }
0x26: {  	[smem:$0x3F98] =	sst s1;
	(tag) =	ssettag s2;
	_ =	strace s9  }
0x27: {  	s1 =	sld [smem:$0x3FA8]  }
0x28: {  	s2 =	sld [smem:$0x3FA9]  }
0x29: {  	s4 =	sld [smem:$0x3FAB]  }
0x2a: {  	p0 =	seq.s32 s5, $0x0;
	s5 =	sld [smem:$0x3FAC]  }
0x2b: {  	s6 =	sld [smem:$0x3FAD]  }
0x2c: {  	s7 =	sld [smem:$0x3FAE]  }
0x2d: {  	s3 =	simm.s32 $0x108;
	s8 =	sld [smem:$0x3FAF]  }
0x2e: {  	s3 =	simm.s32 @!p0 $0x1082;
	s9 =	sld [smem:$0x3FB0]  }
0x2f: {  	lr =	sadd.s32 s0, s3;
	s0 =	sld [smem:$0x3FA7]  }
0x30: {  	s3 =	sld [smem:$0x3FAA]  }
0x31: {  	[smem:$0x3FB3] =	sst s10  }
0x32: {  	s10 =	sld [smem:$0x3FB1];
	_ =	sdelay $0x3  }
0x33: {  	p0 =	seq.s32 s10, $0x1;
	s10 =	sld [smem:$0x3FB3];
	_ =	sdelay $0x3  }
0x34: {  	[smem:$0x3FB3] =	sst s10  }
0x35: {  	s10 =	sld [smem:$0x3FB2];
	_ =	sdelay $0x3  }
0x36: {  	p1 =	seq.s32 s10, $0x1;
	s10 =	sld [smem:$0x3FB3];
	_ =	sdelay $0x3  }
0x37: {  	[smem:$0x3FB3] =	sst s10  }
0x38: {  	s10 =	sld [smem:$0x3FB4]  }
0x39: {  	_ = 	snop;
	(pc) =	sbr.ind lr, $3  }
0x3a: {  	_ = 	snop  }
0x3b: {  	_ = 	snop  }
0x3c: {  	p2 =	seq.s32 s10, $0x1;
	s10 =	sld [smem:$0x3FB3]  }
0x3d: {  	_ =	shalt  }
0x3e: {  	_ =	shalt  }
0x3f: {  	_ =	shalt  }
0x40: {  	_ =	shalt  }
0x41: {  	_ =	shalt  }
0x42: {  	_ =	shalt  }
0x43: {  	_ =	shalt  }
0x44: {  	_ =	shalt  }
0x45: {  	_ =	shalt  }
0x46: {  	_ =	shalt  }
0x47: {  	_ =	shalt  }
0x48: {  	_ =	shalt  }
0x49: {  	_ =	shalt  }
0x4a: {  	_ =	shalt  }
0x4b: {  	_ =	shalt  }
0x4c: {  	_ =	shalt  }
0x4d: {  	_ =	shalt  }
0x4e: {  	_ =	shalt  }
0x4f: {  	_ =	shalt  }
0x50: {  	_ =	shalt  }
0x51: {  	_ =	shalt  }
0x52: {  	_ =	shalt  }
0x53: {  	_ =	shalt  }
0x54: {  	_ =	shalt  }
0x55: {  	_ =	shalt  }
0x56: {  	_ =	shalt  }
0x57: {  	_ =	shalt  }
0x58: {  	_ =	shalt  }
0x59: {  	_ =	shalt  }
0x5a: {  	_ =	shalt  }
0x5b: {  	_ =	shalt  }
0x5c: {  	_ =	shalt  }
0x5d: {  	_ =	shalt  }
0x5e: {  	_ =	shalt  }
0x5f: {  	_ =	shalt  }
0x60: {  	_ =	shalt  }
0x61: {  	_ =	shalt  }
0x62: {  	_ =	shalt  }
0x63: {  	_ =	shalt  }
0x64: {  	_ =	shalt  }
0x65: {  	_ =	shalt  }
0x66: {  	_ =	shalt  }
0x67: {  	_ =	shalt  }
0x68: {  	_ =	shalt  }
0x69: {  	_ =	shalt  }
0x6a: {  	_ =	shalt  }
0x6b: {  	_ =	shalt  }
0x6c: {  	_ =	shalt  }
0x6d: {  	_ =	shalt  }
0x6e: {  	_ =	shalt  }
0x6f: {  	_ =	shalt  }
0x70: {  	_ =	shalt  }
0x71: {  	_ =	shalt  }
0x72: {  	_ =	shalt  }
0x73: {  	_ =	shalt  }
0x74: {  	_ =	shalt  }
0x75: {  	_ =	shalt  }
0x76: {  	_ =	shalt  }
0x77: {  	_ =	shalt  }
0x78: {  	_ =	shalt  }
0x79: {  	_ =	shalt  }
0x7a: {  	_ =	shalt  }
0x7b: {  	_ =	shalt  }
0x7c: {  	_ =	shalt  }
0x7d: {  	_ =	shalt  }
0x7e: {  	_ =	shalt  }
0x7f: {  	_ =	shalt  }
0x80: {  	_ =	shalt  }
0x81: {  	_ =	shalt  }
0x82: {  	_ =	shalt  }
0x83: {  	_ =	shalt  }
0x84: {  	_ =	shalt  }
0x85: {  	_ =	shalt  }
0x86: {  	_ =	shalt  }
0x87: {  	_ =	shalt  }
.Lfunc_end0:
.L_simem_size_0:
called_computation.1_lowered:
.L_overlay_start_0:
0x88: {  	s2 =	sld [smem:$0x3FD9]  }
0x89: {  	s3 =	sld [smem:$0x3FFE];
	_ =	sdelay $0x1  }
0x8a: {  	s1 =	srdreg.scid  }
0x8b: {  	s0 =	sand.u32 $0x1, s1  }
0x8c: {  	s16 =	sshll.u32 s0, $0xA;
	s2 =	sadd.s32 s3, s2  }
0x8d: {  	s2 =	sadd.s32 s2, s16  }
0x8e: {  	[smem:$0x3FBF] =	sst s2  }
0x8f: {  	_ = 	snop  }
0x90: {  	(tm) =	ssettm $0x1  }
0x91: {  	s17 =	sld [smem:$0x3FFB];
	_ =	sdelay $0x3  }
0x92: {  	_ =	strace s17  }
0x93: {  	s2 =	sld [smem:$0x3FFC];
	_ =	sdelay $0x3  }
0x94: {  	_ =	strace s2  }
0x95: {  	s2 =	sld [smem:$0x3FFD];
	_ =	sdelay $0x3  }
0x96: {  	_ =	strace s2  }
0x97: {  	_ =	strace $0x8FFFFFFF  }
0x98: {  	s18 =	sld [smem:$0x3FDB];
	_ =	sdelay $0x1  }
0x99: {  	s19 =	simm.s32 $_scs_section_size  }
0x9a: {  	s4 =	simm.s32 $_size__tile_overlayer_lowered;
	s5 =	simm.s32 $_tile_overlayer_lowered  }
0x9b: {  	s22 =	simm.s32 $0x1BFF;
	s21 =	sshll.u32 s5, $0x1;
	s2 =	sadd.s32 s19, s18  }
0x9c: {  	s6 =	simm.s32 $0x0;
	s20 =	sshll.u32 s4, $0x1;
	s4 =	sadd.s32 s21, s2  }
0x9d: {  	[timem:s6], [sflag:s22] =	dma.local [hbm:s4], s20  }
0x9e: {  	_ =	swait.ge [sflag:s22], s20  }
0x9f: {  	s3 =	ssub.s32 $0x0, s20;
	[sflag:s22] =	ssyncset.done $0x0  }
0xa0: {  	[sflag:s22] =	ssyncadd.s32 s3;
	_ =	sdelay $0x1  }
0xa1: {  	s23 =	simm.s32 $0x1B8B  }
0xa2: {  	_ =	swait.ge [sflag:s23], $0x1  }
0xa3: {  	[sflag:s23] =	ssyncset.done $0x0  }
0xa4: {  	s25 =	simm.s32 $0x1B8E;
	s24 =	sld [smem:$0x3FFE];
	[sflag:s23] =	ssyncadd.s32 $0xFFFFFFFF  }
0xa5: {  	s26 =	simm.s32 $execute0_lowered;
	[smem:$0x3FD2] =	sst s25  }
0xa6: {  	s4 =	sshll.u32 s26, $0x1;
	_ =	strace $0x80000049;
	[dreg:$0x1] =	wrdreg $0xFFFFFFFF  }
0xa7: {  	s28 =	simm.s32 $_size_execute0_lowered;
	s2 =	sadd.s32 s2, s4;
	[dreg:$0x0] =	wrdreg $0x0  }
0xa8: {  	s4 =	sshll.u32 s28, $0x1;
	[dreg:$0x2] =	wrdreg s2  }
0xa9: {  	[dreg:$0x3] =	wrdreg s4  }
0xaa: {  	[dreg:$0x4] =	wrdreg $0xC0  }
0xab: {  	_ =	task [dreg:s6], $0x5FFFF  }
0xac: {  	[dreg:$0x1] =	wrdreg $0xFFFFFFFF  }
0xad: {  	[dreg:$0x0] =	wrdreg $0x60  }
0xae: {  	[dreg:$0x2] =	wrdreg s24  }
0xaf: {  	[dreg:$0x3] =	wrdreg $0x9  }
0xb0: {  	_ =	task.clear_ibuf [dreg:s6], $0x4FFFF;
	_ =	strace $0x90000049  }
0xb1: {  	s29 =	simm.s32 $0x9;
	_ =	strace $0x8000004B  }
0xb2: {  	_ =	swait.ge [sflag:s29], $0x1  }
0xb3: {  	[sflag:s29] =	ssyncadd.s32 $0xFFFFFFFF  }
0xb4: {  	_ =	strace $0x9000004B  }
0xb5: {  	_ =	sfence  }
0xb6: {  	s30 =	sld [smem:$0x0];
	_ =	sdelay $0x2  }
0xb7: {  	s31 =	sshll.u32 s1, $0xD;
	s1 =	sshrl.u32 s1, $0x2  }
0xb8: {  	s3 =	sand.u32 $0x4000, s31;
	s1 =	sadd.s32 s1, s30  }
0xb9: {  	s0 =	sor.u32 s3, s0;
	s1 =	sshll.u32 s1, $0x11  }
0xba: {  	s0 =	sor.u32 s1, s0  }
0xbb: {  	s0 =	sadd.s32 $0x8F2B, s0  }
0xbc: {  	[sflag:s0] =	ssyncadd.remote.s32 $0x1  }
0xbd: {  	_ =	sfence.sel $0xFFFF  }
0xbe: {  	[dreg:$0x0] =	wrdreg $0xFFFFFFFF;
	(pc) =	sbr.abs _section_cstart, $3  }
0xbf: {  	[dreg:$0x1] =	wrdreg $0xFFFFFFFF  }
0xc0: {  	_ =	task.clear_ibuf [dreg:s6], $0x2FFFF;
	_ =	strace $0x9FFFFFFF  }
0xc1: {  	(tm) =	ssettm $0x7FFFFFFF  }
tec
execute0_lowered:
.L_overlay_start_1:
0x0: {  	(tag) =	ssettag $0x1  }
0x1: {  	s0 =	rddreg [dreg:$0x0]  }
0x2: {  	s5 =	stileid.u32;
	s1 =	srdreg.scid  }
0x3: {  	s2 =	simm.s32 $0x0;
	s14 =	simm.s32 $0x880;
	s15 =	simm.s32 $0xC80  }
0x4: {  	s17 =	simm.s32 $0x1480;
	s18 =	simm.s32 $0x1880;
	s19 =	simm.s32 $0x2080  }
0x5: {  	s20 =	simm.s32 $0x2480;
	s21 =	simm.s32 $0x2C80;
	[smem:$0x7FF] =	sst s2  }
0x6: {  	s22 =	simm.s32 $0x3080;
	_ =	strace $0x8000004A;
	[dreg:$0x3] =	wrdreg s14  }
0x7: {  	s23 =	simm.s32 $0x3880;
	s25 =	simm.s32 $0x3C80;
	[dreg:$0x4] =	wrdreg s15  }
0x8: {  	s26 =	simm.s32 $0x4480;
	s8 =	simm.s32 $0x80;
	[dreg:$0x5] =	wrdreg s17  }
0x9: {  	s9 =	simm.s32 $0x4880;
	s10 =	simm.s32 $0x5080;
	[dreg:$0x6] =	wrdreg s18  }
0xa: {  	s11 =	simm.s32 $0x5480;
	s28 =	simm.s32 $0xB480;
	[dreg:$0x7] =	wrdreg s19  }
0xb: {  	s29 =	simm.s32 $0xBC80;
	s30 =	simm.s32 $0x1;
	[dreg:$0x8] =	wrdreg s20  }
0xc: {  	s31 =	simm.s32 $0x0;
	s3 =	sshll.u32 s5, $0x8;
	[dreg:$0x9] =	wrdreg s21  }
0xd: {  	s1 =	sand.u32 $0x1, s1;
	s12 =	smul.u32 $0x18000, s5;
	[dreg:$0xa] =	wrdreg s22  }
0xe: {  	s3 =	sadd.s32 s3, s0;
	s4 =	sshll.u32 s1, $0x7;
	[dreg:$0xb] =	wrdreg s23  }
0xf: {  	s16 =	ssub.s32 $0x2, s1;
	s1 =	smul.u32 $0xC000, s1;
	[dreg:$0xc] =	wrdreg s25  }
0x10: {  	[dreg:$0xd] =	wrdreg s26;
	s14 =	simm.s32 $0x6880;
	s15 =	simm.s32 $0x6C80  }
0x11: {  	s17 =	simm.s32 $0x7880;
	s18 =	simm.s32 $0x8080;
	s19 =	simm.s32 $0x8480  }
0x12: {  	s20 =	simm.s32 $0x8C80;
	s21 =	simm.s32 $0x9080;
	s22 =	simm.s32 $0x9880  }
0x13: {  	s23 =	simm.s32 $0x9C80;
	s25 =	simm.s32 $0xA880;
	s26 =	simm.s32 $0xB080  }
0x14: {  	s3 =	sadd.s32 s4, s3;
	s6 =	sadd.s32 s12, s0;
	s7 =	sshrl.u32 s16, $0x1  }
0x15: {  	s4 =	sadd.s32 $0x3B2500, s0;
	s12 =	simm.s32 $0x5C80;
	s13 =	sadd.s32 $0x81400, s3  }
0x16: {  	s3 =	sadd.s32 $0x3B2400, s0;
	s5 =	ssub.s32 s16, s7;
	s1 =	sadd.s32 s1, s6  }
0x17: {  	v2 =	vlaneseq.u32;
	s7 =	simm.s32 $0x2;
	[dreg:$0x2] =	wrdreg s13;
	s5 =	smax.u32 s5, $0x1  }
0x18: {  	vm0 =	vmmov $0xffff;
	vm1 =	vmmov $0xff;
	v1 =	vshrl.u32 v2, $0x3;
	s16 =	simm.s32 $0x7480;
	s24 =	sadd.s32 $0x82400, s1;
	[dreg:$0xe] =	wrdreg s5  }
0x19: {  	v0 =	vand.u32 $0x7, v2;
	v2 =	vor.u32 $0x8, v2;
	v1 =	vmul.u32 $0x8, v1;
	s13 =	simm.s32 $0x6080;
	[dreg:$0xf] =	wrdreg s24;
	s24 =	simm.s32 $0xA480  }
.LBB2_1:
0x1a: {  	s6 =	rddreg [dreg:$0xf];
	s1 =	simm.s32 $0x0  }
.LBB2_2:
0x1b: {  	s5 =	rddreg [dreg:$0x2]  }
0x1c: {  	s5 =	sadd.s32 s1, s5  }
0x1d: {  	[tilespmem:s2], [sflag:$0x2] =	stream.linear.gather [hbm4b:s5+s2], $0x80, $0x38;
	[tilespmem:$0xC080] =	vst v63  }
0x1e: {  	_ =	swait.ge [sflag:s7], $0x80  }
0x1f: {  	[sflag:s7] =	ssyncset.done $0x0  }
0x20: {  	[sflag:s7] =	ssyncadd.s32 $0xFFFFFF80  }
0x21: {  	v3 =	vld [tilespmem:$0x0];
	_ =	sdelay $0x4  }
0x22: {  	v4 =	vshrl.u32 v3, $0x3  }
0x23: {  	v4 =	vmul.u32 $0x18, v4  }
0x24: {  	v3 =	vand.u32 $0x7, v3  }
0x25: {  	v3 =	vor.u32 v3, v4  }
0x26: {  	v4 =	vperm.xlane v3, v0;
	_ =	sdelay $0x1  }
0x27: {  	v4 =	vadd.s32 v1, v4;
	_ =	sdelay $0x1  }
0x28: {  	v3 =	vperm.xlane v3, v2;
	_ =	sdelay $0x1  }
0x29: {  	v3 =	vadd.s32 v1, v3  }
0x2a: {  	[tilespmem:s8], [sflag:$0x1] =	stream.indirect_vreg.gather [hbm4b:s3+s2], $0x80, v4, vm0, $0xb8;
	[tilespmem:$0xC080] =	vst v63  }
0x2b: {  	s5 =	rddreg [dreg:$0x3]  }
0x2c: {  	[tilespmem:s5], [sflag:$0x1] =	stream.indirect_vreg.gather [hbm4b:s4+s2], $0x80, v4, vm1, $0xb8;
	[tilespmem:$0xC080] =	vst v63  }
0x2d: {  	s0 =	rddreg [dreg:$0x4]  }
0x2e: {  	[tilespmem:s0], [sflag:$0x1] =	stream.indirect_vreg.gather [hbm4b:s3+s2], $0x80, v3, vm0, $0xb8;
	[tilespmem:$0xC080] =	vst v63  }
0x2f: {  	s5 =	rddreg [dreg:$0x5]  }
0x30: {  	[tilespmem:s5], [sflag:$0x1] =	stream.indirect_vreg.gather [hbm4b:s4+s2], $0x80, v3, vm1, $0xb8;
	[tilespmem:$0xC080] =	vst v63  }
0x31: {  	v3 =	vld [tilespmem:$0x10];
	_ =	sdelay $0x4  }
0x32: {  	v57 =	vshrl.u32 v3, $0x3  }
0x33: {  	v4 =	vmul.u32 $0x18, v57  }
0x34: {  	v3 =	vand.u32 $0x7, v3  }
0x35: {  	v3 =	vor.u32 v3, v4  }
0x36: {  	v4 =	vperm.xlane v3, v0;
	_ =	sdelay $0x1  }
0x37: {  	v4 =	vadd.s32 v1, v4;
	_ =	sdelay $0x1  }
0x38: {  	v3 =	vperm.xlane v3, v2;
	_ =	sdelay $0x1  }
0x39: {  	s0 =	rddreg [dreg:$0x6];
	v3 =	vadd.s32 v1, v3  }
0x3a: {  	[tilespmem:s0], [sflag:$0x1] =	stream.indirect_vreg.gather [hbm4b:s3+s2], $0x80, v4, vm0, $0xb8;
	[tilespmem:$0xC080] =	vst v63  }
0x3b: {  	s5 =	rddreg [dreg:$0x7]  }
0x3c: {  	[tilespmem:s5], [sflag:$0x1] =	stream.indirect_vreg.gather [hbm4b:s4+s2], $0x80, v4, vm1, $0xb8;
	[tilespmem:$0xC080] =	vst v63  }
0x3d: {  	s0 =	rddreg [dreg:$0x8]  }
0x3e: {  	[tilespmem:s0], [sflag:$0x1] =	stream.indirect_vreg.gather [hbm4b:s3+s2], $0x80, v3, vm0, $0xb8;
	[tilespmem:$0xC080] =	vst v63  }
0x3f: {  	s5 =	rddreg [dreg:$0x9]  }
0x40: {  	[tilespmem:s5], [sflag:$0x1] =	stream.indirect_vreg.gather [hbm4b:s4+s2], $0x80, v3, vm1, $0xb8;
	[tilespmem:$0xC080] =	vst v63  }
0x41: {  	v3 =	vld [tilespmem:$0x20];
	_ =	sdelay $0x4  }
0x42: {  	v58 =	vshrl.u32 v3, $0x3  }
0x43: {  	v4 =	vmul.u32 $0x18, v58  }
0x44: {  	v3 =	vand.u32 $0x7, v3  }
0x45: {  	v3 =	vor.u32 v3, v4  }
0x46: {  	v4 =	vperm.xlane v3, v0;
	_ =	sdelay $0x1  }
0x47: {  	v4 =	vadd.s32 v1, v4;
	_ =	sdelay $0x1  }
0x48: {  	v3 =	vperm.xlane v3, v2;
	_ =	sdelay $0x1  }
0x49: {  	s0 =	rddreg [dreg:$0xa];
	v3 =	vadd.s32 v1, v3  }
0x4a: {  	[tilespmem:s0], [sflag:$0x1] =	stream.indirect_vreg.gather [hbm4b:s3+s2], $0x80, v4, vm0, $0xb8;
	[tilespmem:$0xC080] =	vst v63  }
0x4b: {  	s5 =	rddreg [dreg:$0xb]  }
0x4c: {  	[tilespmem:s5], [sflag:$0x1] =	stream.indirect_vreg.gather [hbm4b:s4+s2], $0x80, v4, vm1, $0xb8;
	[tilespmem:$0xC080] =	vst v63  }
0x4d: {  	s0 =	rddreg [dreg:$0xc]  }
0x4e: {  	[tilespmem:s0], [sflag:$0x1] =	stream.indirect_vreg.gather [hbm4b:s3+s2], $0x80, v3, vm0, $0xb8;
	[tilespmem:$0xC080] =	vst v63  }
0x4f: {  	s5 =	rddreg [dreg:$0xd]  }
0x50: {  	[tilespmem:s5], [sflag:$0x1] =	stream.indirect_vreg.gather [hbm4b:s4+s2], $0x80, v3, vm1, $0xb8;
	[tilespmem:$0xC080] =	vst v63  }
0x51: {  	v3 =	vld [tilespmem:$0x30];
	_ =	sdelay $0x4  }
0x52: {  	v59 =	vshrl.u32 v3, $0x3  }
0x53: {  	v4 =	vmul.u32 $0x18, v59  }
0x54: {  	v3 =	vand.u32 $0x7, v3  }
0x55: {  	v3 =	vor.u32 v3, v4  }
0x56: {  	v4 =	vperm.xlane v3, v0;
	_ =	sdelay $0x1  }
0x57: {  	v4 =	vadd.s32 v1, v4;
	_ =	sdelay $0x1  }
0x58: {  	v3 =	vperm.xlane v3, v2;
	_ =	sdelay $0x1  }
0x59: {  	v3 =	vadd.s32 v1, v3  }
0x5a: {  	[tilespmem:s9], [sflag:$0x1] =	stream.indirect_vreg.gather [hbm4b:s3+s2], $0x80, v4, vm0, $0xb8;
	[tilespmem:$0xC080] =	vst v63  }
0x5b: {  	_ = 	snop  }
0x5c: {  	[tilespmem:s10], [sflag:$0x1] =	stream.indirect_vreg.gather [hbm4b:s4+s2], $0x80, v4, vm1, $0xb8;
	[tilespmem:$0xC080] =	vst v63  }
0x5d: {  	_ = 	snop  }
0x5e: {  	[tilespmem:s11], [sflag:$0x1] =	stream.indirect_vreg.gather [hbm4b:s3+s2], $0x80, v3, vm0, $0xb8;
	[tilespmem:$0xC080] =	vst v63  }
0x5f: {  	_ = 	snop  }
0x60: {  	[tilespmem:s12], [sflag:$0x1] =	stream.indirect_vreg.gather [hbm4b:s4+s2], $0x80, v3, vm1, $0xb8;
	[tilespmem:$0xC080] =	vst v63  }
0x61: {  	v3 =	vld [tilespmem:$0x40];
	_ =	sdelay $0x4  }
0x62: {  	v60 =	vshrl.u32 v3, $0x3  }
0x63: {  	v4 =	vmul.u32 $0x18, v60  }
0x64: {  	v3 =	vand.u32 $0x7, v3  }
0x65: {  	v3 =	vor.u32 v3, v4  }
0x66: {  	v4 =	vperm.xlane v3, v0;
	_ =	sdelay $0x1  }
0x67: {  	v4 =	vadd.s32 v1, v4;
	_ =	sdelay $0x1  }
0x68: {  	v3 =	vperm.xlane v3, v2;
	_ =	sdelay $0x1  }
0x69: {  	v3 =	vadd.s32 v1, v3  }
0x6a: {  	[tilespmem:s13], [sflag:$0x1] =	stream.indirect_vreg.gather [hbm4b:s3+s2], $0x80, v4, vm0, $0xb8;
	[tilespmem:$0xC080] =	vst v63  }
0x6b: {  	_ = 	snop  }
0x6c: {  	[tilespmem:s14], [sflag:$0x1] =	stream.indirect_vreg.gather [hbm4b:s4+s2], $0x80, v4, vm1, $0xb8;
	[tilespmem:$0xC080] =	vst v63  }
0x6d: {  	_ = 	snop  }
0x6e: {  	[tilespmem:s15], [sflag:$0x1] =	stream.indirect_vreg.gather [hbm4b:s3+s2], $0x80, v3, vm0, $0xb8;
	[tilespmem:$0xC080] =	vst v63  }
0x6f: {  	_ = 	snop  }
0x70: {  	[tilespmem:s16], [sflag:$0x1] =	stream.indirect_vreg.gather [hbm4b:s4+s2], $0x80, v3, vm1, $0xb8;
	[tilespmem:$0xC080] =	vst v63  }
0x71: {  	v3 =	vld [tilespmem:$0x50];
	_ =	sdelay $0x4  }
0x72: {  	v61 =	vshrl.u32 v3, $0x3  }
0x73: {  	v4 =	vmul.u32 $0x18, v61  }
0x74: {  	v3 =	vand.u32 $0x7, v3  }
0x75: {  	v3 =	vor.u32 v3, v4  }
0x76: {  	v4 =	vperm.xlane v3, v0;
	_ =	sdelay $0x1  }
0x77: {  	v4 =	vadd.s32 v1, v4;
	_ =	sdelay $0x1  }
0x78: {  	v3 =	vperm.xlane v3, v2;
	_ =	sdelay $0x1  }
0x79: {  	v3 =	vadd.s32 v1, v3  }
0x7a: {  	[tilespmem:s17], [sflag:$0x1] =	stream.indirect_vreg.gather [hbm4b:s3+s2], $0x80, v4, vm0, $0xb8;
	[tilespmem:$0xC080] =	vst v63  }
0x7b: {  	_ = 	snop  }
0x7c: {  	[tilespmem:s18], [sflag:$0x1] =	stream.indirect_vreg.gather [hbm4b:s4+s2], $0x80, v4, vm1, $0xb8;
	[tilespmem:$0xC080] =	vst v63  }
0x7d: {  	_ = 	snop  }
0x7e: {  	[tilespmem:s19], [sflag:$0x1] =	stream.indirect_vreg.gather [hbm4b:s3+s2], $0x80, v3, vm0, $0xb8;
	[tilespmem:$0xC080] =	vst v63  }
0x7f: {  	_ = 	snop  }
0x80: {  	[tilespmem:s20], [sflag:$0x1] =	stream.indirect_vreg.gather [hbm4b:s4+s2], $0x80, v3, vm1, $0xb8;
	[tilespmem:$0xC080] =	vst v63  }
0x81: {  	v3 =	vld [tilespmem:$0x60];
	_ =	sdelay $0x4  }
0x82: {  	v62 =	vshrl.u32 v3, $0x3  }
0x83: {  	v4 =	vmul.u32 $0x18, v62  }
0x84: {  	v3 =	vand.u32 $0x7, v3  }
0x85: {  	v3 =	vor.u32 v3, v4  }
0x86: {  	v4 =	vperm.xlane v3, v0;
	_ =	sdelay $0x1  }
0x87: {  	v4 =	vadd.s32 v1, v4;
	_ =	sdelay $0x1  }
0x88: {  	v3 =	vperm.xlane v3, v2;
	_ =	sdelay $0x1  }
0x89: {  	v3 =	vadd.s32 v1, v3  }
0x8a: {  	[tilespmem:s21], [sflag:$0x1] =	stream.indirect_vreg.gather [hbm4b:s3+s2], $0x80, v4, vm0, $0xb8;
	[tilespmem:$0xC080] =	vst v63  }
0x8b: {  	_ = 	snop  }
0x8c: {  	[tilespmem:s22], [sflag:$0x1] =	stream.indirect_vreg.gather [hbm4b:s4+s2], $0x80, v4, vm1, $0xb8;
	[tilespmem:$0xC080] =	vst v63  }
0x8d: {  	_ = 	snop  }
0x8e: {  	[tilespmem:s23], [sflag:$0x1] =	stream.indirect_vreg.gather [hbm4b:s3+s2], $0x80, v3, vm0, $0xb8;
	[tilespmem:$0xC080] =	vst v63  }
0x8f: {  	_ = 	snop  }
0x90: {  	[tilespmem:s24], [sflag:$0x1] =	stream.indirect_vreg.gather [hbm4b:s4+s2], $0x80, v3, vm1, $0xb8;
	[tilespmem:$0xC080] =	vst v63  }
0x91: {  	v3 =	vld [tilespmem:$0x70];
	_ =	sdelay $0x4  }
0x92: {  	v63 =	vshrl.u32 v3, $0x3  }
0x93: {  	v4 =	vmul.u32 $0x18, v63  }
0x94: {  	v3 =	vand.u32 $0x7, v3  }
0x95: {  	v3 =	vor.u32 v3, v4  }
0x96: {  	v4 =	vperm.xlane v3, v0;
	_ =	sdelay $0x1  }
0x97: {  	v4 =	vadd.s32 v1, v4;
	_ =	sdelay $0x1  }
0x98: {  	v3 =	vperm.xlane v3, v2;
	_ =	sdelay $0x1  }
0x99: {  	v3 =	vadd.s32 v1, v3  }
0x9a: {  	[tilespmem:s25], [sflag:$0x1] =	stream.indirect_vreg.gather [hbm4b:s3+s2], $0x80, v4, vm0, $0xb8;
	[tilespmem:$0xC080] =	vst v63  }
0x9b: {  	_ = 	snop  }
0x9c: {  	[tilespmem:s26], [sflag:$0x1] =	stream.indirect_vreg.gather [hbm4b:s4+s2], $0x80, v4, vm1, $0xb8;
	[tilespmem:$0xC080] =	vst v63  }
0x9d: {  	_ = 	snop  }
0x9e: {  	[tilespmem:s28], [sflag:$0x1] =	stream.indirect_vreg.gather [hbm4b:s3+s2], $0x80, v3, vm0, $0xb8;
	[tilespmem:$0xC080] =	vst v63  }
0x9f: {  	_ = 	snop  }
0xa0: {  	[tilespmem:s29], [sflag:$0x1] =	stream.indirect_vreg.gather [hbm4b:s4+s2], $0x80, v3, vm1, $0xb8;
	[tilespmem:$0xC080] =	vst v63  }
0xa1: {  	_ =	swait.ge [sflag:s30], $0xC000  }
0xa2: {  	p0 =	sne.s32 s1, $0x70;
	[sflag:s30] =	ssyncset.done $0x0  }
.Ltmp0:
0xa3: {  	[sflag:s30] =	ssyncadd.s32 $0xFFFF4000;
	(pc) =	sbr.rel @p0 .LBB2_2-.Ltmp0, $4  }
0xa4: {  	[hbm4b:s6+s2] =	stream.linear.scatter [tilespmem:s8], [sflag:$0x2], $0xC000, $0x38;
	[tilespmem:$0xC080] =	vst v63  }
0xa5: {  	_ =	swait.ge [sflag:s7], $0xC000  }
0xa6: {  	[sflag:s7] =	ssyncset.done $0x0  }
0xa7: {  	s1 =	sadd.s32 $0x10, s1;
	s6 =	sadd.s32 $0x1800, s6;
	[sflag:s7] =	ssyncadd.s32 $0xFFFF4000  }
0xa8: {  	s31 =	sadd.s32 $0x1, s31;
	s0 =	rddreg [dreg:$0xe]  }
0xa9: {  	p0 =	sne.s32 s31, s0  }
.Ltmp1:
0xaa: {  	_ = 	snop;
	(pc) =	sbr.rel @p0 .LBB2_1-.Ltmp1, $1  }
0xab: {  	_ =	sdelay $0x3  }
0xac: {  	_ =	sfence.sel $0x180000  }
0xad: {  	[bflag:$0x0] =	sbarrier.arrive $0xFFFF  }
0xae: {  	_ =	strace $0x9000004A  }
0xaf: {  	s0 =	stileid.u32;
	[bflag:$0x2] =	sbarrier.arrive $0xFFFF  }
0xb0: {  	p0 =	sne.s32 s0, $0x0;
	s0 =	rddreg [dreg:$0x1]  }
0xb1: {  	s0 =	sadd.s32 @!p0 $0x100000, s0  }
0xb2: {  	[sflag:s0] =	ssyncadd.tile.s32 @!p0 $0x1;
	_ =	shalt  }
.Lfunc_end2:
_tile_overlayer_lowered:
.L_overlay_start_2:
0xb3: {  	(tag) =	ssettag $0x2  }
0xb4: {  	s0 =	rddreg [dreg:$0x0];
	s2 =	stileid.u32  }
0xb5: {  	s1 =	rddreg [dreg:$0x1];
	p0 =	sne.s32 s2, $0x0  }
0xb6: {  	s3 =	rddreg [dreg:$0x2];
	[bflag:$0x3] =	sbarrier.arrive $0xFFFF;
	s2 =	simm.s32 @!p0 $0x1C02  }
0xb7: {  	[timem:s3], [sflag:s2] =	dma.local @!p0 [hbm:s0], s1  }
0xb8: {  	s0 =	simm.s32 @!p0 $0x2  }
0xb9: {  	_ =	swait.ge @!p0 [sflag:s0], s1  }
0xba: {  	s1 =	ssub.s32 @!p0 $0x0, s1;
	[sflag:s0] =	ssyncset.done @!p0 $0x0  }
0xbb: {  	[sflag:s0] =	ssyncadd.s32 @!p0 s1  }
0xbc: {  	[bflag:$0x3] =	sbarrier.arrive $0xFFFF  }
0xbd: {  	_ =	shalt  }

// kernel: kernel.7.cloned.1.call-start
scs
__scs_entry_jumppad:
0x0: {  	(pc) =	sbr.rel $0x88, $3  }
0x1: {  	(tag) =	ssettag $0x0;
	lr =	simm.s32 $0x1  }
0x2: {  	[smem:$0x3F98] =	sst lr;
	_ =	strace $0xD0000000  }
0x3: {  	_ = 	snop  }
0x4: {  	_ = 	snop  }
0x5: {  	_ = 	snop  }
0x6: {  	_ = 	snop  }
0x7: {  	_ = 	snop  }
__scs_overlays_trampoline_lowered:
0x8: {  	[smem:$0x3FA7] =	sst s0  }
0x9: {  	[smem:$0x3FA8] =	sst s1  }
0xa: {  	[smem:$0x3FA9] =	sst s2  }
0xb: {  	[smem:$0x3FAA] =	sst s3  }
0xc: {  	[smem:$0x3FAB] =	sst s4  }
0xd: {  	[smem:$0x3FAC] =	sst s5  }
0xe: {  	[smem:$0x3FAD] =	sst s6  }
0xf: {  	[smem:$0x3FAE] =	sst s7  }
0x10: {  	[smem:$0x3FAF] =	sst s8  }
0x11: {  	[smem:$0x3FB0] =	sst s9;
	s0 =	simm.s32 @!p0 $0x0  }
0x12: {  	s1 =	sld [smem:$0x3F96];
	s0 =	simm.s32 @p0 $0x1  }
0x13: {  	[smem:$0x3FB1] =	sst s0;
	s0 =	simm.s32 @!p1 $0x0  }
0x14: {  	s2 =	sld [smem:$0x3F95];
	s0 =	simm.s32 @p1 $0x1  }
0x15: {  	[smem:$0x3FB2] =	sst s0;
	s0 =	simm.s32 @!p2 $0x0  }
0x16: {  	s3 =	sld [smem:$0x3FDB];
	s0 =	simm.s32 @p2 $0x1  }
0x17: {  	s4 =	simm.s32 $0x1BF5;
	[smem:$0x3FB4] =	sst s0  }
0x18: {  	s0 =	sld [smem:$0x3F97];
	_ =	swait.ge [sflag:s4], $0x0  }
0x19: {  	s7 =	sld [smem:$0x3F98]  }
0x1a: {  	s8 =	sadd.s32 $0xFFFFE003, lr  }
0x1b: {  	s9 =	sadd.s32 $0xFFFFFEF7, lr;
	s5 =	simm.s32 $0xFFFFFFFF;
	p2 =	slt.u32 s8, $0xFFFFF086  }
0x1c: {  	p1 =	slt.u32 s9, $0xF7A;
	s5 =	simm.s32 @!p2 $0x0  }
0x1d: {  	s5 =	simm.s32 @p1 $0x1;
	p0 =	seq.s32 s7, s2  }
0x1e: {  	s7 =	smul.u32 @!p0 $0xF7A, s2;
	p2 =	seq.s32 @!p0 s5, $0x0  }
0x1f: {  	s9 =	smul.u32 $0xF7A, s1;
	s8 =	simm.s32 @!p0 $0x1BF5;
	p2 =	por !p2, p0  }
0x20: {  	[sflag:s8] =	ssyncset.s32 @!p0 $0xFFFFF086;
	s6 =	sadd.s32 @!p0 s3, s7;
	s7 =	simm.s32 @!p0 $0x108  }
0x21: {  	s3 =	sadd.s32 s3, s9;
	s6 =	sadd.s32 @!p0 $0x88, s6;
	s7 =	simm.s32 @p2 $0x1082  }
0x22: {  	[simem:s7], [sflag:s8] =	dma.local @!p0 [hbm:s6], $0xF7A  }
0x23: {  	s9 =	sor.u32 $0xD0000000, s2;
	s6 =	simm.s32 $0x108;
	_ =	swait.ge @!p0 [sflag:s8], $0x0  }
0x24: {  	s3 =	sadd.s32 $0x88, s3;
	s6 =	simm.s32 @!p1 $0x1082;
	[sflag:s4] =	ssyncset.s32 $0xFFFFF086  }
0x25: {  	[simem:s6], [sflag:s4] =	dma.local [hbm:s3], $0xF7A  }
0x26: {  	[smem:$0x3F98] =	sst s1;
	(tag) =	ssettag s2;
	_ =	strace s9  }
0x27: {  	s1 =	sld [smem:$0x3FA8]  }
0x28: {  	s2 =	sld [smem:$0x3FA9]  }
0x29: {  	s4 =	sld [smem:$0x3FAB]  }
0x2a: {  	p0 =	seq.s32 s5, $0x0;
	s5 =	sld [smem:$0x3FAC]  }
0x2b: {  	s6 =	sld [smem:$0x3FAD]  }
0x2c: {  	s7 =	sld [smem:$0x3FAE]  }
0x2d: {  	s3 =	simm.s32 $0x108;
	s8 =	sld [smem:$0x3FAF]  }
0x2e: {  	s3 =	simm.s32 @!p0 $0x1082;
	s9 =	sld [smem:$0x3FB0]  }
0x2f: {  	lr =	sadd.s32 s0, s3;
	s0 =	sld [smem:$0x3FA7]  }
0x30: {  	s3 =	sld [smem:$0x3FAA]  }
0x31: {  	[smem:$0x3FB3] =	sst s10  }
0x32: {  	s10 =	sld [smem:$0x3FB1];
	_ =	sdelay $0x3  }
0x33: {  	p0 =	seq.s32 s10, $0x1;
	s10 =	sld [smem:$0x3FB3];
	_ =	sdelay $0x3  }
0x34: {  	[smem:$0x3FB3] =	sst s10  }
0x35: {  	s10 =	sld [smem:$0x3FB2];
	_ =	sdelay $0x3  }
0x36: {  	p1 =	seq.s32 s10, $0x1;
	s10 =	sld [smem:$0x3FB3];
	_ =	sdelay $0x3  }
0x37: {  	[smem:$0x3FB3] =	sst s10  }
0x38: {  	s10 =	sld [smem:$0x3FB4]  }
0x39: {  	_ = 	snop;
	(pc) =	sbr.ind lr, $3  }
0x3a: {  	_ = 	snop  }
0x3b: {  	_ = 	snop  }
0x3c: {  	p2 =	seq.s32 s10, $0x1;
	s10 =	sld [smem:$0x3FB3]  }
0x3d: {  	_ =	shalt  }
0x3e: {  	_ =	shalt  }
0x3f: {  	_ =	shalt  }
0x40: {  	_ =	shalt  }
0x41: {  	_ =	shalt  }
0x42: {  	_ =	shalt  }
0x43: {  	_ =	shalt  }
0x44: {  	_ =	shalt  }
0x45: {  	_ =	shalt  }
0x46: {  	_ =	shalt  }
0x47: {  	_ =	shalt  }
0x48: {  	_ =	shalt  }
0x49: {  	_ =	shalt  }
0x4a: {  	_ =	shalt  }
0x4b: {  	_ =	shalt  }
0x4c: {  	_ =	shalt  }
0x4d: {  	_ =	shalt  }
0x4e: {  	_ =	shalt  }
0x4f: {  	_ =	shalt  }
0x50: {  	_ =	shalt  }
0x51: {  	_ =	shalt  }
0x52: {  	_ =	shalt  }
0x53: {  	_ =	shalt  }
0x54: {  	_ =	shalt  }
0x55: {  	_ =	shalt  }
0x56: {  	_ =	shalt  }
0x57: {  	_ =	shalt  }
0x58: {  	_ =	shalt  }
0x59: {  	_ =	shalt  }
0x5a: {  	_ =	shalt  }
0x5b: {  	_ =	shalt  }
0x5c: {  	_ =	shalt  }
0x5d: {  	_ =	shalt  }
0x5e: {  	_ =	shalt  }
0x5f: {  	_ =	shalt  }
0x60: {  	_ =	shalt  }
0x61: {  	_ =	shalt  }
0x62: {  	_ =	shalt  }
0x63: {  	_ =	shalt  }
0x64: {  	_ =	shalt  }
0x65: {  	_ =	shalt  }
0x66: {  	_ =	shalt  }
0x67: {  	_ =	shalt  }
0x68: {  	_ =	shalt  }
0x69: {  	_ =	shalt  }
0x6a: {  	_ =	shalt  }
0x6b: {  	_ =	shalt  }
0x6c: {  	_ =	shalt  }
0x6d: {  	_ =	shalt  }
0x6e: {  	_ =	shalt  }
0x6f: {  	_ =	shalt  }
0x70: {  	_ =	shalt  }
0x71: {  	_ =	shalt  }
0x72: {  	_ =	shalt  }
0x73: {  	_ =	shalt  }
0x74: {  	_ =	shalt  }
0x75: {  	_ =	shalt  }
0x76: {  	_ =	shalt  }
0x77: {  	_ =	shalt  }
0x78: {  	_ =	shalt  }
0x79: {  	_ =	shalt  }
0x7a: {  	_ =	shalt  }
0x7b: {  	_ =	shalt  }
0x7c: {  	_ =	shalt  }
0x7d: {  	_ =	shalt  }
0x7e: {  	_ =	shalt  }
0x7f: {  	_ =	shalt  }
0x80: {  	_ =	shalt  }
0x81: {  	_ =	shalt  }
0x82: {  	_ =	shalt  }
0x83: {  	_ =	shalt  }
0x84: {  	_ =	shalt  }
0x85: {  	_ =	shalt  }
0x86: {  	_ =	shalt  }
0x87: {  	_ =	shalt  }
.Lfunc_end0:
.L_simem_size_0:
called_computation_lowered:
.L_overlay_start_0:
0x88: {  	s2 =	sld [smem:$0x3FD9]  }
0x89: {  	s3 =	sld [smem:$0x3FFE];
	_ =	sdelay $0x1  }
0x8a: {  	s1 =	srdreg.scid  }
0x8b: {  	s0 =	sand.u32 $0x1, s1  }
0x8c: {  	s16 =	sshll.u32 s0, $0xA;
	s2 =	sadd.s32 s3, s2  }
0x8d: {  	s2 =	sadd.s32 s2, s16  }
0x8e: {  	[smem:$0x3FBF] =	sst s2  }
0x8f: {  	_ = 	snop  }
0x90: {  	(tm) =	ssettm $0x1  }
0x91: {  	s17 =	sld [smem:$0x3FFB];
	_ =	sdelay $0x3  }
0x92: {  	_ =	strace s17  }
0x93: {  	s2 =	sld [smem:$0x3FFC];
	_ =	sdelay $0x3  }
0x94: {  	_ =	strace s2  }
0x95: {  	s2 =	sld [smem:$0x3FFD];
	_ =	sdelay $0x3  }
0x96: {  	_ =	strace s2  }
0x97: {  	_ =	strace $0x8FFFFFFF  }
0x98: {  	s18 =	sld [smem:$0x3FDB];
	_ =	sdelay $0x1  }
0x99: {  	s19 =	simm.s32 $_scs_section_size  }
0x9a: {  	s4 =	simm.s32 $_size__tile_overlayer_lowered;
	s5 =	simm.s32 $_tile_overlayer_lowered  }
0x9b: {  	s22 =	simm.s32 $0x1BFF;
	s21 =	sshll.u32 s5, $0x1;
	s2 =	sadd.s32 s19, s18  }
0x9c: {  	s6 =	simm.s32 $0x0;
	s20 =	sshll.u32 s4, $0x1;
	s4 =	sadd.s32 s21, s2  }
0x9d: {  	[timem:s6], [sflag:s22] =	dma.local [hbm:s4], s20  }
0x9e: {  	_ =	swait.ge [sflag:s22], s20  }
0x9f: {  	s3 =	ssub.s32 $0x0, s20;
	[sflag:s22] =	ssyncset.done $0x0  }
0xa0: {  	[sflag:s22] =	ssyncadd.s32 s3;
	_ =	sdelay $0x1  }
0xa1: {  	s23 =	simm.s32 $0x1B8B  }
0xa2: {  	_ =	swait.ge [sflag:s23], $0x1  }
0xa3: {  	[sflag:s23] =	ssyncset.done $0x0  }
0xa4: {  	s25 =	simm.s32 $0x1B8E;
	s24 =	sld [smem:$0x3FFE];
	[sflag:s23] =	ssyncadd.s32 $0xFFFFFFFF  }
0xa5: {  	s26 =	simm.s32 $execute0_lowered;
	[smem:$0x3FD2] =	sst s25  }
0xa6: {  	s4 =	sshll.u32 s26, $0x1;
	_ =	strace $0x80000046;
	[dreg:$0x1] =	wrdreg $0xFFFFFFFF  }
0xa7: {  	s28 =	simm.s32 $_size_execute0_lowered;
	s2 =	sadd.s32 s2, s4;
	[dreg:$0x0] =	wrdreg $0x0  }
0xa8: {  	s4 =	sshll.u32 s28, $0x1;
	[dreg:$0x2] =	wrdreg s2  }
0xa9: {  	[dreg:$0x3] =	wrdreg s4  }
0xaa: {  	[dreg:$0x4] =	wrdreg $0xC0  }
0xab: {  	_ =	task [dreg:s6], $0x5FFFF  }
0xac: {  	[dreg:$0x1] =	wrdreg $0xFFFFFFFF  }
0xad: {  	[dreg:$0x0] =	wrdreg $0x60  }
0xae: {  	[dreg:$0x2] =	wrdreg s24  }
0xaf: {  	[dreg:$0x3] =	wrdreg $0x9  }
0xb0: {  	_ =	task.clear_ibuf [dreg:s6], $0x4FFFF;
	_ =	strace $0x90000046  }
0xb1: {  	s29 =	simm.s32 $0x9;
	_ =	strace $0x80000048  }
0xb2: {  	_ =	swait.ge [sflag:s29], $0x1  }
0xb3: {  	[sflag:s29] =	ssyncadd.s32 $0xFFFFFFFF  }
0xb4: {  	_ =	strace $0x90000048  }
0xb5: {  	_ =	sfence  }
0xb6: {  	s30 =	sld [smem:$0x0];
	_ =	sdelay $0x2  }
0xb7: {  	s31 =	sshll.u32 s1, $0xD;
	s1 =	sshrl.u32 s1, $0x2  }
0xb8: {  	s3 =	sand.u32 $0x4000, s31;
	s1 =	sadd.s32 s1, s30  }
0xb9: {  	s0 =	sor.u32 s3, s0;
	s1 =	sshll.u32 s1, $0x11  }
0xba: {  	s0 =	sor.u32 s1, s0  }
0xbb: {  	s0 =	sadd.s32 $0x8F2B, s0  }
0xbc: {  	[sflag:s0] =	ssyncadd.remote.s32 $0x1  }
0xbd: {  	_ =	sfence.sel $0xFFFF  }
0xbe: {  	[dreg:$0x0] =	wrdreg $0xFFFFFFFF;
	(pc) =	sbr.abs _section_cstart, $3  }
0xbf: {  	[dreg:$0x1] =	wrdreg $0xFFFFFFFF  }
0xc0: {  	_ =	task.clear_ibuf [dreg:s6], $0x2FFFF;
	_ =	strace $0x9FFFFFFF  }
0xc1: {  	(tm) =	ssettm $0x7FFFFFFF  }
tec
execute0_lowered:
.L_overlay_start_1:
0x0: {  	(tag) =	ssettag $0x1  }
0x1: {  	s0 =	srdreg.scid  }
0x2: {  	s2 =	stileid.u32;
	s0 =	sand.u32 $0x1, s0  }
0x3: {  	s1 =	rddreg [dreg:$0x0];
	s2 =	sshll.u32 s2, $0x6;
	s3 =	sshll.u32 s0, $0x5  }
0x4: {  	s8 =	sadd.s32 $0x81400, s1;
	s3 =	sor.u32 s3, s2;
	s2 =	simm.s32 $0x0  }
0x5: {  	[smem:$0x7FF] =	sst s2;
	s16 =	sadd.s32 s8, s3  }
0x6: {  	s24 =	simm.s32 $0x80;
	_ =	strace $0x80000047;
	[dreg:$0x12] =	wrdreg s16  }
0x7: {  	s25 =	simm.s32 $0x100;
	[dreg:$0xb] =	wrdreg s24  }
0x8: {  	s26 =	simm.s32 $0x180;
	[dreg:$0xc] =	wrdreg s25  }
0x9: {  	s28 =	simm.s32 $0x200;
	[dreg:$0xd] =	wrdreg s26  }
0xa: {  	s29 =	simm.s32 $0x280;
	[dreg:$0xe] =	wrdreg s28  }
0xb: {  	s30 =	simm.s32 $0x300;
	[dreg:$0xf] =	wrdreg s29  }
0xc: {  	s31 =	simm.s32 $0x380;
	s4 =	smul.u32 $0x180, s3;
	[dreg:$0x10] =	wrdreg s30  }
0xd: {  	s5 =	sor.u32 $0x10, s3;
	s3 =	sadd.s32 $0x400, s16;
	[dreg:$0x11] =	wrdreg s31  }
0xe: {  	s6 =	sadd.s32 $0x1400, s1;
	s17 =	sadd.s32 $0x800, s16;
	[dreg:$0x4] =	wrdreg s3  }
0xf: {  	s0 =	ssub.s32 $0x2, s0;
	s18 =	sadd.s32 $0xC00, s16;
	[dreg:$0x5] =	wrdreg s17  }
0x10: {  	s22 =	sshrl.u32 s0, $0x1;
	s19 =	sadd.s32 s8, s5;
	[dreg:$0x6] =	wrdreg s18  }
0x11: {  	s0 =	ssub.s32 s0, s22;
	s20 =	sadd.s32 $0x410, s16;
	[dreg:$0x7] =	wrdreg s19  }
0x12: {  	s7 =	smul.u32 $0x180, s5;
	s21 =	sadd.s32 $0x810, s16;
	[dreg:$0x8] =	wrdreg s20  }
0x13: {  	s23 =	sadd.s32 $0xC10, s16;
	s5 =	sadd.s32 $0x82500, s1;
	[dreg:$0x9] =	wrdreg s21  }
0x14: {  	v2 =	vlaneseq.u32;
	s8 =	simm.s32 $0x2;
	s4 =	sadd.s32 s6, s4;
	[dreg:$0xa] =	wrdreg s23  }
0x15: {  	vm0 =	vmmov $0xffff;
	vm1 =	vmmov $0xff;
	v1 =	vshrl.u32 v2, $0x3;
	s24 =	simm.s32 $0x1;
	[dreg:$0x2] =	wrdreg s4;
	s15 =	sadd.s32 s6, s7  }
0x16: {  	v0 =	vand.u32 $0x7, v2;
	v2 =	vor.u32 $0x8, v2;
	v1 =	vmul.u32 $0x8, v1;
	s4 =	sadd.s32 $0x82400, s1;
	s1 =	smax.u32 s0, $0x1;
	[dreg:$0x3] =	wrdreg s15  }
.LBB2_1:
0x17: {  	[dreg:$0x13] =	wrdreg s1  }
0x18: {  	s25 =	rddreg [dreg:$0x2];
	s22 =	simm.s32 $0x400  }
0x19: {  	[tilespmem:s22], [sflag:$0x2] =	stream.linear.gather [hbm4b:s25+s2], $0xC000, $0x38;
	[tilespmem:$0x18400] =	vst v63  }
0x1a: {  	_ =	swait.ge [sflag:s8], $0xC000  }
0x1b: {  	[sflag:s8] =	ssyncset.done $0x0  }
0x1c: {  	s0 =	simm.s32 $0xC400;
	s26 =	rddreg [dreg:$0x3];
	[sflag:s8] =	ssyncadd.s32 $0xFFFF4000  }
0x1d: {  	[tilespmem:s0], [sflag:$0x2] =	stream.linear.gather [hbm4b:s26+s2], $0xC000, $0x38;
	[tilespmem:$0x18400] =	vst v63  }
0x1e: {  	_ =	swait.ge [sflag:s8], $0xC000  }
0x1f: {  	[sflag:s8] =	ssyncset.done $0x0  }
0x20: {  	s28 =	rddreg [dreg:$0x12];
	[sflag:s8] =	ssyncadd.s32 $0xFFFF4000  }
0x21: {  	[tilespmem:s2], [sflag:$0x2] =	stream.linear.gather [hbm4b:s28+s2], $0x80, $0x38;
	[tilespmem:$0x18400] =	vst v63  }
0x22: {  	_ =	swait.ge [sflag:s8], $0x80  }
0x23: {  	[sflag:s8] =	ssyncset.done $0x0  }
0x24: {  	[sflag:s8] =	ssyncadd.s32 $0xFFFFFF80  }
0x25: {  	v3 =	vld [tilespmem:$0x0];
	_ =	sdelay $0x4  }
0x26: {  	v4 =	vshrl.u32 v3, $0x3  }
0x27: {  	v4 =	vmul.u32 $0x18, v4  }
0x28: {  	v3 =	vand.u32 $0x7, v3  }
0x29: {  	v3 =	vor.u32 v3, v4  }
0x2a: {  	v4 =	vperm.xlane v3, v0;
	_ =	sdelay $0x1  }
0x2b: {  	v4 =	vadd.s32 v1, v4;
	_ =	sdelay $0x1  }
0x2c: {  	v3 =	vperm.xlane v3, v2;
	_ =	sdelay $0x1  }
0x2d: {  	v3 =	vadd.s32 v1, v3  }
0x2e: {  	[hbm4b:s4+s2] =	stream.indirect_vreg.scatter [tilespmem:s22], [sflag:$0x1], $0x80, v4, vm0, $0xb8;
	[tilespmem:$0x18400] =	vst v63  }
0x2f: {  	s29 =	simm.s32 $0xC00  }
0x30: {  	[hbm4b:s5+s2] =	stream.indirect_vreg.scatter [tilespmem:s29], [sflag:$0x1], $0x80, v4, vm1, $0xb8;
	[tilespmem:$0x18400] =	vst v63  }
0x31: {  	s30 =	simm.s32 $0x1000  }
0x32: {  	[hbm4b:s4+s2] =	stream.indirect_vreg.scatter [tilespmem:s30], [sflag:$0x1], $0x80, v3, vm0, $0xb8;
	[tilespmem:$0x18400] =	vst v63  }
0x33: {  	s31 =	simm.s32 $0x1800  }
0x34: {  	[hbm4b:s5+s2] =	stream.indirect_vreg.scatter [tilespmem:s31], [sflag:$0x1], $0x80, v3, vm1, $0xb8;
	[tilespmem:$0x18400] =	vst v63  }
0x35: {  	v3 =	vld [tilespmem:$0x10];
	_ =	sdelay $0x4  }
0x36: {  	v57 =	vshrl.u32 v3, $0x3  }
0x37: {  	v4 =	vmul.u32 $0x18, v57  }
0x38: {  	v3 =	vand.u32 $0x7, v3  }
0x39: {  	v3 =	vor.u32 v3, v4  }
0x3a: {  	v4 =	vperm.xlane v3, v0;
	_ =	sdelay $0x1  }
0x3b: {  	v4 =	vadd.s32 v1, v4;
	_ =	sdelay $0x1  }
0x3c: {  	v3 =	vperm.xlane v3, v2;
	_ =	sdelay $0x1  }
0x3d: {  	s1 =	simm.s32 $0x1C00;
	v3 =	vadd.s32 v1, v3  }
0x3e: {  	[hbm4b:s4+s2] =	stream.indirect_vreg.scatter [tilespmem:s1], [sflag:$0x1], $0x80, v4, vm0, $0xb8;
	[tilespmem:$0x18400] =	vst v63  }
0x3f: {  	s7 =	simm.s32 $0x2400  }
0x40: {  	[hbm4b:s5+s2] =	stream.indirect_vreg.scatter [tilespmem:s7], [sflag:$0x1], $0x80, v4, vm1, $0xb8;
	[tilespmem:$0x18400] =	vst v63  }
0x41: {  	s9 =	simm.s32 $0x2800  }
0x42: {  	[hbm4b:s4+s2] =	stream.indirect_vreg.scatter [tilespmem:s9], [sflag:$0x1], $0x80, v3, vm0, $0xb8;
	[tilespmem:$0x18400] =	vst v63  }
0x43: {  	s10 =	simm.s32 $0x3000  }
0x44: {  	[hbm4b:s5+s2] =	stream.indirect_vreg.scatter [tilespmem:s10], [sflag:$0x1], $0x80, v3, vm1, $0xb8;
	[tilespmem:$0x18400] =	vst v63  }
0x45: {  	v3 =	vld [tilespmem:$0x20];
	_ =	sdelay $0x4  }
0x46: {  	v58 =	vshrl.u32 v3, $0x3  }
0x47: {  	v4 =	vmul.u32 $0x18, v58  }
0x48: {  	v3 =	vand.u32 $0x7, v3  }
0x49: {  	v3 =	vor.u32 v3, v4  }
0x4a: {  	v4 =	vperm.xlane v3, v0;
	_ =	sdelay $0x1  }
0x4b: {  	v4 =	vadd.s32 v1, v4;
	_ =	sdelay $0x1  }
0x4c: {  	v3 =	vperm.xlane v3, v2;
	_ =	sdelay $0x1  }
0x4d: {  	s11 =	simm.s32 $0x3400;
	v3 =	vadd.s32 v1, v3  }
0x4e: {  	[hbm4b:s4+s2] =	stream.indirect_vreg.scatter [tilespmem:s11], [sflag:$0x1], $0x80, v4, vm0, $0xb8;
	[tilespmem:$0x18400] =	vst v63  }
0x4f: {  	s12 =	simm.s32 $0x3C00  }
0x50: {  	[hbm4b:s5+s2] =	stream.indirect_vreg.scatter [tilespmem:s12], [sflag:$0x1], $0x80, v4, vm1, $0xb8;
	[tilespmem:$0x18400] =	vst v63  }
0x51: {  	s15 =	simm.s32 $0x4000  }
0x52: {  	[hbm4b:s4+s2] =	stream.indirect_vreg.scatter [tilespmem:s15], [sflag:$0x1], $0x80, v3, vm0, $0xb8;
	[tilespmem:$0x18400] =	vst v63  }
0x53: {  	s16 =	simm.s32 $0x4800  }
0x54: {  	[hbm4b:s5+s2] =	stream.indirect_vreg.scatter [tilespmem:s16], [sflag:$0x1], $0x80, v3, vm1, $0xb8;
	[tilespmem:$0x18400] =	vst v63  }
0x55: {  	v3 =	vld [tilespmem:$0x30];
	_ =	sdelay $0x4  }
0x56: {  	v59 =	vshrl.u32 v3, $0x3  }
0x57: {  	v4 =	vmul.u32 $0x18, v59  }
0x58: {  	v3 =	vand.u32 $0x7, v3  }
0x59: {  	v3 =	vor.u32 v3, v4  }
0x5a: {  	v4 =	vperm.xlane v3, v0;
	_ =	sdelay $0x1  }
0x5b: {  	v4 =	vadd.s32 v1, v4;
	_ =	sdelay $0x1  }
0x5c: {  	v3 =	vperm.xlane v3, v2;
	_ =	sdelay $0x1  }
0x5d: {  	s17 =	simm.s32 $0x4C00;
	v3 =	vadd.s32 v1, v3  }
0x5e: {  	[hbm4b:s4+s2] =	stream.indirect_vreg.scatter [tilespmem:s17], [sflag:$0x1], $0x80, v4, vm0, $0xb8;
	[tilespmem:$0x18400] =	vst v63  }
0x5f: {  	s18 =	simm.s32 $0x5400  }
0x60: {  	[hbm4b:s5+s2] =	stream.indirect_vreg.scatter [tilespmem:s18], [sflag:$0x1], $0x80, v4, vm1, $0xb8;
	[tilespmem:$0x18400] =	vst v63  }
0x61: {  	s19 =	simm.s32 $0x5800  }
0x62: {  	[hbm4b:s4+s2] =	stream.indirect_vreg.scatter [tilespmem:s19], [sflag:$0x1], $0x80, v3, vm0, $0xb8;
	[tilespmem:$0x18400] =	vst v63  }
0x63: {  	s20 =	simm.s32 $0x6000  }
0x64: {  	[hbm4b:s5+s2] =	stream.indirect_vreg.scatter [tilespmem:s20], [sflag:$0x1], $0x80, v3, vm1, $0xb8;
	[tilespmem:$0x18400] =	vst v63  }
0x65: {  	v3 =	vld [tilespmem:$0x40];
	_ =	sdelay $0x4  }
0x66: {  	v60 =	vshrl.u32 v3, $0x3  }
0x67: {  	v4 =	vmul.u32 $0x18, v60  }
0x68: {  	v3 =	vand.u32 $0x7, v3  }
0x69: {  	v3 =	vor.u32 v3, v4  }
0x6a: {  	v4 =	vperm.xlane v3, v0;
	_ =	sdelay $0x1  }
0x6b: {  	v4 =	vadd.s32 v1, v4;
	_ =	sdelay $0x1  }
0x6c: {  	v3 =	vperm.xlane v3, v2;
	_ =	sdelay $0x1  }
0x6d: {  	s21 =	simm.s32 $0x6400;
	v3 =	vadd.s32 v1, v3  }
0x6e: {  	[hbm4b:s4+s2] =	stream.indirect_vreg.scatter [tilespmem:s21], [sflag:$0x1], $0x80, v4, vm0, $0xb8;
	[tilespmem:$0x18400] =	vst v63  }
0x6f: {  	s23 =	simm.s32 $0x6C00  }
0x70: {  	[hbm4b:s5+s2] =	stream.indirect_vreg.scatter [tilespmem:s23], [sflag:$0x1], $0x80, v4, vm1, $0xb8;
	[tilespmem:$0x18400] =	vst v63  }
0x71: {  	s25 =	simm.s32 $0x7000  }
0x72: {  	[hbm4b:s4+s2] =	stream.indirect_vreg.scatter [tilespmem:s25], [sflag:$0x1], $0x80, v3, vm0, $0xb8;
	[tilespmem:$0x18400] =	vst v63  }
0x73: {  	s26 =	simm.s32 $0x7800  }
0x74: {  	[hbm4b:s5+s2] =	stream.indirect_vreg.scatter [tilespmem:s26], [sflag:$0x1], $0x80, v3, vm1, $0xb8;
	[tilespmem:$0x18400] =	vst v63  }
0x75: {  	v3 =	vld [tilespmem:$0x50];
	_ =	sdelay $0x4  }
0x76: {  	v61 =	vshrl.u32 v3, $0x3  }
0x77: {  	v4 =	vmul.u32 $0x18, v61  }
0x78: {  	v3 =	vand.u32 $0x7, v3  }
0x79: {  	v3 =	vor.u32 v3, v4  }
0x7a: {  	v4 =	vperm.xlane v3, v0;
	_ =	sdelay $0x1  }
0x7b: {  	v4 =	vadd.s32 v1, v4;
	_ =	sdelay $0x1  }
0x7c: {  	v3 =	vperm.xlane v3, v2;
	_ =	sdelay $0x1  }
0x7d: {  	s28 =	simm.s32 $0x7C00;
	v3 =	vadd.s32 v1, v3  }
0x7e: {  	[hbm4b:s4+s2] =	stream.indirect_vreg.scatter [tilespmem:s28], [sflag:$0x1], $0x80, v4, vm0, $0xb8;
	[tilespmem:$0x18400] =	vst v63  }
0x7f: {  	s29 =	simm.s32 $0x8400  }
0x80: {  	[hbm4b:s5+s2] =	stream.indirect_vreg.scatter [tilespmem:s29], [sflag:$0x1], $0x80, v4, vm1, $0xb8;
	[tilespmem:$0x18400] =	vst v63  }
0x81: {  	s30 =	simm.s32 $0x8800  }
0x82: {  	[hbm4b:s4+s2] =	stream.indirect_vreg.scatter [tilespmem:s30], [sflag:$0x1], $0x80, v3, vm0, $0xb8;
	[tilespmem:$0x18400] =	vst v63  }
0x83: {  	s31 =	simm.s32 $0x9000  }
0x84: {  	[hbm4b:s5+s2] =	stream.indirect_vreg.scatter [tilespmem:s31], [sflag:$0x1], $0x80, v3, vm1, $0xb8;
	[tilespmem:$0x18400] =	vst v63  }
0x85: {  	v3 =	vld [tilespmem:$0x60];
	_ =	sdelay $0x4  }
0x86: {  	v62 =	vshrl.u32 v3, $0x3  }
0x87: {  	v4 =	vmul.u32 $0x18, v62  }
0x88: {  	v3 =	vand.u32 $0x7, v3  }
0x89: {  	v3 =	vor.u32 v3, v4  }
0x8a: {  	v4 =	vperm.xlane v3, v0;
	_ =	sdelay $0x1  }
0x8b: {  	v4 =	vadd.s32 v1, v4;
	_ =	sdelay $0x1  }
0x8c: {  	v3 =	vperm.xlane v3, v2;
	_ =	sdelay $0x1  }
0x8d: {  	s0 =	simm.s32 $0x9400;
	v3 =	vadd.s32 v1, v3  }
0x8e: {  	[hbm4b:s4+s2] =	stream.indirect_vreg.scatter [tilespmem:s0], [sflag:$0x1], $0x80, v4, vm0, $0xb8;
	[tilespmem:$0x18400] =	vst v63  }
0x8f: {  	s11 =	simm.s32 $0x9C00  }
0x90: {  	[hbm4b:s5+s2] =	stream.indirect_vreg.scatter [tilespmem:s11], [sflag:$0x1], $0x80, v4, vm1, $0xb8;
	[tilespmem:$0x18400] =	vst v63  }
0x91: {  	s16 =	simm.s32 $0xA000  }
0x92: {  	[hbm4b:s4+s2] =	stream.indirect_vreg.scatter [tilespmem:s16], [sflag:$0x1], $0x80, v3, vm0, $0xb8;
	[tilespmem:$0x18400] =	vst v63  }
0x93: {  	s17 =	simm.s32 $0xA800  }
0x94: {  	[hbm4b:s5+s2] =	stream.indirect_vreg.scatter [tilespmem:s17], [sflag:$0x1], $0x80, v3, vm1, $0xb8;
	[tilespmem:$0x18400] =	vst v63  }
0x95: {  	v3 =	vld [tilespmem:$0x70];
	_ =	sdelay $0x4  }
0x96: {  	v63 =	vshrl.u32 v3, $0x3  }
0x97: {  	v4 =	vmul.u32 $0x18, v63  }
0x98: {  	v3 =	vand.u32 $0x7, v3  }
0x99: {  	v3 =	vor.u32 v3, v4  }
0x9a: {  	v4 =	vperm.xlane v3, v0;
	_ =	sdelay $0x1  }
0x9b: {  	v4 =	vadd.s32 v1, v4;
	_ =	sdelay $0x1  }
0x9c: {  	v3 =	vperm.xlane v3, v2;
	_ =	sdelay $0x1  }
0x9d: {  	s18 =	simm.s32 $0xAC00;
	v3 =	vadd.s32 v1, v3  }
0x9e: {  	[hbm4b:s4+s2] =	stream.indirect_vreg.scatter [tilespmem:s18], [sflag:$0x1], $0x80, v4, vm0, $0xb8;
	[tilespmem:$0x18400] =	vst v63  }
0x9f: {  	s19 =	simm.s32 $0xB400  }
0xa0: {  	[hbm4b:s5+s2] =	stream.indirect_vreg.scatter [tilespmem:s19], [sflag:$0x1], $0x80, v4, vm1, $0xb8;
	[tilespmem:$0x18400] =	vst v63  }
0xa1: {  	s20 =	simm.s32 $0xB800  }
0xa2: {  	[hbm4b:s4+s2] =	stream.indirect_vreg.scatter [tilespmem:s20], [sflag:$0x1], $0x80, v3, vm0, $0xb8;
	[tilespmem:$0x18400] =	vst v63  }
0xa3: {  	s21 =	rddreg [dreg:$0x4];
	s23 =	simm.s32 $0xC000  }
0xa4: {  	[hbm4b:s5+s2] =	stream.indirect_vreg.scatter [tilespmem:s23], [sflag:$0x1], $0x80, v3, vm1, $0xb8;
	[tilespmem:$0x18400] =	vst v63  }
0xa5: {  	s26 =	rddreg [dreg:$0xb]  }
0xa6: {  	[tilespmem:s26], [sflag:$0x2] =	stream.linear.gather [hbm4b:s21+s2], $0x80, $0x38;
	[tilespmem:$0x18400] =	vst v63  }
0xa7: {  	_ =	swait.ge [sflag:s8], $0x80  }
0xa8: {  	[sflag:s8] =	ssyncset.done $0x0  }
0xa9: {  	[sflag:s8] =	ssyncadd.s32 $0xFFFFFF80  }
0xaa: {  	v3 =	vld [tilespmem:$0x80];
	_ =	sdelay $0x4  }
0xab: {  	v8 =	vshrl.u32 v3, $0x3  }
0xac: {  	v4 =	vmul.u32 $0x18, v8  }
0xad: {  	v3 =	vand.u32 $0x7, v3  }
0xae: {  	v3 =	vor.u32 v3, v4  }
0xaf: {  	v4 =	vperm.xlane v3, v0;
	_ =	sdelay $0x1  }
0xb0: {  	v4 =	vadd.s32 v1, v4;
	_ =	sdelay $0x1  }
0xb1: {  	v3 =	vperm.xlane v3, v2;
	_ =	sdelay $0x1  }
0xb2: {  	v3 =	vadd.s32 v1, v3  }
0xb3: {  	[hbm4b:s4+s2] =	stream.indirect_vreg.scatter [tilespmem:s22], [sflag:$0x1], $0x80, v4, vm0, $0xb8;
	[tilespmem:$0x18400] =	vst v63  }
0xb4: {  	s3 =	simm.s32 $0xC00  }
0xb5: {  	[hbm4b:s5+s2] =	stream.indirect_vreg.scatter [tilespmem:s3], [sflag:$0x1], $0x80, v4, vm1, $0xb8;
	[tilespmem:$0x18400] =	vst v63  }
0xb6: {  	s6 =	simm.s32 $0x1000  }
0xb7: {  	[hbm4b:s4+s2] =	stream.indirect_vreg.scatter [tilespmem:s6], [sflag:$0x1], $0x80, v3, vm0, $0xb8;
	[tilespmem:$0x18400] =	vst v63  }
0xb8: {  	s13 =	simm.s32 $0x1800  }
0xb9: {  	[hbm4b:s5+s2] =	stream.indirect_vreg.scatter [tilespmem:s13], [sflag:$0x1], $0x80, v3, vm1, $0xb8;
	[tilespmem:$0x18400] =	vst v63  }
0xba: {  	v3 =	vld [tilespmem:$0x90];
	_ =	sdelay $0x4  }
0xbb: {  	v9 =	vshrl.u32 v3, $0x3  }
0xbc: {  	v4 =	vmul.u32 $0x18, v9  }
0xbd: {  	v3 =	vand.u32 $0x7, v3  }
0xbe: {  	v3 =	vor.u32 v3, v4  }
0xbf: {  	v4 =	vperm.xlane v3, v0;
	_ =	sdelay $0x1  }
0xc0: {  	v4 =	vadd.s32 v1, v4;
	_ =	sdelay $0x1  }
0xc1: {  	v3 =	vperm.xlane v3, v2;
	_ =	sdelay $0x1  }
0xc2: {  	s14 =	simm.s32 $0x1C00;
	v3 =	vadd.s32 v1, v3  }
0xc3: {  	[hbm4b:s4+s2] =	stream.indirect_vreg.scatter [tilespmem:s14], [sflag:$0x1], $0x80, v4, vm0, $0xb8;
	[tilespmem:$0x18400] =	vst v63  }
0xc4: {  	s17 =	simm.s32 $0x2400  }
0xc5: {  	[hbm4b:s5+s2] =	stream.indirect_vreg.scatter [tilespmem:s17], [sflag:$0x1], $0x80, v4, vm1, $0xb8;
	[tilespmem:$0x18400] =	vst v63  }
0xc6: {  	s1 =	simm.s32 $0x2800  }
0xc7: {  	[hbm4b:s4+s2] =	stream.indirect_vreg.scatter [tilespmem:s1], [sflag:$0x1], $0x80, v3, vm0, $0xb8;
	[tilespmem:$0x18400] =	vst v63  }
0xc8: {  	s3 =	simm.s32 $0x3000  }
0xc9: {  	[hbm4b:s5+s2] =	stream.indirect_vreg.scatter [tilespmem:s3], [sflag:$0x1], $0x80, v3, vm1, $0xb8;
	[tilespmem:$0x18400] =	vst v63  }
0xca: {  	v3 =	vld [tilespmem:$0xA0];
	_ =	sdelay $0x4  }
0xcb: {  	v10 =	vshrl.u32 v3, $0x3  }
0xcc: {  	v4 =	vmul.u32 $0x18, v10  }
0xcd: {  	v3 =	vand.u32 $0x7, v3  }
0xce: {  	v3 =	vor.u32 v3, v4  }
0xcf: {  	v4 =	vperm.xlane v3, v0;
	_ =	sdelay $0x1  }
0xd0: {  	v4 =	vadd.s32 v1, v4;
	_ =	sdelay $0x1  }
0xd1: {  	v3 =	vperm.xlane v3, v2;
	_ =	sdelay $0x1  }
0xd2: {  	s7 =	simm.s32 $0x3400;
	v3 =	vadd.s32 v1, v3  }
0xd3: {  	[hbm4b:s4+s2] =	stream.indirect_vreg.scatter [tilespmem:s7], [sflag:$0x1], $0x80, v4, vm0, $0xb8;
	[tilespmem:$0x18400] =	vst v63  }
0xd4: {  	s9 =	simm.s32 $0x3C00  }
0xd5: {  	[hbm4b:s5+s2] =	stream.indirect_vreg.scatter [tilespmem:s9], [sflag:$0x1], $0x80, v4, vm1, $0xb8;
	[tilespmem:$0x18400] =	vst v63  }
0xd6: {  	s10 =	simm.s32 $0x4000  }
0xd7: {  	[hbm4b:s4+s2] =	stream.indirect_vreg.scatter [tilespmem:s10], [sflag:$0x1], $0x80, v3, vm0, $0xb8;
	[tilespmem:$0x18400] =	vst v63  }
0xd8: {  	s12 =	simm.s32 $0x4800  }
0xd9: {  	[hbm4b:s5+s2] =	stream.indirect_vreg.scatter [tilespmem:s12], [sflag:$0x1], $0x80, v3, vm1, $0xb8;
	[tilespmem:$0x18400] =	vst v63  }
0xda: {  	v3 =	vld [tilespmem:$0xB0];
	_ =	sdelay $0x4  }
0xdb: {  	v11 =	vshrl.u32 v3, $0x3  }
0xdc: {  	v4 =	vmul.u32 $0x18, v11  }
0xdd: {  	v3 =	vand.u32 $0x7, v3  }
0xde: {  	v3 =	vor.u32 v3, v4  }
0xdf: {  	v4 =	vperm.xlane v3, v0;
	_ =	sdelay $0x1  }
0xe0: {  	v4 =	vadd.s32 v1, v4;
	_ =	sdelay $0x1  }
0xe1: {  	v3 =	vperm.xlane v3, v2;
	_ =	sdelay $0x1  }
0xe2: {  	s12 =	simm.s32 $0x4C00;
	v3 =	vadd.s32 v1, v3  }
0xe3: {  	[hbm4b:s4+s2] =	stream.indirect_vreg.scatter [tilespmem:s12], [sflag:$0x1], $0x80, v4, vm0, $0xb8;
	[tilespmem:$0x18400] =	vst v63  }
0xe4: {  	s13 =	simm.s32 $0x5400  }
0xe5: {  	[hbm4b:s5+s2] =	stream.indirect_vreg.scatter [tilespmem:s13], [sflag:$0x1], $0x80, v4, vm1, $0xb8;
	[tilespmem:$0x18400] =	vst v63  }
0xe6: {  	s14 =	simm.s32 $0x5800  }
0xe7: {  	[hbm4b:s4+s2] =	stream.indirect_vreg.scatter [tilespmem:s14], [sflag:$0x1], $0x80, v3, vm0, $0xb8;
	[tilespmem:$0x18400] =	vst v63  }
0xe8: {  	s16 =	simm.s32 $0x6000  }
0xe9: {  	[hbm4b:s5+s2] =	stream.indirect_vreg.scatter [tilespmem:s16], [sflag:$0x1], $0x80, v3, vm1, $0xb8;
	[tilespmem:$0x18400] =	vst v63  }
0xea: {  	v3 =	vld [tilespmem:$0xC0];
	_ =	sdelay $0x4  }
0xeb: {  	v12 =	vshrl.u32 v3, $0x3  }
0xec: {  	v4 =	vmul.u32 $0x18, v12  }
0xed: {  	v3 =	vand.u32 $0x7, v3  }
0xee: {  	v3 =	vor.u32 v3, v4  }
0xef: {  	v4 =	vperm.xlane v3, v0;
	_ =	sdelay $0x1  }
0xf0: {  	v4 =	vadd.s32 v1, v4;
	_ =	sdelay $0x1  }
0xf1: {  	v3 =	vperm.xlane v3, v2;
	_ =	sdelay $0x1  }
0xf2: {  	s15 =	simm.s32 $0x6400;
	v3 =	vadd.s32 v1, v3  }
0xf3: {  	[hbm4b:s4+s2] =	stream.indirect_vreg.scatter [tilespmem:s15], [sflag:$0x1], $0x80, v4, vm0, $0xb8;
	[tilespmem:$0x18400] =	vst v63  }
0xf4: {  	s6 =	simm.s32 $0x6C00  }
0xf5: {  	[hbm4b:s5+s2] =	stream.indirect_vreg.scatter [tilespmem:s6], [sflag:$0x1], $0x80, v4, vm1, $0xb8;
	[tilespmem:$0x18400] =	vst v63  }
0xf6: {  	s18 =	simm.s32 $0x7000  }
0xf7: {  	[hbm4b:s4+s2] =	stream.indirect_vreg.scatter [tilespmem:s18], [sflag:$0x1], $0x80, v3, vm0, $0xb8;
	[tilespmem:$0x18400] =	vst v63  }
0xf8: {  	s19 =	simm.s32 $0x7800  }
0xf9: {  	[hbm4b:s5+s2] =	stream.indirect_vreg.scatter [tilespmem:s19], [sflag:$0x1], $0x80, v3, vm1, $0xb8;
	[tilespmem:$0x18400] =	vst v63  }
0xfa: {  	v3 =	vld [tilespmem:$0xD0];
	_ =	sdelay $0x4  }
0xfb: {  	v13 =	vshrl.u32 v3, $0x3  }
0xfc: {  	v4 =	vmul.u32 $0x18, v13  }
0xfd: {  	v3 =	vand.u32 $0x7, v3  }
0xfe: {  	v3 =	vor.u32 v3, v4  }
0xff: {  	v4 =	vperm.xlane v3, v0;
	_ =	sdelay $0x1  }
0x100: {  	v4 =	vadd.s32 v1, v4;
	_ =	sdelay $0x1  }
0x101: {  	v3 =	vperm.xlane v3, v2;
	_ =	sdelay $0x1  }
0x102: {  	s20 =	simm.s32 $0x7C00;
	v3 =	vadd.s32 v1, v3  }
0x103: {  	[hbm4b:s4+s2] =	stream.indirect_vreg.scatter [tilespmem:s20], [sflag:$0x1], $0x80, v4, vm0, $0xb8;
	[tilespmem:$0x18400] =	vst v63  }
0x104: {  	s21 =	simm.s32 $0x8400  }
0x105: {  	[hbm4b:s5+s2] =	stream.indirect_vreg.scatter [tilespmem:s21], [sflag:$0x1], $0x80, v4, vm1, $0xb8;
	[tilespmem:$0x18400] =	vst v63  }
0x106: {  	s7 =	simm.s32 $0x8800  }
0x107: {  	[hbm4b:s4+s2] =	stream.indirect_vreg.scatter [tilespmem:s7], [sflag:$0x1], $0x80, v3, vm0, $0xb8;
	[tilespmem:$0x18400] =	vst v63  }
0x108: {  	s15 =	simm.s32 $0x9000  }
0x109: {  	[hbm4b:s5+s2] =	stream.indirect_vreg.scatter [tilespmem:s15], [sflag:$0x1], $0x80, v3, vm1, $0xb8;
	[tilespmem:$0x18400] =	vst v63  }
0x10a: {  	v3 =	vld [tilespmem:$0xE0];
	_ =	sdelay $0x4  }
0x10b: {  	v14 =	vshrl.u32 v3, $0x3  }
0x10c: {  	v4 =	vmul.u32 $0x18, v14  }
0x10d: {  	v3 =	vand.u32 $0x7, v3  }
0x10e: {  	v3 =	vor.u32 v3, v4  }
0x10f: {  	v4 =	vperm.xlane v3, v0;
	_ =	sdelay $0x1  }
0x110: {  	v4 =	vadd.s32 v1, v4;
	_ =	sdelay $0x1  }
0x111: {  	v3 =	vperm.xlane v3, v2;
	_ =	sdelay $0x1  }
0x112: {  	s9 =	simm.s32 $0x9400;
	v3 =	vadd.s32 v1, v3  }
0x113: {  	[hbm4b:s4+s2] =	stream.indirect_vreg.scatter [tilespmem:s9], [sflag:$0x1], $0x80, v4, vm0, $0xb8;
	[tilespmem:$0x18400] =	vst v63  }
0x114: {  	s10 =	simm.s32 $0x9C00  }
0x115: {  	[hbm4b:s5+s2] =	stream.indirect_vreg.scatter [tilespmem:s10], [sflag:$0x1], $0x80, v4, vm1, $0xb8;
	[tilespmem:$0x18400] =	vst v63  }
0x116: {  	s11 =	simm.s32 $0xA000  }
0x117: {  	[hbm4b:s4+s2] =	stream.indirect_vreg.scatter [tilespmem:s11], [sflag:$0x1], $0x80, v3, vm0, $0xb8;
	[tilespmem:$0x18400] =	vst v63  }
0x118: {  	s0 =	simm.s32 $0xA800  }
0x119: {  	[hbm4b:s5+s2] =	stream.indirect_vreg.scatter [tilespmem:s0], [sflag:$0x1], $0x80, v3, vm1, $0xb8;
	[tilespmem:$0x18400] =	vst v63  }
0x11a: {  	v3 =	vld [tilespmem:$0xF0];
	_ =	sdelay $0x4  }
0x11b: {  	v15 =	vshrl.u32 v3, $0x3  }
0x11c: {  	v4 =	vmul.u32 $0x18, v15  }
0x11d: {  	v3 =	vand.u32 $0x7, v3  }
0x11e: {  	v3 =	vor.u32 v3, v4  }
0x11f: {  	v4 =	vperm.xlane v3, v0;
	_ =	sdelay $0x1  }
0x120: {  	v4 =	vadd.s32 v1, v4;
	_ =	sdelay $0x1  }
0x121: {  	v3 =	vperm.xlane v3, v2;
	_ =	sdelay $0x1  }
0x122: {  	s11 =	simm.s32 $0xAC00;
	v3 =	vadd.s32 v1, v3  }
0x123: {  	[hbm4b:s4+s2] =	stream.indirect_vreg.scatter [tilespmem:s11], [sflag:$0x1], $0x80, v4, vm0, $0xb8;
	[tilespmem:$0x18400] =	vst v63  }
0x124: {  	s30 =	simm.s32 $0xB400  }
0x125: {  	[hbm4b:s5+s2] =	stream.indirect_vreg.scatter [tilespmem:s30], [sflag:$0x1], $0x80, v4, vm1, $0xb8;
	[tilespmem:$0x18400] =	vst v63  }
0x126: {  	s1 =	simm.s32 $0xB800  }
0x127: {  	[hbm4b:s4+s2] =	stream.indirect_vreg.scatter [tilespmem:s1], [sflag:$0x1], $0x80, v3, vm0, $0xb8;
	[tilespmem:$0x18400] =	vst v63  }
0x128: {  	s23 =	simm.s32 $0xC000;
	s25 =	rddreg [dreg:$0x5]  }
0x129: {  	[hbm4b:s5+s2] =	stream.indirect_vreg.scatter [tilespmem:s23], [sflag:$0x1], $0x80, v3, vm1, $0xb8;
	[tilespmem:$0x18400] =	vst v63  }
0x12a: {  	s26 =	rddreg [dreg:$0xc]  }
0x12b: {  	[tilespmem:s26], [sflag:$0x2] =	stream.linear.gather [hbm4b:s25+s2], $0x80, $0x38;
	[tilespmem:$0x18400] =	vst v63  }
0x12c: {  	_ =	swait.ge [sflag:s8], $0x80  }
0x12d: {  	[sflag:s8] =	ssyncset.done $0x0  }
0x12e: {  	[sflag:s8] =	ssyncadd.s32 $0xFFFFFF80  }
0x12f: {  	v3 =	vld [tilespmem:$0x100];
	_ =	sdelay $0x4  }
0x130: {  	v16 =	vshrl.u32 v3, $0x3  }
0x131: {  	v4 =	vmul.u32 $0x18, v16  }
0x132: {  	v3 =	vand.u32 $0x7, v3  }
0x133: {  	v3 =	vor.u32 v3, v4  }
0x134: {  	v4 =	vperm.xlane v3, v0;
	_ =	sdelay $0x1  }
0x135: {  	v4 =	vadd.s32 v1, v4;
	_ =	sdelay $0x1  }
0x136: {  	v3 =	vperm.xlane v3, v2;
	_ =	sdelay $0x1  }
0x137: {  	v3 =	vadd.s32 v1, v3  }
0x138: {  	[hbm4b:s4+s2] =	stream.indirect_vreg.scatter [tilespmem:s22], [sflag:$0x1], $0x80, v4, vm0, $0xb8;
	[tilespmem:$0x18400] =	vst v63  }
0x139: {  	s25 =	simm.s32 $0xC00  }
0x13a: {  	[hbm4b:s5+s2] =	stream.indirect_vreg.scatter [tilespmem:s25], [sflag:$0x1], $0x80, v4, vm1, $0xb8;
	[tilespmem:$0x18400] =	vst v63  }
0x13b: {  	s26 =	simm.s32 $0x1000  }
0x13c: {  	[hbm4b:s4+s2] =	stream.indirect_vreg.scatter [tilespmem:s26], [sflag:$0x1], $0x80, v3, vm0, $0xb8;
	[tilespmem:$0x18400] =	vst v63  }
0x13d: {  	s25 =	simm.s32 $0x1800  }
0x13e: {  	[hbm4b:s5+s2] =	stream.indirect_vreg.scatter [tilespmem:s25], [sflag:$0x1], $0x80, v3, vm1, $0xb8;
	[tilespmem:$0x18400] =	vst v63  }
0x13f: {  	v3 =	vld [tilespmem:$0x110];
	_ =	sdelay $0x4  }
0x140: {  	v17 =	vshrl.u32 v3, $0x3  }
0x141: {  	v4 =	vmul.u32 $0x18, v17  }
0x142: {  	v3 =	vand.u32 $0x7, v3  }
0x143: {  	v3 =	vor.u32 v3, v4  }
0x144: {  	v4 =	vperm.xlane v3, v0;
	_ =	sdelay $0x1  }
0x145: {  	v4 =	vadd.s32 v1, v4;
	_ =	sdelay $0x1  }
0x146: {  	v3 =	vperm.xlane v3, v2;
	_ =	sdelay $0x1  }
0x147: {  	s26 =	simm.s32 $0x1C00;
	v3 =	vadd.s32 v1, v3  }
0x148: {  	[hbm4b:s4+s2] =	stream.indirect_vreg.scatter [tilespmem:s26], [sflag:$0x1], $0x80, v4, vm0, $0xb8;
	[tilespmem:$0x18400] =	vst v63  }
0x149: {  	_ = 	snop  }
0x14a: {  	[hbm4b:s5+s2] =	stream.indirect_vreg.scatter [tilespmem:s17], [sflag:$0x1], $0x80, v4, vm1, $0xb8;
	[tilespmem:$0x18400] =	vst v63  }
0x14b: {  	s31 =	simm.s32 $0x2800  }
0x14c: {  	[hbm4b:s4+s2] =	stream.indirect_vreg.scatter [tilespmem:s31], [sflag:$0x1], $0x80, v3, vm0, $0xb8;
	[tilespmem:$0x18400] =	vst v63  }
0x14d: {  	_ = 	snop  }
0x14e: {  	[hbm4b:s5+s2] =	stream.indirect_vreg.scatter [tilespmem:s3], [sflag:$0x1], $0x80, v3, vm1, $0xb8;
	[tilespmem:$0x18400] =	vst v63  }
0x14f: {  	v3 =	vld [tilespmem:$0x120];
	_ =	sdelay $0x4  }
0x150: {  	v18 =	vshrl.u32 v3, $0x3  }
0x151: {  	v4 =	vmul.u32 $0x18, v18  }
0x152: {  	v3 =	vand.u32 $0x7, v3  }
0x153: {  	v3 =	vor.u32 v3, v4  }
0x154: {  	v4 =	vperm.xlane v3, v0;
	_ =	sdelay $0x1  }
0x155: {  	v4 =	vadd.s32 v1, v4;
	_ =	sdelay $0x1  }
0x156: {  	v3 =	vperm.xlane v3, v2;
	_ =	sdelay $0x1  }
0x157: {  	s28 =	simm.s32 $0x3400;
	v3 =	vadd.s32 v1, v3  }
0x158: {  	[hbm4b:s4+s2] =	stream.indirect_vreg.scatter [tilespmem:s28], [sflag:$0x1], $0x80, v4, vm0, $0xb8;
	[tilespmem:$0x18400] =	vst v63  }
0x159: {  	s28 =	simm.s32 $0x3C00  }
0x15a: {  	[hbm4b:s5+s2] =	stream.indirect_vreg.scatter [tilespmem:s28], [sflag:$0x1], $0x80, v4, vm1, $0xb8;
	[tilespmem:$0x18400] =	vst v63  }
0x15b: {  	s25 =	simm.s32 $0x4000  }
0x15c: {  	[hbm4b:s4+s2] =	stream.indirect_vreg.scatter [tilespmem:s25], [sflag:$0x1], $0x80, v3, vm0, $0xb8;
	[tilespmem:$0x18400] =	vst v63  }
0x15d: {  	s26 =	simm.s32 $0x4800  }
0x15e: {  	[hbm4b:s5+s2] =	stream.indirect_vreg.scatter [tilespmem:s26], [sflag:$0x1], $0x80, v3, vm1, $0xb8;
	[tilespmem:$0x18400] =	vst v63  }
0x15f: {  	v3 =	vld [tilespmem:$0x130];
	_ =	sdelay $0x4  }
0x160: {  	v19 =	vshrl.u32 v3, $0x3  }
0x161: {  	v4 =	vmul.u32 $0x18, v19  }
0x162: {  	v3 =	vand.u32 $0x7, v3  }
0x163: {  	v3 =	vor.u32 v3, v4  }
0x164: {  	v4 =	vperm.xlane v3, v0;
	_ =	sdelay $0x1  }
0x165: {  	v4 =	vadd.s32 v1, v4;
	_ =	sdelay $0x1  }
0x166: {  	v3 =	vperm.xlane v3, v2;
	_ =	sdelay $0x1  }
0x167: {  	v3 =	vadd.s32 v1, v3  }
0x168: {  	[hbm4b:s4+s2] =	stream.indirect_vreg.scatter [tilespmem:s12], [sflag:$0x1], $0x80, v4, vm0, $0xb8;
	[tilespmem:$0x18400] =	vst v63  }
0x169: {  	_ = 	snop  }
0x16a: {  	[hbm4b:s5+s2] =	stream.indirect_vreg.scatter [tilespmem:s13], [sflag:$0x1], $0x80, v4, vm1, $0xb8;
	[tilespmem:$0x18400] =	vst v63  }
0x16b: {  	_ = 	snop  }
0x16c: {  	[hbm4b:s4+s2] =	stream.indirect_vreg.scatter [tilespmem:s14], [sflag:$0x1], $0x80, v3, vm0, $0xb8;
	[tilespmem:$0x18400] =	vst v63  }
0x16d: {  	_ = 	snop  }
0x16e: {  	[hbm4b:s5+s2] =	stream.indirect_vreg.scatter [tilespmem:s16], [sflag:$0x1], $0x80, v3, vm1, $0xb8;
	[tilespmem:$0x18400] =	vst v63  }
0x16f: {  	v3 =	vld [tilespmem:$0x140];
	_ =	sdelay $0x4  }
0x170: {  	v20 =	vshrl.u32 v3, $0x3  }
0x171: {  	v4 =	vmul.u32 $0x18, v20  }
0x172: {  	v3 =	vand.u32 $0x7, v3  }
0x173: {  	v3 =	vor.u32 v3, v4  }
0x174: {  	v4 =	vperm.xlane v3, v0;
	_ =	sdelay $0x1  }
0x175: {  	v4 =	vadd.s32 v1, v4;
	_ =	sdelay $0x1  }
0x176: {  	v3 =	vperm.xlane v3, v2;
	_ =	sdelay $0x1  }
0x177: {  	s28 =	simm.s32 $0x6400;
	v3 =	vadd.s32 v1, v3  }
0x178: {  	[hbm4b:s4+s2] =	stream.indirect_vreg.scatter [tilespmem:s28], [sflag:$0x1], $0x80, v4, vm0, $0xb8;
	[tilespmem:$0x18400] =	vst v63  }
0x179: {  	_ = 	snop  }
0x17a: {  	[hbm4b:s5+s2] =	stream.indirect_vreg.scatter [tilespmem:s6], [sflag:$0x1], $0x80, v4, vm1, $0xb8;
	[tilespmem:$0x18400] =	vst v63  }
0x17b: {  	_ = 	snop  }
0x17c: {  	[hbm4b:s4+s2] =	stream.indirect_vreg.scatter [tilespmem:s18], [sflag:$0x1], $0x80, v3, vm0, $0xb8;
	[tilespmem:$0x18400] =	vst v63  }
0x17d: {  	_ = 	snop  }
0x17e: {  	[hbm4b:s5+s2] =	stream.indirect_vreg.scatter [tilespmem:s19], [sflag:$0x1], $0x80, v3, vm1, $0xb8;
	[tilespmem:$0x18400] =	vst v63  }
0x17f: {  	v3 =	vld [tilespmem:$0x150];
	_ =	sdelay $0x4  }
0x180: {  	v21 =	vshrl.u32 v3, $0x3  }
0x181: {  	v4 =	vmul.u32 $0x18, v21  }
0x182: {  	v3 =	vand.u32 $0x7, v3  }
0x183: {  	v3 =	vor.u32 v3, v4  }
0x184: {  	v4 =	vperm.xlane v3, v0;
	_ =	sdelay $0x1  }
0x185: {  	v4 =	vadd.s32 v1, v4;
	_ =	sdelay $0x1  }
0x186: {  	v3 =	vperm.xlane v3, v2;
	_ =	sdelay $0x1  }
0x187: {  	v3 =	vadd.s32 v1, v3  }
0x188: {  	[hbm4b:s4+s2] =	stream.indirect_vreg.scatter [tilespmem:s20], [sflag:$0x1], $0x80, v4, vm0, $0xb8;
	[tilespmem:$0x18400] =	vst v63  }
0x189: {  	_ = 	snop  }
0x18a: {  	[hbm4b:s5+s2] =	stream.indirect_vreg.scatter [tilespmem:s21], [sflag:$0x1], $0x80, v4, vm1, $0xb8;
	[tilespmem:$0x18400] =	vst v63  }
0x18b: {  	_ = 	snop  }
0x18c: {  	[hbm4b:s4+s2] =	stream.indirect_vreg.scatter [tilespmem:s7], [sflag:$0x1], $0x80, v3, vm0, $0xb8;
	[tilespmem:$0x18400] =	vst v63  }
0x18d: {  	_ = 	snop  }
0x18e: {  	[hbm4b:s5+s2] =	stream.indirect_vreg.scatter [tilespmem:s15], [sflag:$0x1], $0x80, v3, vm1, $0xb8;
	[tilespmem:$0x18400] =	vst v63  }
0x18f: {  	v3 =	vld [tilespmem:$0x160];
	_ =	sdelay $0x4  }
0x190: {  	v22 =	vshrl.u32 v3, $0x3  }
0x191: {  	v4 =	vmul.u32 $0x18, v22  }
0x192: {  	v3 =	vand.u32 $0x7, v3  }
0x193: {  	v3 =	vor.u32 v3, v4  }
0x194: {  	v4 =	vperm.xlane v3, v0;
	_ =	sdelay $0x1  }
0x195: {  	v4 =	vadd.s32 v1, v4;
	_ =	sdelay $0x1  }
0x196: {  	v3 =	vperm.xlane v3, v2;
	_ =	sdelay $0x1  }
0x197: {  	v3 =	vadd.s32 v1, v3  }
0x198: {  	[hbm4b:s4+s2] =	stream.indirect_vreg.scatter [tilespmem:s9], [sflag:$0x1], $0x80, v4, vm0, $0xb8;
	[tilespmem:$0x18400] =	vst v63  }
0x199: {  	_ = 	snop  }
0x19a: {  	[hbm4b:s5+s2] =	stream.indirect_vreg.scatter [tilespmem:s10], [sflag:$0x1], $0x80, v4, vm1, $0xb8;
	[tilespmem:$0x18400] =	vst v63  }
0x19b: {  	s29 =	simm.s32 $0xA000  }
0x19c: {  	[hbm4b:s4+s2] =	stream.indirect_vreg.scatter [tilespmem:s29], [sflag:$0x1], $0x80, v3, vm0, $0xb8;
	[tilespmem:$0x18400] =	vst v63  }
0x19d: {  	_ = 	snop  }
0x19e: {  	[hbm4b:s5+s2] =	stream.indirect_vreg.scatter [tilespmem:s0], [sflag:$0x1], $0x80, v3, vm1, $0xb8;
	[tilespmem:$0x18400] =	vst v63  }
0x19f: {  	v3 =	vld [tilespmem:$0x170];
	_ =	sdelay $0x4  }
0x1a0: {  	v23 =	vshrl.u32 v3, $0x3  }
0x1a1: {  	v4 =	vmul.u32 $0x18, v23  }
0x1a2: {  	v3 =	vand.u32 $0x7, v3  }
0x1a3: {  	v3 =	vor.u32 v3, v4  }
0x1a4: {  	v4 =	vperm.xlane v3, v0;
	_ =	sdelay $0x1  }
0x1a5: {  	v4 =	vadd.s32 v1, v4;
	_ =	sdelay $0x1  }
0x1a6: {  	v3 =	vperm.xlane v3, v2;
	_ =	sdelay $0x1  }
0x1a7: {  	v3 =	vadd.s32 v1, v3  }
0x1a8: {  	[hbm4b:s4+s2] =	stream.indirect_vreg.scatter [tilespmem:s11], [sflag:$0x1], $0x80, v4, vm0, $0xb8;
	[tilespmem:$0x18400] =	vst v63  }
0x1a9: {  	s30 =	simm.s32 $0xB400  }
0x1aa: {  	[hbm4b:s5+s2] =	stream.indirect_vreg.scatter [tilespmem:s30], [sflag:$0x1], $0x80, v4, vm1, $0xb8;
	[tilespmem:$0x18400] =	vst v63  }
0x1ab: {  	_ = 	snop  }
0x1ac: {  	[hbm4b:s4+s2] =	stream.indirect_vreg.scatter [tilespmem:s1], [sflag:$0x1], $0x80, v3, vm0, $0xb8;
	[tilespmem:$0x18400] =	vst v63  }
0x1ad: {  	s25 =	rddreg [dreg:$0x6];
	s30 =	simm.s32 $0xC000  }
0x1ae: {  	[hbm4b:s5+s2] =	stream.indirect_vreg.scatter [tilespmem:s30], [sflag:$0x1], $0x80, v3, vm1, $0xb8;
	[tilespmem:$0x18400] =	vst v63  }
0x1af: {  	s26 =	rddreg [dreg:$0xd]  }
0x1b0: {  	[tilespmem:s26], [sflag:$0x2] =	stream.linear.gather [hbm4b:s25+s2], $0x80, $0x38;
	[tilespmem:$0x18400] =	vst v63  }
0x1b1: {  	_ =	swait.ge [sflag:s8], $0x80  }
0x1b2: {  	[sflag:s8] =	ssyncset.done $0x0  }
0x1b3: {  	[sflag:s8] =	ssyncadd.s32 $0xFFFFFF80  }
0x1b4: {  	v3 =	vld [tilespmem:$0x180];
	_ =	sdelay $0x4  }
0x1b5: {  	v24 =	vshrl.u32 v3, $0x3  }
0x1b6: {  	v4 =	vmul.u32 $0x18, v24  }
0x1b7: {  	v3 =	vand.u32 $0x7, v3  }
0x1b8: {  	v3 =	vor.u32 v3, v4  }
0x1b9: {  	v4 =	vperm.xlane v3, v0;
	_ =	sdelay $0x1  }
0x1ba: {  	v4 =	vadd.s32 v1, v4;
	_ =	sdelay $0x1  }
0x1bb: {  	v3 =	vperm.xlane v3, v2;
	_ =	sdelay $0x1  }
0x1bc: {  	v3 =	vadd.s32 v1, v3  }
0x1bd: {  	[hbm4b:s4+s2] =	stream.indirect_vreg.scatter [tilespmem:s22], [sflag:$0x1], $0x80, v4, vm0, $0xb8;
	[tilespmem:$0x18400] =	vst v63  }
0x1be: {  	s26 =	simm.s32 $0xC00  }
0x1bf: {  	[hbm4b:s5+s2] =	stream.indirect_vreg.scatter [tilespmem:s26], [sflag:$0x1], $0x80, v4, vm1, $0xb8;
	[tilespmem:$0x18400] =	vst v63  }
0x1c0: {  	s22 =	simm.s32 $0x1000  }
0x1c1: {  	[hbm4b:s4+s2] =	stream.indirect_vreg.scatter [tilespmem:s22], [sflag:$0x1], $0x80, v3, vm0, $0xb8;
	[tilespmem:$0x18400] =	vst v63  }
0x1c2: {  	s25 =	simm.s32 $0x1800  }
0x1c3: {  	[hbm4b:s5+s2] =	stream.indirect_vreg.scatter [tilespmem:s25], [sflag:$0x1], $0x80, v3, vm1, $0xb8;
	[tilespmem:$0x18400] =	vst v63  }
0x1c4: {  	v3 =	vld [tilespmem:$0x190];
	_ =	sdelay $0x4  }
0x1c5: {  	v25 =	vshrl.u32 v3, $0x3  }
0x1c6: {  	v4 =	vmul.u32 $0x18, v25  }
0x1c7: {  	v3 =	vand.u32 $0x7, v3  }
0x1c8: {  	v3 =	vor.u32 v3, v4  }
0x1c9: {  	v4 =	vperm.xlane v3, v0;
	_ =	sdelay $0x1  }
0x1ca: {  	v4 =	vadd.s32 v1, v4;
	_ =	sdelay $0x1  }
0x1cb: {  	v3 =	vperm.xlane v3, v2;
	_ =	sdelay $0x1  }
0x1cc: {  	s26 =	simm.s32 $0x1C00;
	v3 =	vadd.s32 v1, v3  }
0x1cd: {  	[hbm4b:s4+s2] =	stream.indirect_vreg.scatter [tilespmem:s26], [sflag:$0x1], $0x80, v4, vm0, $0xb8;
	[tilespmem:$0x18400] =	vst v63  }
0x1ce: {  	s23 =	simm.s32 $0x2400  }
0x1cf: {  	[hbm4b:s5+s2] =	stream.indirect_vreg.scatter [tilespmem:s23], [sflag:$0x1], $0x80, v4, vm1, $0xb8;
	[tilespmem:$0x18400] =	vst v63  }
0x1d0: {  	s31 =	simm.s32 $0x2800  }
0x1d1: {  	[hbm4b:s4+s2] =	stream.indirect_vreg.scatter [tilespmem:s31], [sflag:$0x1], $0x80, v3, vm0, $0xb8;
	[tilespmem:$0x18400] =	vst v63  }
0x1d2: {  	s17 =	simm.s32 $0x3000  }
0x1d3: {  	[hbm4b:s5+s2] =	stream.indirect_vreg.scatter [tilespmem:s17], [sflag:$0x1], $0x80, v3, vm1, $0xb8;
	[tilespmem:$0x18400] =	vst v63  }
0x1d4: {  	v3 =	vld [tilespmem:$0x1A0];
	_ =	sdelay $0x4  }
0x1d5: {  	v26 =	vshrl.u32 v3, $0x3  }
0x1d6: {  	v4 =	vmul.u32 $0x18, v26  }
0x1d7: {  	v3 =	vand.u32 $0x7, v3  }
0x1d8: {  	v3 =	vor.u32 v3, v4  }
0x1d9: {  	v4 =	vperm.xlane v3, v0;
	_ =	sdelay $0x1  }
0x1da: {  	v4 =	vadd.s32 v1, v4;
	_ =	sdelay $0x1  }
0x1db: {  	v3 =	vperm.xlane v3, v2;
	_ =	sdelay $0x1  }
0x1dc: {  	s22 =	simm.s32 $0x3400;
	v3 =	vadd.s32 v1, v3  }
0x1dd: {  	[hbm4b:s4+s2] =	stream.indirect_vreg.scatter [tilespmem:s22], [sflag:$0x1], $0x80, v4, vm0, $0xb8;
	[tilespmem:$0x18400] =	vst v63  }
0x1de: {  	s23 =	simm.s32 $0x3C00  }
0x1df: {  	[hbm4b:s5+s2] =	stream.indirect_vreg.scatter [tilespmem:s23], [sflag:$0x1], $0x80, v4, vm1, $0xb8;
	[tilespmem:$0x18400] =	vst v63  }
0x1e0: {  	s25 =	simm.s32 $0x4000  }
0x1e1: {  	[hbm4b:s4+s2] =	stream.indirect_vreg.scatter [tilespmem:s25], [sflag:$0x1], $0x80, v3, vm0, $0xb8;
	[tilespmem:$0x18400] =	vst v63  }
0x1e2: {  	s26 =	simm.s32 $0x4800  }
0x1e3: {  	[hbm4b:s5+s2] =	stream.indirect_vreg.scatter [tilespmem:s26], [sflag:$0x1], $0x80, v3, vm1, $0xb8;
	[tilespmem:$0x18400] =	vst v63  }
0x1e4: {  	v3 =	vld [tilespmem:$0x1B0];
	_ =	sdelay $0x4  }
0x1e5: {  	v27 =	vshrl.u32 v3, $0x3  }
0x1e6: {  	v4 =	vmul.u32 $0x18, v27  }
0x1e7: {  	v3 =	vand.u32 $0x7, v3  }
0x1e8: {  	v3 =	vor.u32 v3, v4  }
0x1e9: {  	v4 =	vperm.xlane v3, v0;
	_ =	sdelay $0x1  }
0x1ea: {  	v4 =	vadd.s32 v1, v4;
	_ =	sdelay $0x1  }
0x1eb: {  	v3 =	vperm.xlane v3, v2;
	_ =	sdelay $0x1  }
0x1ec: {  	s12 =	simm.s32 $0x4C00;
	v3 =	vadd.s32 v1, v3  }
0x1ed: {  	[hbm4b:s4+s2] =	stream.indirect_vreg.scatter [tilespmem:s12], [sflag:$0x1], $0x80, v4, vm0, $0xb8;
	[tilespmem:$0x18400] =	vst v63  }
0x1ee: {  	s13 =	simm.s32 $0x5400  }
0x1ef: {  	[hbm4b:s5+s2] =	stream.indirect_vreg.scatter [tilespmem:s13], [sflag:$0x1], $0x80, v4, vm1, $0xb8;
	[tilespmem:$0x18400] =	vst v63  }
0x1f0: {  	s14 =	simm.s32 $0x5800  }
0x1f1: {  	[hbm4b:s4+s2] =	stream.indirect_vreg.scatter [tilespmem:s14], [sflag:$0x1], $0x80, v3, vm0, $0xb8;
	[tilespmem:$0x18400] =	vst v63  }
0x1f2: {  	s16 =	simm.s32 $0x6000  }
0x1f3: {  	[hbm4b:s5+s2] =	stream.indirect_vreg.scatter [tilespmem:s16], [sflag:$0x1], $0x80, v3, vm1, $0xb8;
	[tilespmem:$0x18400] =	vst v63  }
0x1f4: {  	v3 =	vld [tilespmem:$0x1C0];
	_ =	sdelay $0x4  }
0x1f5: {  	v28 =	vshrl.u32 v3, $0x3  }
0x1f6: {  	v4 =	vmul.u32 $0x18, v28  }
0x1f7: {  	v3 =	vand.u32 $0x7, v3  }
0x1f8: {  	v3 =	vor.u32 v3, v4  }
0x1f9: {  	v4 =	vperm.xlane v3, v0;
	_ =	sdelay $0x1  }
0x1fa: {  	v4 =	vadd.s32 v1, v4;
	_ =	sdelay $0x1  }
0x1fb: {  	v3 =	vperm.xlane v3, v2;
	_ =	sdelay $0x1  }
0x1fc: {  	s31 =	simm.s32 $0x6400;
	v3 =	vadd.s32 v1, v3  }
0x1fd: {  	[hbm4b:s4+s2] =	stream.indirect_vreg.scatter [tilespmem:s31], [sflag:$0x1], $0x80, v4, vm0, $0xb8;
	[tilespmem:$0x18400] =	vst v63  }
0x1fe: {  	s28 =	simm.s32 $0x6C00  }
0x1ff: {  	[hbm4b:s5+s2] =	stream.indirect_vreg.scatter [tilespmem:s28], [sflag:$0x1], $0x80, v4, vm1, $0xb8;
	[tilespmem:$0x18400] =	vst v63  }
0x200: {  	s18 =	simm.s32 $0x7000  }
0x201: {  	[hbm4b:s4+s2] =	stream.indirect_vreg.scatter [tilespmem:s18], [sflag:$0x1], $0x80, v3, vm0, $0xb8;
	[tilespmem:$0x18400] =	vst v63  }
0x202: {  	s19 =	simm.s32 $0x7800  }
0x203: {  	[hbm4b:s5+s2] =	stream.indirect_vreg.scatter [tilespmem:s19], [sflag:$0x1], $0x80, v3, vm1, $0xb8;
	[tilespmem:$0x18400] =	vst v63  }
0x204: {  	v3 =	vld [tilespmem:$0x1D0];
	_ =	sdelay $0x4  }
0x205: {  	v29 =	vshrl.u32 v3, $0x3  }
0x206: {  	v4 =	vmul.u32 $0x18, v29  }
0x207: {  	v3 =	vand.u32 $0x7, v3  }
0x208: {  	v3 =	vor.u32 v3, v4  }
0x209: {  	v4 =	vperm.xlane v3, v0;
	_ =	sdelay $0x1  }
0x20a: {  	v4 =	vadd.s32 v1, v4;
	_ =	sdelay $0x1  }
0x20b: {  	v3 =	vperm.xlane v3, v2;
	_ =	sdelay $0x1  }
0x20c: {  	s20 =	simm.s32 $0x7C00;
	v3 =	vadd.s32 v1, v3  }
0x20d: {  	[hbm4b:s4+s2] =	stream.indirect_vreg.scatter [tilespmem:s20], [sflag:$0x1], $0x80, v4, vm0, $0xb8;
	[tilespmem:$0x18400] =	vst v63  }
0x20e: {  	s21 =	simm.s32 $0x8400  }
0x20f: {  	[hbm4b:s5+s2] =	stream.indirect_vreg.scatter [tilespmem:s21], [sflag:$0x1], $0x80, v4, vm1, $0xb8;
	[tilespmem:$0x18400] =	vst v63  }
0x210: {  	s7 =	simm.s32 $0x8800  }
0x211: {  	[hbm4b:s4+s2] =	stream.indirect_vreg.scatter [tilespmem:s7], [sflag:$0x1], $0x80, v3, vm0, $0xb8;
	[tilespmem:$0x18400] =	vst v63  }
0x212: {  	s15 =	simm.s32 $0x9000  }
0x213: {  	[hbm4b:s5+s2] =	stream.indirect_vreg.scatter [tilespmem:s15], [sflag:$0x1], $0x80, v3, vm1, $0xb8;
	[tilespmem:$0x18400] =	vst v63  }
0x214: {  	v3 =	vld [tilespmem:$0x1E0];
	_ =	sdelay $0x4  }
0x215: {  	v30 =	vshrl.u32 v3, $0x3  }
0x216: {  	v4 =	vmul.u32 $0x18, v30  }
0x217: {  	v3 =	vand.u32 $0x7, v3  }
0x218: {  	v3 =	vor.u32 v3, v4  }
0x219: {  	v4 =	vperm.xlane v3, v0;
	_ =	sdelay $0x1  }
0x21a: {  	v4 =	vadd.s32 v1, v4;
	_ =	sdelay $0x1  }
0x21b: {  	v3 =	vperm.xlane v3, v2;
	_ =	sdelay $0x1  }
0x21c: {  	s9 =	simm.s32 $0x9400;
	v3 =	vadd.s32 v1, v3  }
0x21d: {  	[hbm4b:s4+s2] =	stream.indirect_vreg.scatter [tilespmem:s9], [sflag:$0x1], $0x80, v4, vm0, $0xb8;
	[tilespmem:$0x18400] =	vst v63  }
0x21e: {  	s6 =	simm.s32 $0x9C00  }
0x21f: {  	[hbm4b:s5+s2] =	stream.indirect_vreg.scatter [tilespmem:s6], [sflag:$0x1], $0x80, v4, vm1, $0xb8;
	[tilespmem:$0x18400] =	vst v63  }
0x220: {  	s29 =	simm.s32 $0xA000  }
0x221: {  	[hbm4b:s4+s2] =	stream.indirect_vreg.scatter [tilespmem:s29], [sflag:$0x1], $0x80, v3, vm0, $0xb8;
	[tilespmem:$0x18400] =	vst v63  }
0x222: {  	s0 =	simm.s32 $0xA800  }
0x223: {  	[hbm4b:s5+s2] =	stream.indirect_vreg.scatter [tilespmem:s0], [sflag:$0x1], $0x80, v3, vm1, $0xb8;
	[tilespmem:$0x18400] =	vst v63  }
0x224: {  	v3 =	vld [tilespmem:$0x1F0];
	_ =	sdelay $0x4  }
0x225: {  	v31 =	vshrl.u32 v3, $0x3  }
0x226: {  	v4 =	vmul.u32 $0x18, v31  }
0x227: {  	v3 =	vand.u32 $0x7, v3  }
0x228: {  	v3 =	vor.u32 v3, v4  }
0x229: {  	v4 =	vperm.xlane v3, v0;
	_ =	sdelay $0x1  }
0x22a: {  	v4 =	vadd.s32 v1, v4;
	_ =	sdelay $0x1  }
0x22b: {  	v3 =	vperm.xlane v3, v2;
	_ =	sdelay $0x1  }
0x22c: {  	s3 =	simm.s32 $0xAC00;
	v3 =	vadd.s32 v1, v3  }
0x22d: {  	[hbm4b:s4+s2] =	stream.indirect_vreg.scatter [tilespmem:s3], [sflag:$0x1], $0x80, v4, vm0, $0xb8;
	[tilespmem:$0x18400] =	vst v63  }
0x22e: {  	s11 =	simm.s32 $0xB400  }
0x22f: {  	[hbm4b:s5+s2] =	stream.indirect_vreg.scatter [tilespmem:s11], [sflag:$0x1], $0x80, v4, vm1, $0xb8;
	[tilespmem:$0x18400] =	vst v63  }
0x230: {  	s10 =	simm.s32 $0xB800  }
0x231: {  	[hbm4b:s4+s2] =	stream.indirect_vreg.scatter [tilespmem:s10], [sflag:$0x1], $0x80, v3, vm0, $0xb8;
	[tilespmem:$0x18400] =	vst v63  }
0x232: {  	s30 =	simm.s32 $0xC000;
	s13 =	rddreg [dreg:$0x7]  }
0x233: {  	[hbm4b:s5+s2] =	stream.indirect_vreg.scatter [tilespmem:s30], [sflag:$0x1], $0x80, v3, vm1, $0xb8;
	[tilespmem:$0x18400] =	vst v63  }
0x234: {  	s14 =	rddreg [dreg:$0xe]  }
0x235: {  	[tilespmem:s14], [sflag:$0x2] =	stream.linear.gather [hbm4b:s13+s2], $0x80, $0x38;
	[tilespmem:$0x18400] =	vst v63  }
0x236: {  	s1 =	rddreg [dreg:$0x13];
	_ =	swait.ge [sflag:s8], $0x80  }
0x237: {  	[sflag:s8] =	ssyncset.done $0x0  }
0x238: {  	[sflag:s8] =	ssyncadd.s32 $0xFFFFFF80  }
0x239: {  	v3 =	vld [tilespmem:$0x200];
	_ =	sdelay $0x4  }
0x23a: {  	v32 =	vshrl.u32 v3, $0x3  }
0x23b: {  	v4 =	vmul.u32 $0x18, v32  }
0x23c: {  	v3 =	vand.u32 $0x7, v3  }
0x23d: {  	v3 =	vor.u32 v3, v4  }
0x23e: {  	v4 =	vperm.xlane v3, v0;
	_ =	sdelay $0x1  }
0x23f: {  	v4 =	vadd.s32 v1, v4;
	_ =	sdelay $0x1  }
0x240: {  	v3 =	vperm.xlane v3, v2;
	_ =	sdelay $0x1  }
0x241: {  	s0 =	simm.s32 $0xC400;
	v3 =	vadd.s32 v1, v3  }
0x242: {  	[hbm4b:s4+s2] =	stream.indirect_vreg.scatter [tilespmem:s0], [sflag:$0x1], $0x80, v4, vm0, $0xb8;
	[tilespmem:$0x18400] =	vst v63  }
0x243: {  	s15 =	simm.s32 $0xCC00  }
0x244: {  	[hbm4b:s5+s2] =	stream.indirect_vreg.scatter [tilespmem:s15], [sflag:$0x1], $0x80, v4, vm1, $0xb8;
	[tilespmem:$0x18400] =	vst v63  }
0x245: {  	s16 =	simm.s32 $0xD000  }
0x246: {  	[hbm4b:s4+s2] =	stream.indirect_vreg.scatter [tilespmem:s16], [sflag:$0x1], $0x80, v3, vm0, $0xb8;
	[tilespmem:$0x18400] =	vst v63  }
0x247: {  	s17 =	simm.s32 $0xD800  }
0x248: {  	[hbm4b:s5+s2] =	stream.indirect_vreg.scatter [tilespmem:s17], [sflag:$0x1], $0x80, v3, vm1, $0xb8;
	[tilespmem:$0x18400] =	vst v63  }
0x249: {  	v3 =	vld [tilespmem:$0x210];
	_ =	sdelay $0x4  }
0x24a: {  	v33 =	vshrl.u32 v3, $0x3  }
0x24b: {  	v4 =	vmul.u32 $0x18, v33  }
0x24c: {  	v3 =	vand.u32 $0x7, v3  }
0x24d: {  	v3 =	vor.u32 v3, v4  }
0x24e: {  	v4 =	vperm.xlane v3, v0;
	_ =	sdelay $0x1  }
0x24f: {  	v4 =	vadd.s32 v1, v4;
	_ =	sdelay $0x1  }
0x250: {  	v3 =	vperm.xlane v3, v2;
	_ =	sdelay $0x1  }
0x251: {  	s18 =	simm.s32 $0xDC00;
	v3 =	vadd.s32 v1, v3  }
0x252: {  	[hbm4b:s4+s2] =	stream.indirect_vreg.scatter [tilespmem:s18], [sflag:$0x1], $0x80, v4, vm0, $0xb8;
	[tilespmem:$0x18400] =	vst v63  }
0x253: {  	s19 =	simm.s32 $0xE400  }
0x254: {  	[hbm4b:s5+s2] =	stream.indirect_vreg.scatter [tilespmem:s19], [sflag:$0x1], $0x80, v4, vm1, $0xb8;
	[tilespmem:$0x18400] =	vst v63  }
0x255: {  	s20 =	simm.s32 $0xE800  }
0x256: {  	[hbm4b:s4+s2] =	stream.indirect_vreg.scatter [tilespmem:s20], [sflag:$0x1], $0x80, v3, vm0, $0xb8;
	[tilespmem:$0x18400] =	vst v63  }
0x257: {  	s21 =	simm.s32 $0xF000  }
0x258: {  	[hbm4b:s5+s2] =	stream.indirect_vreg.scatter [tilespmem:s21], [sflag:$0x1], $0x80, v3, vm1, $0xb8;
	[tilespmem:$0x18400] =	vst v63  }
0x259: {  	v3 =	vld [tilespmem:$0x220];
	_ =	sdelay $0x4  }
0x25a: {  	v34 =	vshrl.u32 v3, $0x3  }
0x25b: {  	v4 =	vmul.u32 $0x18, v34  }
0x25c: {  	v3 =	vand.u32 $0x7, v3  }
0x25d: {  	v3 =	vor.u32 v3, v4  }
0x25e: {  	v4 =	vperm.xlane v3, v0;
	_ =	sdelay $0x1  }
0x25f: {  	v4 =	vadd.s32 v1, v4;
	_ =	sdelay $0x1  }
0x260: {  	v3 =	vperm.xlane v3, v2;
	_ =	sdelay $0x1  }
0x261: {  	s22 =	simm.s32 $0xF400;
	v3 =	vadd.s32 v1, v3  }
0x262: {  	[hbm4b:s4+s2] =	stream.indirect_vreg.scatter [tilespmem:s22], [sflag:$0x1], $0x80, v4, vm0, $0xb8;
	[tilespmem:$0x18400] =	vst v63  }
0x263: {  	s23 =	simm.s32 $0xFC00  }
0x264: {  	[hbm4b:s5+s2] =	stream.indirect_vreg.scatter [tilespmem:s23], [sflag:$0x1], $0x80, v4, vm1, $0xb8;
	[tilespmem:$0x18400] =	vst v63  }
0x265: {  	s25 =	simm.s32 $0x10000  }
0x266: {  	[hbm4b:s4+s2] =	stream.indirect_vreg.scatter [tilespmem:s25], [sflag:$0x1], $0x80, v3, vm0, $0xb8;
	[tilespmem:$0x18400] =	vst v63  }
0x267: {  	s26 =	simm.s32 $0x10800  }
0x268: {  	[hbm4b:s5+s2] =	stream.indirect_vreg.scatter [tilespmem:s26], [sflag:$0x1], $0x80, v3, vm1, $0xb8;
	[tilespmem:$0x18400] =	vst v63  }
0x269: {  	v3 =	vld [tilespmem:$0x230];
	_ =	sdelay $0x4  }
0x26a: {  	v35 =	vshrl.u32 v3, $0x3  }
0x26b: {  	v4 =	vmul.u32 $0x18, v35  }
0x26c: {  	v3 =	vand.u32 $0x7, v3  }
0x26d: {  	v3 =	vor.u32 v3, v4  }
0x26e: {  	v4 =	vperm.xlane v3, v0;
	_ =	sdelay $0x1  }
0x26f: {  	v4 =	vadd.s32 v1, v4;
	_ =	sdelay $0x1  }
0x270: {  	v3 =	vperm.xlane v3, v2;
	_ =	sdelay $0x1  }
0x271: {  	s28 =	simm.s32 $0x10C00;
	v3 =	vadd.s32 v1, v3  }
0x272: {  	[hbm4b:s4+s2] =	stream.indirect_vreg.scatter [tilespmem:s28], [sflag:$0x1], $0x80, v4, vm0, $0xb8;
	[tilespmem:$0x18400] =	vst v63  }
0x273: {  	s29 =	simm.s32 $0x11400  }
0x274: {  	[hbm4b:s5+s2] =	stream.indirect_vreg.scatter [tilespmem:s29], [sflag:$0x1], $0x80, v4, vm1, $0xb8;
	[tilespmem:$0x18400] =	vst v63  }
0x275: {  	s30 =	simm.s32 $0x11800  }
0x276: {  	[hbm4b:s4+s2] =	stream.indirect_vreg.scatter [tilespmem:s30], [sflag:$0x1], $0x80, v3, vm0, $0xb8;
	[tilespmem:$0x18400] =	vst v63  }
0x277: {  	s31 =	simm.s32 $0x12000  }
0x278: {  	[hbm4b:s5+s2] =	stream.indirect_vreg.scatter [tilespmem:s31], [sflag:$0x1], $0x80, v3, vm1, $0xb8;
	[tilespmem:$0x18400] =	vst v63  }
0x279: {  	v3 =	vld [tilespmem:$0x240];
	_ =	sdelay $0x4  }
0x27a: {  	v36 =	vshrl.u32 v3, $0x3  }
0x27b: {  	v4 =	vmul.u32 $0x18, v36  }
0x27c: {  	v3 =	vand.u32 $0x7, v3  }
0x27d: {  	v3 =	vor.u32 v3, v4  }
0x27e: {  	v4 =	vperm.xlane v3, v0;
	_ =	sdelay $0x1  }
0x27f: {  	v4 =	vadd.s32 v1, v4;
	_ =	sdelay $0x1  }
0x280: {  	v3 =	vperm.xlane v3, v2;
	_ =	sdelay $0x1  }
0x281: {  	s11 =	simm.s32 $0x12400;
	v3 =	vadd.s32 v1, v3  }
0x282: {  	[hbm4b:s4+s2] =	stream.indirect_vreg.scatter [tilespmem:s11], [sflag:$0x1], $0x80, v4, vm0, $0xb8;
	[tilespmem:$0x18400] =	vst v63  }
0x283: {  	s12 =	simm.s32 $0x12C00  }
0x284: {  	[hbm4b:s5+s2] =	stream.indirect_vreg.scatter [tilespmem:s12], [sflag:$0x1], $0x80, v4, vm1, $0xb8;
	[tilespmem:$0x18400] =	vst v63  }
0x285: {  	s15 =	simm.s32 $0x13000  }
0x286: {  	[hbm4b:s4+s2] =	stream.indirect_vreg.scatter [tilespmem:s15], [sflag:$0x1], $0x80, v3, vm0, $0xb8;
	[tilespmem:$0x18400] =	vst v63  }
0x287: {  	s17 =	simm.s32 $0x13800  }
0x288: {  	[hbm4b:s5+s2] =	stream.indirect_vreg.scatter [tilespmem:s17], [sflag:$0x1], $0x80, v3, vm1, $0xb8;
	[tilespmem:$0x18400] =	vst v63  }
0x289: {  	v3 =	vld [tilespmem:$0x250];
	_ =	sdelay $0x4  }
0x28a: {  	v37 =	vshrl.u32 v3, $0x3  }
0x28b: {  	v4 =	vmul.u32 $0x18, v37  }
0x28c: {  	v3 =	vand.u32 $0x7, v3  }
0x28d: {  	v3 =	vor.u32 v3, v4  }
0x28e: {  	v4 =	vperm.xlane v3, v0;
	_ =	sdelay $0x1  }
0x28f: {  	v4 =	vadd.s32 v1, v4;
	_ =	sdelay $0x1  }
0x290: {  	v3 =	vperm.xlane v3, v2;
	_ =	sdelay $0x1  }
0x291: {  	s19 =	simm.s32 $0x13C00;
	v3 =	vadd.s32 v1, v3  }
0x292: {  	[hbm4b:s4+s2] =	stream.indirect_vreg.scatter [tilespmem:s19], [sflag:$0x1], $0x80, v4, vm0, $0xb8;
	[tilespmem:$0x18400] =	vst v63  }
0x293: {  	s21 =	simm.s32 $0x14400  }
0x294: {  	[hbm4b:s5+s2] =	stream.indirect_vreg.scatter [tilespmem:s21], [sflag:$0x1], $0x80, v4, vm1, $0xb8;
	[tilespmem:$0x18400] =	vst v63  }
0x295: {  	s22 =	simm.s32 $0x14800  }
0x296: {  	[hbm4b:s4+s2] =	stream.indirect_vreg.scatter [tilespmem:s22], [sflag:$0x1], $0x80, v3, vm0, $0xb8;
	[tilespmem:$0x18400] =	vst v63  }
0x297: {  	s23 =	simm.s32 $0x15000  }
0x298: {  	[hbm4b:s5+s2] =	stream.indirect_vreg.scatter [tilespmem:s23], [sflag:$0x1], $0x80, v3, vm1, $0xb8;
	[tilespmem:$0x18400] =	vst v63  }
0x299: {  	v3 =	vld [tilespmem:$0x260];
	_ =	sdelay $0x4  }
0x29a: {  	v38 =	vshrl.u32 v3, $0x3  }
0x29b: {  	v4 =	vmul.u32 $0x18, v38  }
0x29c: {  	v3 =	vand.u32 $0x7, v3  }
0x29d: {  	v3 =	vor.u32 v3, v4  }
0x29e: {  	v4 =	vperm.xlane v3, v0;
	_ =	sdelay $0x1  }
0x29f: {  	v4 =	vadd.s32 v1, v4;
	_ =	sdelay $0x1  }
0x2a0: {  	v3 =	vperm.xlane v3, v2;
	_ =	sdelay $0x1  }
0x2a1: {  	s25 =	simm.s32 $0x15400;
	v3 =	vadd.s32 v1, v3  }
0x2a2: {  	[hbm4b:s4+s2] =	stream.indirect_vreg.scatter [tilespmem:s25], [sflag:$0x1], $0x80, v4, vm0, $0xb8;
	[tilespmem:$0x18400] =	vst v63  }
0x2a3: {  	s26 =	simm.s32 $0x15C00  }
0x2a4: {  	[hbm4b:s5+s2] =	stream.indirect_vreg.scatter [tilespmem:s26], [sflag:$0x1], $0x80, v4, vm1, $0xb8;
	[tilespmem:$0x18400] =	vst v63  }
0x2a5: {  	s28 =	simm.s32 $0x16000  }
0x2a6: {  	[hbm4b:s4+s2] =	stream.indirect_vreg.scatter [tilespmem:s28], [sflag:$0x1], $0x80, v3, vm0, $0xb8;
	[tilespmem:$0x18400] =	vst v63  }
0x2a7: {  	s29 =	simm.s32 $0x16800  }
0x2a8: {  	[hbm4b:s5+s2] =	stream.indirect_vreg.scatter [tilespmem:s29], [sflag:$0x1], $0x80, v3, vm1, $0xb8;
	[tilespmem:$0x18400] =	vst v63  }
0x2a9: {  	v3 =	vld [tilespmem:$0x270];
	_ =	sdelay $0x4  }
0x2aa: {  	v39 =	vshrl.u32 v3, $0x3  }
0x2ab: {  	v4 =	vmul.u32 $0x18, v39  }
0x2ac: {  	v3 =	vand.u32 $0x7, v3  }
0x2ad: {  	v3 =	vor.u32 v3, v4  }
0x2ae: {  	v4 =	vperm.xlane v3, v0;
	_ =	sdelay $0x1  }
0x2af: {  	v4 =	vadd.s32 v1, v4;
	_ =	sdelay $0x1  }
0x2b0: {  	v3 =	vperm.xlane v3, v2;
	_ =	sdelay $0x1  }
0x2b1: {  	s31 =	simm.s32 $0x16C00;
	v3 =	vadd.s32 v1, v3  }
0x2b2: {  	[hbm4b:s4+s2] =	stream.indirect_vreg.scatter [tilespmem:s31], [sflag:$0x1], $0x80, v4, vm0, $0xb8;
	[tilespmem:$0x18400] =	vst v63  }
0x2b3: {  	s12 =	simm.s32 $0x17400  }
0x2b4: {  	[hbm4b:s5+s2] =	stream.indirect_vreg.scatter [tilespmem:s12], [sflag:$0x1], $0x80, v4, vm1, $0xb8;
	[tilespmem:$0x18400] =	vst v63  }
0x2b5: {  	s15 =	simm.s32 $0x17800  }
0x2b6: {  	[hbm4b:s4+s2] =	stream.indirect_vreg.scatter [tilespmem:s15], [sflag:$0x1], $0x80, v3, vm0, $0xb8;
	[tilespmem:$0x18400] =	vst v63  }
0x2b7: {  	s17 =	rddreg [dreg:$0x8];
	s23 =	simm.s32 $0x18000  }
0x2b8: {  	[hbm4b:s5+s2] =	stream.indirect_vreg.scatter [tilespmem:s23], [sflag:$0x1], $0x80, v3, vm1, $0xb8;
	[tilespmem:$0x18400] =	vst v63  }
0x2b9: {  	s22 =	rddreg [dreg:$0xf]  }
0x2ba: {  	[tilespmem:s22], [sflag:$0x2] =	stream.linear.gather [hbm4b:s17+s2], $0x80, $0x38;
	[tilespmem:$0x18400] =	vst v63  }
0x2bb: {  	_ =	swait.ge [sflag:s8], $0x80  }
0x2bc: {  	[sflag:s8] =	ssyncset.done $0x0  }
0x2bd: {  	[sflag:s8] =	ssyncadd.s32 $0xFFFFFF80  }
0x2be: {  	v3 =	vld [tilespmem:$0x280];
	_ =	sdelay $0x4  }
0x2bf: {  	v40 =	vshrl.u32 v3, $0x3  }
0x2c0: {  	v4 =	vmul.u32 $0x18, v40  }
0x2c1: {  	v3 =	vand.u32 $0x7, v3  }
0x2c2: {  	v3 =	vor.u32 v3, v4  }
0x2c3: {  	v4 =	vperm.xlane v3, v0;
	_ =	sdelay $0x1  }
0x2c4: {  	v4 =	vadd.s32 v1, v4;
	_ =	sdelay $0x1  }
0x2c5: {  	v3 =	vperm.xlane v3, v2;
	_ =	sdelay $0x1  }
0x2c6: {  	v3 =	vadd.s32 v1, v3  }
0x2c7: {  	[hbm4b:s4+s2] =	stream.indirect_vreg.scatter [tilespmem:s0], [sflag:$0x1], $0x80, v4, vm0, $0xb8;
	[tilespmem:$0x18400] =	vst v63  }
0x2c8: {  	s0 =	simm.s32 $0xCC00  }
0x2c9: {  	[hbm4b:s5+s2] =	stream.indirect_vreg.scatter [tilespmem:s0], [sflag:$0x1], $0x80, v4, vm1, $0xb8;
	[tilespmem:$0x18400] =	vst v63  }
0x2ca: {  	s12 =	simm.s32 $0xD000  }
0x2cb: {  	[hbm4b:s4+s2] =	stream.indirect_vreg.scatter [tilespmem:s12], [sflag:$0x1], $0x80, v3, vm0, $0xb8;
	[tilespmem:$0x18400] =	vst v63  }
0x2cc: {  	s13 =	simm.s32 $0xD800  }
0x2cd: {  	[hbm4b:s5+s2] =	stream.indirect_vreg.scatter [tilespmem:s13], [sflag:$0x1], $0x80, v3, vm1, $0xb8;
	[tilespmem:$0x18400] =	vst v63  }
0x2ce: {  	v3 =	vld [tilespmem:$0x290];
	_ =	sdelay $0x4  }
0x2cf: {  	v41 =	vshrl.u32 v3, $0x3  }
0x2d0: {  	v4 =	vmul.u32 $0x18, v41  }
0x2d1: {  	v3 =	vand.u32 $0x7, v3  }
0x2d2: {  	v3 =	vor.u32 v3, v4  }
0x2d3: {  	v4 =	vperm.xlane v3, v0;
	_ =	sdelay $0x1  }
0x2d4: {  	v4 =	vadd.s32 v1, v4;
	_ =	sdelay $0x1  }
0x2d5: {  	v3 =	vperm.xlane v3, v2;
	_ =	sdelay $0x1  }
0x2d6: {  	s6 =	simm.s32 $0xDC00;
	v3 =	vadd.s32 v1, v3  }
0x2d7: {  	[hbm4b:s4+s2] =	stream.indirect_vreg.scatter [tilespmem:s6], [sflag:$0x1], $0x80, v4, vm0, $0xb8;
	[tilespmem:$0x18400] =	vst v63  }
0x2d8: {  	s7 =	simm.s32 $0xE400  }
0x2d9: {  	[hbm4b:s5+s2] =	stream.indirect_vreg.scatter [tilespmem:s7], [sflag:$0x1], $0x80, v4, vm1, $0xb8;
	[tilespmem:$0x18400] =	vst v63  }
0x2da: {  	s9 =	simm.s32 $0xE800  }
0x2db: {  	[hbm4b:s4+s2] =	stream.indirect_vreg.scatter [tilespmem:s9], [sflag:$0x1], $0x80, v3, vm0, $0xb8;
	[tilespmem:$0x18400] =	vst v63  }
0x2dc: {  	s6 =	simm.s32 $0xF000  }
0x2dd: {  	[hbm4b:s5+s2] =	stream.indirect_vreg.scatter [tilespmem:s6], [sflag:$0x1], $0x80, v3, vm1, $0xb8;
	[tilespmem:$0x18400] =	vst v63  }
0x2de: {  	v3 =	vld [tilespmem:$0x2A0];
	_ =	sdelay $0x4  }
0x2df: {  	v42 =	vshrl.u32 v3, $0x3  }
0x2e0: {  	v4 =	vmul.u32 $0x18, v42  }
0x2e1: {  	v3 =	vand.u32 $0x7, v3  }
0x2e2: {  	v3 =	vor.u32 v3, v4  }
0x2e3: {  	v4 =	vperm.xlane v3, v0;
	_ =	sdelay $0x1  }
0x2e4: {  	v4 =	vadd.s32 v1, v4;
	_ =	sdelay $0x1  }
0x2e5: {  	v3 =	vperm.xlane v3, v2;
	_ =	sdelay $0x1  }
0x2e6: {  	s10 =	simm.s32 $0xF400;
	v3 =	vadd.s32 v1, v3  }
0x2e7: {  	[hbm4b:s4+s2] =	stream.indirect_vreg.scatter [tilespmem:s10], [sflag:$0x1], $0x80, v4, vm0, $0xb8;
	[tilespmem:$0x18400] =	vst v63  }
0x2e8: {  	s3 =	simm.s32 $0xFC00  }
0x2e9: {  	[hbm4b:s5+s2] =	stream.indirect_vreg.scatter [tilespmem:s3], [sflag:$0x1], $0x80, v4, vm1, $0xb8;
	[tilespmem:$0x18400] =	vst v63  }
0x2ea: {  	s13 =	simm.s32 $0x10000  }
0x2eb: {  	[hbm4b:s4+s2] =	stream.indirect_vreg.scatter [tilespmem:s13], [sflag:$0x1], $0x80, v3, vm0, $0xb8;
	[tilespmem:$0x18400] =	vst v63  }
0x2ec: {  	s15 =	simm.s32 $0x10800  }
0x2ed: {  	[hbm4b:s5+s2] =	stream.indirect_vreg.scatter [tilespmem:s15], [sflag:$0x1], $0x80, v3, vm1, $0xb8;
	[tilespmem:$0x18400] =	vst v63  }
0x2ee: {  	v3 =	vld [tilespmem:$0x2B0];
	_ =	sdelay $0x4  }
0x2ef: {  	v43 =	vshrl.u32 v3, $0x3  }
0x2f0: {  	v4 =	vmul.u32 $0x18, v43  }
0x2f1: {  	v3 =	vand.u32 $0x7, v3  }
0x2f2: {  	v3 =	vor.u32 v3, v4  }
0x2f3: {  	v4 =	vperm.xlane v3, v0;
	_ =	sdelay $0x1  }
0x2f4: {  	v4 =	vadd.s32 v1, v4;
	_ =	sdelay $0x1  }
0x2f5: {  	v3 =	vperm.xlane v3, v2;
	_ =	sdelay $0x1  }
0x2f6: {  	s14 =	simm.s32 $0x10C00;
	v3 =	vadd.s32 v1, v3  }
0x2f7: {  	[hbm4b:s4+s2] =	stream.indirect_vreg.scatter [tilespmem:s14], [sflag:$0x1], $0x80, v4, vm0, $0xb8;
	[tilespmem:$0x18400] =	vst v63  }
0x2f8: {  	s7 =	simm.s32 $0x11400  }
0x2f9: {  	[hbm4b:s5+s2] =	stream.indirect_vreg.scatter [tilespmem:s7], [sflag:$0x1], $0x80, v4, vm1, $0xb8;
	[tilespmem:$0x18400] =	vst v63  }
0x2fa: {  	s16 =	simm.s32 $0x11800  }
0x2fb: {  	[hbm4b:s4+s2] =	stream.indirect_vreg.scatter [tilespmem:s16], [sflag:$0x1], $0x80, v3, vm0, $0xb8;
	[tilespmem:$0x18400] =	vst v63  }
0x2fc: {  	s18 =	simm.s32 $0x12000  }
0x2fd: {  	[hbm4b:s5+s2] =	stream.indirect_vreg.scatter [tilespmem:s18], [sflag:$0x1], $0x80, v3, vm1, $0xb8;
	[tilespmem:$0x18400] =	vst v63  }
0x2fe: {  	v3 =	vld [tilespmem:$0x2C0];
	_ =	sdelay $0x4  }
0x2ff: {  	v44 =	vshrl.u32 v3, $0x3  }
0x300: {  	v4 =	vmul.u32 $0x18, v44  }
0x301: {  	v3 =	vand.u32 $0x7, v3  }
0x302: {  	v3 =	vor.u32 v3, v4  }
0x303: {  	v4 =	vperm.xlane v3, v0;
	_ =	sdelay $0x1  }
0x304: {  	v4 =	vadd.s32 v1, v4;
	_ =	sdelay $0x1  }
0x305: {  	v3 =	vperm.xlane v3, v2;
	_ =	sdelay $0x1  }
0x306: {  	s17 =	simm.s32 $0x12400;
	v3 =	vadd.s32 v1, v3  }
0x307: {  	[hbm4b:s4+s2] =	stream.indirect_vreg.scatter [tilespmem:s17], [sflag:$0x1], $0x80, v4, vm0, $0xb8;
	[tilespmem:$0x18400] =	vst v63  }
0x308: {  	s18 =	simm.s32 $0x12C00  }
0x309: {  	[hbm4b:s5+s2] =	stream.indirect_vreg.scatter [tilespmem:s18], [sflag:$0x1], $0x80, v4, vm1, $0xb8;
	[tilespmem:$0x18400] =	vst v63  }
0x30a: {  	s20 =	simm.s32 $0x13000  }
0x30b: {  	[hbm4b:s4+s2] =	stream.indirect_vreg.scatter [tilespmem:s20], [sflag:$0x1], $0x80, v3, vm0, $0xb8;
	[tilespmem:$0x18400] =	vst v63  }
0x30c: {  	s9 =	simm.s32 $0x13800  }
0x30d: {  	[hbm4b:s5+s2] =	stream.indirect_vreg.scatter [tilespmem:s9], [sflag:$0x1], $0x80, v3, vm1, $0xb8;
	[tilespmem:$0x18400] =	vst v63  }
0x30e: {  	v3 =	vld [tilespmem:$0x2D0];
	_ =	sdelay $0x4  }
0x30f: {  	v45 =	vshrl.u32 v3, $0x3  }
0x310: {  	v4 =	vmul.u32 $0x18, v45  }
0x311: {  	v3 =	vand.u32 $0x7, v3  }
0x312: {  	v3 =	vor.u32 v3, v4  }
0x313: {  	v4 =	vperm.xlane v3, v0;
	_ =	sdelay $0x1  }
0x314: {  	v4 =	vadd.s32 v1, v4;
	_ =	sdelay $0x1  }
0x315: {  	v3 =	vperm.xlane v3, v2;
	_ =	sdelay $0x1  }
0x316: {  	s19 =	simm.s32 $0x13C00;
	v3 =	vadd.s32 v1, v3  }
0x317: {  	[hbm4b:s4+s2] =	stream.indirect_vreg.scatter [tilespmem:s19], [sflag:$0x1], $0x80, v4, vm0, $0xb8;
	[tilespmem:$0x18400] =	vst v63  }
0x318: {  	s25 =	simm.s32 $0x14400  }
0x319: {  	[hbm4b:s5+s2] =	stream.indirect_vreg.scatter [tilespmem:s25], [sflag:$0x1], $0x80, v4, vm1, $0xb8;
	[tilespmem:$0x18400] =	vst v63  }
0x31a: {  	s10 =	simm.s32 $0x14800  }
0x31b: {  	[hbm4b:s4+s2] =	stream.indirect_vreg.scatter [tilespmem:s10], [sflag:$0x1], $0x80, v3, vm0, $0xb8;
	[tilespmem:$0x18400] =	vst v63  }
0x31c: {  	s30 =	simm.s32 $0x15000  }
0x31d: {  	[hbm4b:s5+s2] =	stream.indirect_vreg.scatter [tilespmem:s30], [sflag:$0x1], $0x80, v3, vm1, $0xb8;
	[tilespmem:$0x18400] =	vst v63  }
0x31e: {  	v3 =	vld [tilespmem:$0x2E0];
	_ =	sdelay $0x4  }
0x31f: {  	v46 =	vshrl.u32 v3, $0x3  }
0x320: {  	v4 =	vmul.u32 $0x18, v46  }
0x321: {  	v3 =	vand.u32 $0x7, v3  }
0x322: {  	v3 =	vor.u32 v3, v4  }
0x323: {  	v4 =	vperm.xlane v3, v0;
	_ =	sdelay $0x1  }
0x324: {  	v4 =	vadd.s32 v1, v4;
	_ =	sdelay $0x1  }
0x325: {  	v3 =	vperm.xlane v3, v2;
	_ =	sdelay $0x1  }
0x326: {  	s14 =	simm.s32 $0x15400;
	v3 =	vadd.s32 v1, v3  }
0x327: {  	[hbm4b:s4+s2] =	stream.indirect_vreg.scatter [tilespmem:s14], [sflag:$0x1], $0x80, v4, vm0, $0xb8;
	[tilespmem:$0x18400] =	vst v63  }
0x328: {  	s16 =	simm.s32 $0x15C00  }
0x329: {  	[hbm4b:s5+s2] =	stream.indirect_vreg.scatter [tilespmem:s16], [sflag:$0x1], $0x80, v4, vm1, $0xb8;
	[tilespmem:$0x18400] =	vst v63  }
0x32a: {  	s19 =	simm.s32 $0x16000  }
0x32b: {  	[hbm4b:s4+s2] =	stream.indirect_vreg.scatter [tilespmem:s19], [sflag:$0x1], $0x80, v3, vm0, $0xb8;
	[tilespmem:$0x18400] =	vst v63  }
0x32c: {  	s11 =	simm.s32 $0x16800  }
0x32d: {  	[hbm4b:s5+s2] =	stream.indirect_vreg.scatter [tilespmem:s11], [sflag:$0x1], $0x80, v3, vm1, $0xb8;
	[tilespmem:$0x18400] =	vst v63  }
0x32e: {  	v3 =	vld [tilespmem:$0x2F0];
	_ =	sdelay $0x4  }
0x32f: {  	v47 =	vshrl.u32 v3, $0x3  }
0x330: {  	v4 =	vmul.u32 $0x18, v47  }
0x331: {  	v3 =	vand.u32 $0x7, v3  }
0x332: {  	v3 =	vor.u32 v3, v4  }
0x333: {  	v4 =	vperm.xlane v3, v0;
	_ =	sdelay $0x1  }
0x334: {  	v4 =	vadd.s32 v1, v4;
	_ =	sdelay $0x1  }
0x335: {  	v3 =	vperm.xlane v3, v2;
	_ =	sdelay $0x1  }
0x336: {  	s20 =	simm.s32 $0x16C00;
	v3 =	vadd.s32 v1, v3  }
0x337: {  	[hbm4b:s4+s2] =	stream.indirect_vreg.scatter [tilespmem:s20], [sflag:$0x1], $0x80, v4, vm0, $0xb8;
	[tilespmem:$0x18400] =	vst v63  }
0x338: {  	s11 =	simm.s32 $0x17400  }
0x339: {  	[hbm4b:s5+s2] =	stream.indirect_vreg.scatter [tilespmem:s11], [sflag:$0x1], $0x80, v4, vm1, $0xb8;
	[tilespmem:$0x18400] =	vst v63  }
0x33a: {  	s21 =	simm.s32 $0x17800  }
0x33b: {  	[hbm4b:s4+s2] =	stream.indirect_vreg.scatter [tilespmem:s21], [sflag:$0x1], $0x80, v3, vm0, $0xb8;
	[tilespmem:$0x18400] =	vst v63  }
0x33c: {  	s31 =	simm.s32 $0x18000;
	s26 =	rddreg [dreg:$0x9]  }
0x33d: {  	[hbm4b:s5+s2] =	stream.indirect_vreg.scatter [tilespmem:s31], [sflag:$0x1], $0x80, v3, vm1, $0xb8;
	[tilespmem:$0x18400] =	vst v63  }
0x33e: {  	s30 =	rddreg [dreg:$0x10]  }
0x33f: {  	[tilespmem:s30], [sflag:$0x2] =	stream.linear.gather [hbm4b:s26+s2], $0x80, $0x38;
	[tilespmem:$0x18400] =	vst v63  }
0x340: {  	_ =	swait.ge [sflag:s8], $0x80  }
0x341: {  	[sflag:s8] =	ssyncset.done $0x0  }
0x342: {  	[sflag:s8] =	ssyncadd.s32 $0xFFFFFF80  }
0x343: {  	v3 =	vld [tilespmem:$0x300];
	_ =	sdelay $0x4  }
0x344: {  	v48 =	vshrl.u32 v3, $0x3  }
0x345: {  	v4 =	vmul.u32 $0x18, v48  }
0x346: {  	v3 =	vand.u32 $0x7, v3  }
0x347: {  	v3 =	vor.u32 v3, v4  }
0x348: {  	v4 =	vperm.xlane v3, v0;
	_ =	sdelay $0x1  }
0x349: {  	v4 =	vadd.s32 v1, v4;
	_ =	sdelay $0x1  }
0x34a: {  	v3 =	vperm.xlane v3, v2;
	_ =	sdelay $0x1  }
0x34b: {  	s23 =	simm.s32 $0xC400;
	v3 =	vadd.s32 v1, v3  }
0x34c: {  	[hbm4b:s4+s2] =	stream.indirect_vreg.scatter [tilespmem:s23], [sflag:$0x1], $0x80, v4, vm0, $0xb8;
	[tilespmem:$0x18400] =	vst v63  }
0x34d: {  	_ = 	snop  }
0x34e: {  	[hbm4b:s5+s2] =	stream.indirect_vreg.scatter [tilespmem:s0], [sflag:$0x1], $0x80, v4, vm1, $0xb8;
	[tilespmem:$0x18400] =	vst v63  }
0x34f: {  	_ = 	snop  }
0x350: {  	[hbm4b:s4+s2] =	stream.indirect_vreg.scatter [tilespmem:s12], [sflag:$0x1], $0x80, v3, vm0, $0xb8;
	[tilespmem:$0x18400] =	vst v63  }
0x351: {  	s31 =	simm.s32 $0xD800  }
0x352: {  	[hbm4b:s5+s2] =	stream.indirect_vreg.scatter [tilespmem:s31], [sflag:$0x1], $0x80, v3, vm1, $0xb8;
	[tilespmem:$0x18400] =	vst v63  }
0x353: {  	v3 =	vld [tilespmem:$0x310];
	_ =	sdelay $0x4  }
0x354: {  	v49 =	vshrl.u32 v3, $0x3  }
0x355: {  	v4 =	vmul.u32 $0x18, v49  }
0x356: {  	v3 =	vand.u32 $0x7, v3  }
0x357: {  	v3 =	vor.u32 v3, v4  }
0x358: {  	v4 =	vperm.xlane v3, v0;
	_ =	sdelay $0x1  }
0x359: {  	v4 =	vadd.s32 v1, v4;
	_ =	sdelay $0x1  }
0x35a: {  	v3 =	vperm.xlane v3, v2;
	_ =	sdelay $0x1  }
0x35b: {  	s22 =	simm.s32 $0xDC00;
	v3 =	vadd.s32 v1, v3  }
0x35c: {  	[hbm4b:s4+s2] =	stream.indirect_vreg.scatter [tilespmem:s22], [sflag:$0x1], $0x80, v4, vm0, $0xb8;
	[tilespmem:$0x18400] =	vst v63  }
0x35d: {  	s29 =	simm.s32 $0xE400  }
0x35e: {  	[hbm4b:s5+s2] =	stream.indirect_vreg.scatter [tilespmem:s29], [sflag:$0x1], $0x80, v4, vm1, $0xb8;
	[tilespmem:$0x18400] =	vst v63  }
0x35f: {  	s28 =	simm.s32 $0xE800  }
0x360: {  	[hbm4b:s4+s2] =	stream.indirect_vreg.scatter [tilespmem:s28], [sflag:$0x1], $0x80, v3, vm0, $0xb8;
	[tilespmem:$0x18400] =	vst v63  }
0x361: {  	_ = 	snop  }
0x362: {  	[hbm4b:s5+s2] =	stream.indirect_vreg.scatter [tilespmem:s6], [sflag:$0x1], $0x80, v3, vm1, $0xb8;
	[tilespmem:$0x18400] =	vst v63  }
0x363: {  	v3 =	vld [tilespmem:$0x320];
	_ =	sdelay $0x4  }
0x364: {  	v50 =	vshrl.u32 v3, $0x3  }
0x365: {  	v4 =	vmul.u32 $0x18, v50  }
0x366: {  	v3 =	vand.u32 $0x7, v3  }
0x367: {  	v3 =	vor.u32 v3, v4  }
0x368: {  	v4 =	vperm.xlane v3, v0;
	_ =	sdelay $0x1  }
0x369: {  	v4 =	vadd.s32 v1, v4;
	_ =	sdelay $0x1  }
0x36a: {  	v3 =	vperm.xlane v3, v2;
	_ =	sdelay $0x1  }
0x36b: {  	s21 =	simm.s32 $0xF400;
	v3 =	vadd.s32 v1, v3  }
0x36c: {  	[hbm4b:s4+s2] =	stream.indirect_vreg.scatter [tilespmem:s21], [sflag:$0x1], $0x80, v4, vm0, $0xb8;
	[tilespmem:$0x18400] =	vst v63  }
0x36d: {  	_ = 	snop  }
0x36e: {  	[hbm4b:s5+s2] =	stream.indirect_vreg.scatter [tilespmem:s3], [sflag:$0x1], $0x80, v4, vm1, $0xb8;
	[tilespmem:$0x18400] =	vst v63  }
0x36f: {  	_ = 	snop  }
0x370: {  	[hbm4b:s4+s2] =	stream.indirect_vreg.scatter [tilespmem:s13], [sflag:$0x1], $0x80, v3, vm0, $0xb8;
	[tilespmem:$0x18400] =	vst v63  }
0x371: {  	_ = 	snop  }
0x372: {  	[hbm4b:s5+s2] =	stream.indirect_vreg.scatter [tilespmem:s15], [sflag:$0x1], $0x80, v3, vm1, $0xb8;
	[tilespmem:$0x18400] =	vst v63  }
0x373: {  	v3 =	vld [tilespmem:$0x330];
	_ =	sdelay $0x4  }
0x374: {  	v51 =	vshrl.u32 v3, $0x3  }
0x375: {  	v4 =	vmul.u32 $0x18, v51  }
0x376: {  	v3 =	vand.u32 $0x7, v3  }
0x377: {  	v3 =	vor.u32 v3, v4  }
0x378: {  	v4 =	vperm.xlane v3, v0;
	_ =	sdelay $0x1  }
0x379: {  	v4 =	vadd.s32 v1, v4;
	_ =	sdelay $0x1  }
0x37a: {  	v3 =	vperm.xlane v3, v2;
	_ =	sdelay $0x1  }
0x37b: {  	s25 =	simm.s32 $0x10C00;
	v3 =	vadd.s32 v1, v3  }
0x37c: {  	[hbm4b:s4+s2] =	stream.indirect_vreg.scatter [tilespmem:s25], [sflag:$0x1], $0x80, v4, vm0, $0xb8;
	[tilespmem:$0x18400] =	vst v63  }
0x37d: {  	_ = 	snop  }
0x37e: {  	[hbm4b:s5+s2] =	stream.indirect_vreg.scatter [tilespmem:s7], [sflag:$0x1], $0x80, v4, vm1, $0xb8;
	[tilespmem:$0x18400] =	vst v63  }
0x37f: {  	s26 =	simm.s32 $0x11800  }
0x380: {  	[hbm4b:s4+s2] =	stream.indirect_vreg.scatter [tilespmem:s26], [sflag:$0x1], $0x80, v3, vm0, $0xb8;
	[tilespmem:$0x18400] =	vst v63  }
0x381: {  	s28 =	simm.s32 $0x12000  }
0x382: {  	[hbm4b:s5+s2] =	stream.indirect_vreg.scatter [tilespmem:s28], [sflag:$0x1], $0x80, v3, vm1, $0xb8;
	[tilespmem:$0x18400] =	vst v63  }
0x383: {  	v3 =	vld [tilespmem:$0x340];
	_ =	sdelay $0x4  }
0x384: {  	v52 =	vshrl.u32 v3, $0x3  }
0x385: {  	v4 =	vmul.u32 $0x18, v52  }
0x386: {  	v3 =	vand.u32 $0x7, v3  }
0x387: {  	v3 =	vor.u32 v3, v4  }
0x388: {  	v4 =	vperm.xlane v3, v0;
	_ =	sdelay $0x1  }
0x389: {  	v4 =	vadd.s32 v1, v4;
	_ =	sdelay $0x1  }
0x38a: {  	v3 =	vperm.xlane v3, v2;
	_ =	sdelay $0x1  }
0x38b: {  	v3 =	vadd.s32 v1, v3  }
0x38c: {  	[hbm4b:s4+s2] =	stream.indirect_vreg.scatter [tilespmem:s17], [sflag:$0x1], $0x80, v4, vm0, $0xb8;
	[tilespmem:$0x18400] =	vst v63  }
0x38d: {  	_ = 	snop  }
0x38e: {  	[hbm4b:s5+s2] =	stream.indirect_vreg.scatter [tilespmem:s18], [sflag:$0x1], $0x80, v4, vm1, $0xb8;
	[tilespmem:$0x18400] =	vst v63  }
0x38f: {  	s31 =	simm.s32 $0x13000  }
0x390: {  	[hbm4b:s4+s2] =	stream.indirect_vreg.scatter [tilespmem:s31], [sflag:$0x1], $0x80, v3, vm0, $0xb8;
	[tilespmem:$0x18400] =	vst v63  }
0x391: {  	_ = 	snop  }
0x392: {  	[hbm4b:s5+s2] =	stream.indirect_vreg.scatter [tilespmem:s9], [sflag:$0x1], $0x80, v3, vm1, $0xb8;
	[tilespmem:$0x18400] =	vst v63  }
0x393: {  	v3 =	vld [tilespmem:$0x350];
	_ =	sdelay $0x4  }
0x394: {  	v53 =	vshrl.u32 v3, $0x3  }
0x395: {  	v4 =	vmul.u32 $0x18, v53  }
0x396: {  	v3 =	vand.u32 $0x7, v3  }
0x397: {  	v3 =	vor.u32 v3, v4  }
0x398: {  	v4 =	vperm.xlane v3, v0;
	_ =	sdelay $0x1  }
0x399: {  	v4 =	vadd.s32 v1, v4;
	_ =	sdelay $0x1  }
0x39a: {  	v3 =	vperm.xlane v3, v2;
	_ =	sdelay $0x1  }
0x39b: {  	s7 =	simm.s32 $0x13C00;
	v3 =	vadd.s32 v1, v3  }
0x39c: {  	[hbm4b:s4+s2] =	stream.indirect_vreg.scatter [tilespmem:s7], [sflag:$0x1], $0x80, v4, vm0, $0xb8;
	[tilespmem:$0x18400] =	vst v63  }
0x39d: {  	s9 =	simm.s32 $0x14400  }
0x39e: {  	[hbm4b:s5+s2] =	stream.indirect_vreg.scatter [tilespmem:s9], [sflag:$0x1], $0x80, v4, vm1, $0xb8;
	[tilespmem:$0x18400] =	vst v63  }
0x39f: {  	_ = 	snop  }
0x3a0: {  	[hbm4b:s4+s2] =	stream.indirect_vreg.scatter [tilespmem:s10], [sflag:$0x1], $0x80, v3, vm0, $0xb8;
	[tilespmem:$0x18400] =	vst v63  }
0x3a1: {  	s10 =	simm.s32 $0x15000  }
0x3a2: {  	[hbm4b:s5+s2] =	stream.indirect_vreg.scatter [tilespmem:s10], [sflag:$0x1], $0x80, v3, vm1, $0xb8;
	[tilespmem:$0x18400] =	vst v63  }
0x3a3: {  	v3 =	vld [tilespmem:$0x360];
	_ =	sdelay $0x4  }
0x3a4: {  	v54 =	vshrl.u32 v3, $0x3  }
0x3a5: {  	v4 =	vmul.u32 $0x18, v54  }
0x3a6: {  	v3 =	vand.u32 $0x7, v3  }
0x3a7: {  	v3 =	vor.u32 v3, v4  }
0x3a8: {  	v4 =	vperm.xlane v3, v0;
	_ =	sdelay $0x1  }
0x3a9: {  	v4 =	vadd.s32 v1, v4;
	_ =	sdelay $0x1  }
0x3aa: {  	v3 =	vperm.xlane v3, v2;
	_ =	sdelay $0x1  }
0x3ab: {  	v3 =	vadd.s32 v1, v3  }
0x3ac: {  	[hbm4b:s4+s2] =	stream.indirect_vreg.scatter [tilespmem:s14], [sflag:$0x1], $0x80, v4, vm0, $0xb8;
	[tilespmem:$0x18400] =	vst v63  }
0x3ad: {  	_ = 	snop  }
0x3ae: {  	[hbm4b:s5+s2] =	stream.indirect_vreg.scatter [tilespmem:s16], [sflag:$0x1], $0x80, v4, vm1, $0xb8;
	[tilespmem:$0x18400] =	vst v63  }
0x3af: {  	_ = 	snop  }
0x3b0: {  	[hbm4b:s4+s2] =	stream.indirect_vreg.scatter [tilespmem:s19], [sflag:$0x1], $0x80, v3, vm0, $0xb8;
	[tilespmem:$0x18400] =	vst v63  }
0x3b1: {  	s16 =	simm.s32 $0x16800  }
0x3b2: {  	[hbm4b:s5+s2] =	stream.indirect_vreg.scatter [tilespmem:s16], [sflag:$0x1], $0x80, v3, vm1, $0xb8;
	[tilespmem:$0x18400] =	vst v63  }
0x3b3: {  	v3 =	vld [tilespmem:$0x370];
	_ =	sdelay $0x4  }
0x3b4: {  	v55 =	vshrl.u32 v3, $0x3  }
0x3b5: {  	v4 =	vmul.u32 $0x18, v55  }
0x3b6: {  	v3 =	vand.u32 $0x7, v3  }
0x3b7: {  	v3 =	vor.u32 v3, v4  }
0x3b8: {  	v4 =	vperm.xlane v3, v0;
	_ =	sdelay $0x1  }
0x3b9: {  	v4 =	vadd.s32 v1, v4;
	_ =	sdelay $0x1  }
0x3ba: {  	v3 =	vperm.xlane v3, v2;
	_ =	sdelay $0x1  }
0x3bb: {  	v3 =	vadd.s32 v1, v3  }
0x3bc: {  	[hbm4b:s4+s2] =	stream.indirect_vreg.scatter [tilespmem:s20], [sflag:$0x1], $0x80, v4, vm0, $0xb8;
	[tilespmem:$0x18400] =	vst v63  }
0x3bd: {  	_ = 	snop  }
0x3be: {  	[hbm4b:s5+s2] =	stream.indirect_vreg.scatter [tilespmem:s11], [sflag:$0x1], $0x80, v4, vm1, $0xb8;
	[tilespmem:$0x18400] =	vst v63  }
0x3bf: {  	s19 =	simm.s32 $0x17800  }
0x3c0: {  	[hbm4b:s4+s2] =	stream.indirect_vreg.scatter [tilespmem:s19], [sflag:$0x1], $0x80, v3, vm0, $0xb8;
	[tilespmem:$0x18400] =	vst v63  }
0x3c1: {  	s25 =	rddreg [dreg:$0xa];
	s20 =	simm.s32 $0x18000  }
0x3c2: {  	[hbm4b:s5+s2] =	stream.indirect_vreg.scatter [tilespmem:s20], [sflag:$0x1], $0x80, v3, vm1, $0xb8;
	[tilespmem:$0x18400] =	vst v63  }
0x3c3: {  	s26 =	rddreg [dreg:$0x11]  }
0x3c4: {  	[tilespmem:s26], [sflag:$0x2] =	stream.linear.gather [hbm4b:s25+s2], $0x80, $0x38;
	[tilespmem:$0x18400] =	vst v63  }
0x3c5: {  	_ =	swait.ge [sflag:s8], $0x80  }
0x3c6: {  	[sflag:s8] =	ssyncset.done $0x0  }
0x3c7: {  	[sflag:s8] =	ssyncadd.s32 $0xFFFFFF80  }
0x3c8: {  	v3 =	vld [tilespmem:$0x380];
	_ =	sdelay $0x4  }
0x3c9: {  	v56 =	vshrl.u32 v3, $0x3  }
0x3ca: {  	v4 =	vmul.u32 $0x18, v56  }
0x3cb: {  	v3 =	vand.u32 $0x7, v3  }
0x3cc: {  	v3 =	vor.u32 v3, v4  }
0x3cd: {  	v4 =	vperm.xlane v3, v0;
	_ =	sdelay $0x1  }
0x3ce: {  	v4 =	vadd.s32 v1, v4;
	_ =	sdelay $0x1  }
0x3cf: {  	v3 =	vperm.xlane v3, v2;
	_ =	sdelay $0x1  }
0x3d0: {  	s23 =	simm.s32 $0xC400;
	v3 =	vadd.s32 v1, v3  }
0x3d1: {  	[hbm4b:s4+s2] =	stream.indirect_vreg.scatter [tilespmem:s23], [sflag:$0x1], $0x80, v4, vm0, $0xb8;
	[tilespmem:$0x18400] =	vst v63  }
0x3d2: {  	s0 =	simm.s32 $0xCC00  }
0x3d3: {  	[hbm4b:s5+s2] =	stream.indirect_vreg.scatter [tilespmem:s0], [sflag:$0x1], $0x80, v4, vm1, $0xb8;
	[tilespmem:$0x18400] =	vst v63  }
0x3d4: {  	s12 =	simm.s32 $0xD000  }
0x3d5: {  	[hbm4b:s4+s2] =	stream.indirect_vreg.scatter [tilespmem:s12], [sflag:$0x1], $0x80, v3, vm0, $0xb8;
	[tilespmem:$0x18400] =	vst v63  }
0x3d6: {  	s26 =	simm.s32 $0xD800  }
0x3d7: {  	[hbm4b:s5+s2] =	stream.indirect_vreg.scatter [tilespmem:s26], [sflag:$0x1], $0x80, v3, vm1, $0xb8;
	[tilespmem:$0x18400] =	vst v63  }
0x3d8: {  	v3 =	vld [tilespmem:$0x390];
	_ =	sdelay $0x4  }
0x3d9: {  	v57 =	vshrl.u32 v3, $0x3  }
0x3da: {  	v4 =	vmul.u32 $0x18, v57  }
0x3db: {  	v3 =	vand.u32 $0x7, v3  }
0x3dc: {  	v3 =	vor.u32 v3, v4  }
0x3dd: {  	v4 =	vperm.xlane v3, v0;
	_ =	sdelay $0x1  }
0x3de: {  	v4 =	vadd.s32 v1, v4;
	_ =	sdelay $0x1  }
0x3df: {  	v3 =	vperm.xlane v3, v2;
	_ =	sdelay $0x1  }
0x3e0: {  	s22 =	simm.s32 $0xDC00;
	v3 =	vadd.s32 v1, v3  }
0x3e1: {  	[hbm4b:s4+s2] =	stream.indirect_vreg.scatter [tilespmem:s22], [sflag:$0x1], $0x80, v4, vm0, $0xb8;
	[tilespmem:$0x18400] =	vst v63  }
0x3e2: {  	s29 =	simm.s32 $0xE400  }
0x3e3: {  	[hbm4b:s5+s2] =	stream.indirect_vreg.scatter [tilespmem:s29], [sflag:$0x1], $0x80, v4, vm1, $0xb8;
	[tilespmem:$0x18400] =	vst v63  }
0x3e4: {  	s12 =	simm.s32 $0xE800  }
0x3e5: {  	[hbm4b:s4+s2] =	stream.indirect_vreg.scatter [tilespmem:s12], [sflag:$0x1], $0x80, v3, vm0, $0xb8;
	[tilespmem:$0x18400] =	vst v63  }
0x3e6: {  	s30 =	simm.s32 $0xF000  }
0x3e7: {  	[hbm4b:s5+s2] =	stream.indirect_vreg.scatter [tilespmem:s30], [sflag:$0x1], $0x80, v3, vm1, $0xb8;
	[tilespmem:$0x18400] =	vst v63  }
0x3e8: {  	v3 =	vld [tilespmem:$0x3A0];
	_ =	sdelay $0x4  }
0x3e9: {  	v58 =	vshrl.u32 v3, $0x3  }
0x3ea: {  	v4 =	vmul.u32 $0x18, v58  }
0x3eb: {  	v3 =	vand.u32 $0x7, v3  }
0x3ec: {  	v3 =	vor.u32 v3, v4  }
0x3ed: {  	v4 =	vperm.xlane v3, v0;
	_ =	sdelay $0x1  }
0x3ee: {  	v4 =	vadd.s32 v1, v4;
	_ =	sdelay $0x1  }
0x3ef: {  	v3 =	vperm.xlane v3, v2;
	_ =	sdelay $0x1  }
0x3f0: {  	s20 =	simm.s32 $0xF400;
	v3 =	vadd.s32 v1, v3  }
0x3f1: {  	[hbm4b:s4+s2] =	stream.indirect_vreg.scatter [tilespmem:s20], [sflag:$0x1], $0x80, v4, vm0, $0xb8;
	[tilespmem:$0x18400] =	vst v63  }
0x3f2: {  	s3 =	simm.s32 $0xFC00  }
0x3f3: {  	[hbm4b:s5+s2] =	stream.indirect_vreg.scatter [tilespmem:s3], [sflag:$0x1], $0x80, v4, vm1, $0xb8;
	[tilespmem:$0x18400] =	vst v63  }
0x3f4: {  	s13 =	simm.s32 $0x10000  }
0x3f5: {  	[hbm4b:s4+s2] =	stream.indirect_vreg.scatter [tilespmem:s13], [sflag:$0x1], $0x80, v3, vm0, $0xb8;
	[tilespmem:$0x18400] =	vst v63  }
0x3f6: {  	s15 =	simm.s32 $0x10800  }
0x3f7: {  	[hbm4b:s5+s2] =	stream.indirect_vreg.scatter [tilespmem:s15], [sflag:$0x1], $0x80, v3, vm1, $0xb8;
	[tilespmem:$0x18400] =	vst v63  }
0x3f8: {  	v3 =	vld [tilespmem:$0x3B0];
	_ =	sdelay $0x4  }
0x3f9: {  	v59 =	vshrl.u32 v3, $0x3  }
0x3fa: {  	v4 =	vmul.u32 $0x18, v59  }
0x3fb: {  	v3 =	vand.u32 $0x7, v3  }
0x3fc: {  	v3 =	vor.u32 v3, v4  }
0x3fd: {  	v4 =	vperm.xlane v3, v0;
	_ =	sdelay $0x1  }
0x3fe: {  	v4 =	vadd.s32 v1, v4;
	_ =	sdelay $0x1  }
0x3ff: {  	v3 =	vperm.xlane v3, v2;
	_ =	sdelay $0x1  }
0x400: {  	s22 =	simm.s32 $0x10C00;
	v3 =	vadd.s32 v1, v3  }
0x401: {  	[hbm4b:s4+s2] =	stream.indirect_vreg.scatter [tilespmem:s22], [sflag:$0x1], $0x80, v4, vm0, $0xb8;
	[tilespmem:$0x18400] =	vst v63  }
0x402: {  	s21 =	simm.s32 $0x11400  }
0x403: {  	[hbm4b:s5+s2] =	stream.indirect_vreg.scatter [tilespmem:s21], [sflag:$0x1], $0x80, v4, vm1, $0xb8;
	[tilespmem:$0x18400] =	vst v63  }
0x404: {  	s23 =	simm.s32 $0x11800  }
0x405: {  	[hbm4b:s4+s2] =	stream.indirect_vreg.scatter [tilespmem:s23], [sflag:$0x1], $0x80, v3, vm0, $0xb8;
	[tilespmem:$0x18400] =	vst v63  }
0x406: {  	s25 =	simm.s32 $0x12000  }
0x407: {  	[hbm4b:s5+s2] =	stream.indirect_vreg.scatter [tilespmem:s25], [sflag:$0x1], $0x80, v3, vm1, $0xb8;
	[tilespmem:$0x18400] =	vst v63  }
0x408: {  	v3 =	vld [tilespmem:$0x3C0];
	_ =	sdelay $0x4  }
0x409: {  	v60 =	vshrl.u32 v3, $0x3  }
0x40a: {  	v4 =	vmul.u32 $0x18, v60  }
0x40b: {  	v3 =	vand.u32 $0x7, v3  }
0x40c: {  	v3 =	vor.u32 v3, v4  }
0x40d: {  	v4 =	vperm.xlane v3, v0;
	_ =	sdelay $0x1  }
0x40e: {  	v4 =	vadd.s32 v1, v4;
	_ =	sdelay $0x1  }
0x40f: {  	v3 =	vperm.xlane v3, v2;
	_ =	sdelay $0x1  }
0x410: {  	s17 =	simm.s32 $0x12400;
	v3 =	vadd.s32 v1, v3  }
0x411: {  	[hbm4b:s4+s2] =	stream.indirect_vreg.scatter [tilespmem:s17], [sflag:$0x1], $0x80, v4, vm0, $0xb8;
	[tilespmem:$0x18400] =	vst v63  }
0x412: {  	s18 =	simm.s32 $0x12C00  }
0x413: {  	[hbm4b:s5+s2] =	stream.indirect_vreg.scatter [tilespmem:s18], [sflag:$0x1], $0x80, v4, vm1, $0xb8;
	[tilespmem:$0x18400] =	vst v63  }
0x414: {  	s26 =	simm.s32 $0x13000  }
0x415: {  	[hbm4b:s4+s2] =	stream.indirect_vreg.scatter [tilespmem:s26], [sflag:$0x1], $0x80, v3, vm0, $0xb8;
	[tilespmem:$0x18400] =	vst v63  }
0x416: {  	s28 =	simm.s32 $0x13800  }
0x417: {  	[hbm4b:s5+s2] =	stream.indirect_vreg.scatter [tilespmem:s28], [sflag:$0x1], $0x80, v3, vm1, $0xb8;
	[tilespmem:$0x18400] =	vst v63  }
0x418: {  	v3 =	vld [tilespmem:$0x3D0];
	_ =	sdelay $0x4  }
0x419: {  	v61 =	vshrl.u32 v3, $0x3  }
0x41a: {  	v4 =	vmul.u32 $0x18, v61  }
0x41b: {  	v3 =	vand.u32 $0x7, v3  }
0x41c: {  	v3 =	vor.u32 v3, v4  }
0x41d: {  	v4 =	vperm.xlane v3, v0;
	_ =	sdelay $0x1  }
0x41e: {  	v4 =	vadd.s32 v1, v4;
	_ =	sdelay $0x1  }
0x41f: {  	v3 =	vperm.xlane v3, v2;
	_ =	sdelay $0x1  }
0x420: {  	s29 =	simm.s32 $0x13C00;
	v3 =	vadd.s32 v1, v3  }
0x421: {  	[hbm4b:s4+s2] =	stream.indirect_vreg.scatter [tilespmem:s29], [sflag:$0x1], $0x80, v4, vm0, $0xb8;
	[tilespmem:$0x18400] =	vst v63  }
0x422: {  	s30 =	simm.s32 $0x14400  }
0x423: {  	[hbm4b:s5+s2] =	stream.indirect_vreg.scatter [tilespmem:s30], [sflag:$0x1], $0x80, v4, vm1, $0xb8;
	[tilespmem:$0x18400] =	vst v63  }
0x424: {  	s31 =	simm.s32 $0x14800  }
0x425: {  	[hbm4b:s4+s2] =	stream.indirect_vreg.scatter [tilespmem:s31], [sflag:$0x1], $0x80, v3, vm0, $0xb8;
	[tilespmem:$0x18400] =	vst v63  }
0x426: {  	s31 =	simm.s32 $0x15000  }
0x427: {  	[hbm4b:s5+s2] =	stream.indirect_vreg.scatter [tilespmem:s31], [sflag:$0x1], $0x80, v3, vm1, $0xb8;
	[tilespmem:$0x18400] =	vst v63  }
0x428: {  	v3 =	vld [tilespmem:$0x3E0];
	_ =	sdelay $0x4  }
0x429: {  	v62 =	vshrl.u32 v3, $0x3  }
0x42a: {  	v4 =	vmul.u32 $0x18, v62  }
0x42b: {  	v3 =	vand.u32 $0x7, v3  }
0x42c: {  	v3 =	vor.u32 v3, v4  }
0x42d: {  	v4 =	vperm.xlane v3, v0;
	_ =	sdelay $0x1  }
0x42e: {  	v4 =	vadd.s32 v1, v4;
	_ =	sdelay $0x1  }
0x42f: {  	v3 =	vperm.xlane v3, v2;
	_ =	sdelay $0x1  }
0x430: {  	s6 =	simm.s32 $0x15400;
	v3 =	vadd.s32 v1, v3  }
0x431: {  	[hbm4b:s4+s2] =	stream.indirect_vreg.scatter [tilespmem:s6], [sflag:$0x1], $0x80, v4, vm0, $0xb8;
	[tilespmem:$0x18400] =	vst v63  }
0x432: {  	s7 =	simm.s32 $0x15C00  }
0x433: {  	[hbm4b:s5+s2] =	stream.indirect_vreg.scatter [tilespmem:s7], [sflag:$0x1], $0x80, v4, vm1, $0xb8;
	[tilespmem:$0x18400] =	vst v63  }
0x434: {  	s9 =	simm.s32 $0x16000  }
0x435: {  	[hbm4b:s4+s2] =	stream.indirect_vreg.scatter [tilespmem:s9], [sflag:$0x1], $0x80, v3, vm0, $0xb8;
	[tilespmem:$0x18400] =	vst v63  }
0x436: {  	s14 =	simm.s32 $0x16800  }
0x437: {  	[hbm4b:s5+s2] =	stream.indirect_vreg.scatter [tilespmem:s14], [sflag:$0x1], $0x80, v3, vm1, $0xb8;
	[tilespmem:$0x18400] =	vst v63  }
0x438: {  	v3 =	vld [tilespmem:$0x3F0];
	_ =	sdelay $0x4  }
0x439: {  	v63 =	vshrl.u32 v3, $0x3  }
0x43a: {  	v4 =	vmul.u32 $0x18, v63  }
0x43b: {  	v3 =	vand.u32 $0x7, v3  }
0x43c: {  	v3 =	vor.u32 v3, v4  }
0x43d: {  	v4 =	vperm.xlane v3, v0;
	_ =	sdelay $0x1  }
0x43e: {  	v4 =	vadd.s32 v1, v4;
	_ =	sdelay $0x1  }
0x43f: {  	v3 =	vperm.xlane v3, v2;
	_ =	sdelay $0x1  }
0x440: {  	s10 =	simm.s32 $0x16C00;
	v3 =	vadd.s32 v1, v3  }
0x441: {  	[hbm4b:s4+s2] =	stream.indirect_vreg.scatter [tilespmem:s10], [sflag:$0x1], $0x80, v4, vm0, $0xb8;
	[tilespmem:$0x18400] =	vst v63  }
0x442: {  	s11 =	simm.s32 $0x17400  }
0x443: {  	[hbm4b:s5+s2] =	stream.indirect_vreg.scatter [tilespmem:s11], [sflag:$0x1], $0x80, v4, vm1, $0xb8;
	[tilespmem:$0x18400] =	vst v63  }
0x444: {  	s16 =	simm.s32 $0x17800  }
0x445: {  	[hbm4b:s4+s2] =	stream.indirect_vreg.scatter [tilespmem:s16], [sflag:$0x1], $0x80, v3, vm0, $0xb8;
	[tilespmem:$0x18400] =	vst v63  }
0x446: {  	s19 =	simm.s32 $0x18000  }
0x447: {  	[hbm4b:s5+s2] =	stream.indirect_vreg.scatter [tilespmem:s19], [sflag:$0x1], $0x80, v3, vm1, $0xb8;
	[tilespmem:$0x18400] =	vst v63  }
0x448: {  	_ =	swait.ge [sflag:s24], $0xC000  }
0x449: {  	[sflag:s24] =	ssyncset.done $0x0  }
0x44a: {  	[sflag:s24] =	ssyncadd.s32 $0xFFFF4000  }
0x44b: {  	_ =	swait.ge [sflag:s24], $0xC000  }
0x44c: {  	[sflag:s24] =	ssyncset.done $0x0  }
0x44d: {  	[sflag:s24] =	ssyncadd.s32 $0xFFFF4000  }
0x44e: {  	_ =	swait.ge [sflag:s24], $0xC000  }
0x44f: {  	[sflag:s24] =	ssyncset.done $0x0  }
0x450: {  	[sflag:s24] =	ssyncadd.s32 $0xFFFF4000  }
0x451: {  	_ =	swait.ge [sflag:s24], $0xC000  }
0x452: {  	[sflag:s24] =	ssyncset.done $0x0  }
0x453: {  	[sflag:s24] =	ssyncadd.s32 $0xFFFF4000  }
0x454: {  	_ =	swait.ge [sflag:s24], $0xC000  }
0x455: {  	[sflag:s24] =	ssyncset.done $0x0  }
0x456: {  	[sflag:s24] =	ssyncadd.s32 $0xFFFF4000  }
0x457: {  	_ =	swait.ge [sflag:s24], $0xC000  }
0x458: {  	[sflag:s24] =	ssyncset.done $0x0  }
0x459: {  	[sflag:s24] =	ssyncadd.s32 $0xFFFF4000  }
0x45a: {  	p0 =	sne.s32 s1, $0x1;
	_ =	swait.ge [sflag:s24], $0xC000  }
.Ltmp0:
0x45b: {  	[sflag:s24] =	ssyncset.done $0x0;
	(pc) =	sbr.rel @p0 .LBB2_1-.Ltmp0, $4  }
0x45c: {  	[sflag:s24] =	ssyncadd.s32 $0xFFFF4000  }
0x45d: {  	_ =	swait.ge [sflag:s24], $0xC000  }
0x45e: {  	[sflag:s24] =	ssyncset.done $0x0  }
0x45f: {  	s1 =	sadd.s32 $0xFFFFFFFF, s1;
	[sflag:s24] =	ssyncadd.s32 $0xFFFF4000  }
0x460: {  	_ =	sfence.sel $0x180000  }
0x461: {  	[bflag:$0x0] =	sbarrier.arrive $0xFFFF  }
0x462: {  	_ =	strace $0x90000047  }
0x463: {  	s0 =	stileid.u32;
	[bflag:$0x2] =	sbarrier.arrive $0xFFFF  }
0x464: {  	p0 =	sne.s32 s0, $0x0;
	s0 =	rddreg [dreg:$0x1]  }
0x465: {  	s0 =	sadd.s32 @!p0 $0x100000, s0  }
0x466: {  	[sflag:s0] =	ssyncadd.tile.s32 @!p0 $0x1;
	_ =	shalt  }
.Lfunc_end2:
_tile_overlayer_lowered:
.L_overlay_start_2:
0x467: {  	(tag) =	ssettag $0x2  }
0x468: {  	s0 =	rddreg [dreg:$0x0];
	s2 =	stileid.u32  }
0x469: {  	s1 =	rddreg [dreg:$0x1];
	p0 =	sne.s32 s2, $0x0  }
0x46a: {  	s3 =	rddreg [dreg:$0x2];
	[bflag:$0x3] =	sbarrier.arrive $0xFFFF;
	s2 =	simm.s32 @!p0 $0x1C02  }
0x46b: {  	[timem:s3], [sflag:s2] =	dma.local @!p0 [hbm:s0], s1  }
0x46c: {  	s0 =	simm.s32 @!p0 $0x2  }
0x46d: {  	_ =	swait.ge @!p0 [sflag:s0], s1  }
0x46e: {  	s1 =	ssub.s32 @!p0 $0x0, s1;
	[sflag:s0] =	ssyncset.done @!p0 $0x0  }
0x46f: {  	[sflag:s0] =	ssyncadd.s32 @!p0 s1  }
0x470: {  	[bflag:$0x3] =	sbarrier.arrive $0xFFFF  }
0x471: {  	_ =	shalt  }

</sc_bundles>
